<compile_context>
chip_gen: v7x
topology: tpu7x:2x2x1
jax: 0.10.2.dev20260603
libtpu: 0.0.44.dev20260713+nightly
codegen_flags: <defaults>
</compile_context>

<pallas_src>
import functools

import jax
import jax.numpy as jnp
from jax import lax
from jax.experimental import pallas as pl
from jax.experimental.pallas import tpu as pltpu
from jax.experimental.pallas import tpu_sc as plsc

B = 16384
E = 32
NC, NS = 2, 16
NW = NC * NS
BPW = B // NW
L = 16

RB = 2048
NBLK = B // RB


def _sc_gather4(uid_h, iid_h, gu_t3, gi_t3, mu_t3, mi_t3):
  mesh = plsc.VectorSubcoreMesh(core_axis_name="c", subcore_axis_name="s")

  @functools.partial(
      pl.kernel,
      mesh=mesh,
      out_type=[jax.ShapeDtypeStruct((B, E), jnp.float32)] * 4,
      scratch_types=[
          pltpu.VMEM((BPW,), jnp.int32),
          pltpu.VMEM((BPW,), jnp.int32),
          pltpu.VMEM((BPW, E), jnp.float32),
          pltpu.SemaphoreType.DMA,
      ],
  )
  def k(uid_hb, iid_hb, gut_h, git_h, mut_h, mit_h,
        gu_o, gi_o, mu_o, mi_o,
        uid_v, iid_v, rows_v, sem):
    wid = lax.axis_index("s") * NC + lax.axis_index("c")
    base = wid * BPW
    pltpu.sync_copy(uid_hb.at[pl.ds(base, BPW)], uid_v)
    pltpu.sync_copy(iid_hb.at[pl.ds(base, BPW)], iid_v)
    out_sl = pl.ds(base, BPW)
    for tab_h, ids_v, out_h in ((gut_h, uid_v, gu_o), (git_h, iid_v, gi_o),
                                (mut_h, uid_v, mu_o), (mit_h, iid_v, mi_o)):
      def grp_body(g, _, tab_h=tab_h, ids_v=ids_v):
        idv = ids_v[pl.ds(g * L, L)]
        for l in range(L):
          idx = idv[l]
          t = lax.shift_right_logical(idx, 3)
          r = lax.bitwise_and(idx, 7)
          pltpu.async_copy(tab_h.at[t, r], rows_v.at[g * L + l], sem)
        return 0

      lax.fori_loop(0, BPW // L, grp_body, 0)
      pltpu.make_async_copy(out_h.at[out_sl], rows_v, sem).wait()
      pltpu.sync_copy(rows_v, out_h.at[out_sl])

  return k(uid_h, iid_h, gu_t3, gi_t3, mu_t3, mi_t3)


def _tc_body(gu_r, gi_r, mu_r, mi_r, w1_r, b1_r, w2_r, b2_r, wf_r, bf_r, out_r):
  w1 = w1_r[...]
  h1 = lax.dot_general(mu_r[...], w1[:, :E], (((1,), (1,)), ((), ())),
                       preferred_element_type=jnp.float32)
  h1 = h1 + lax.dot_general(mi_r[...], w1[:, E:], (((1,), (1,)), ((), ())),
                            preferred_element_type=jnp.float32)
  h1 = jnp.maximum(h1 + b1_r[...], 0.0)
  h2 = lax.dot_general(h1, w2_r[...], (((1,), (1,)), ((), ())),
                       preferred_element_type=jnp.float32)
  h2 = jnp.maximum(h2 + b2_r[...], 0.0)
  gmf = gu_r[...] * gi_r[...]
  wf = wf_r[...]
  p = lax.dot_general(gmf, wf[:, :E], (((1,), (1,)), ((), ())),
                      preferred_element_type=jnp.float32)
  p = p + lax.dot_general(h2, wf[:, E:], (((1,), (1,)), ((), ())),
                          preferred_element_type=jnp.float32)
  out_r[...] = jax.nn.sigmoid(p + bf_r[...])


def _tc_mlp(gu, gi, mu, mi, W1, b1, W2, b2, Wf, bf):
  row = pl.BlockSpec((RB, E), lambda i: (i, 0))
  full = lambda a: pl.BlockSpec(a.shape, lambda i: (0,) * a.ndim)
  out = pl.pallas_call(
      _tc_body,
      grid=(NBLK,),
      in_specs=[row, row, row, row,
                full(W1), full(b1), full(W2), full(b2), full(Wf), full(bf)],
      out_specs=pl.BlockSpec((RB, 1), lambda i: (i, 0)),
      out_shape=jax.ShapeDtypeStruct((B, 1), jnp.float32),
  )(gu, gi, mu, mi, W1, b1, W2, b2, Wf, bf)
  return out.reshape(B)


def kernel(user_ids, item_ids, gmf_user_table, gmf_item_table,
           mlp_user_table, mlp_item_table, W1, b1, W2, b2, Wf, bf):
  uid = user_ids.astype(jnp.int32)
  iid = item_ids.astype(jnp.int32)
  t3 = lambda t: t.reshape(t.shape[0] // 8, 8, E)
  gu, gi, mu, mi = _sc_gather4(uid, iid,
                               t3(gmf_user_table), t3(gmf_item_table),
                               t3(mlp_user_table), t3(mlp_item_table))
  return _tc_mlp(gu, gi, mu, mi,
                 W1, b1.reshape(1, 64), W2, b2.reshape(1, 32),
                 Wf, bf.reshape(1, 1))

# --- scband reference (transcript-rebuilt; emitter-appended) ---
"""Pipeline reference for scband-neural-collaborative-filtering-38912403702020 (READ-ONLY COPY).

The authoritative reference and input builder live on the scoring server;
editing this copy changes nothing except your own understanding.
"""

import jax, jax.numpy as jnp
import numpy as np

NUM_USERS = 1000000
NUM_ITEMS = 1000000
EMBED = 32
H1 = 64
H2 = 32
BATCH = 16384


def setup_inputs(seed: int = 0) -> dict:
    key = jax.random.key(seed)
    ks = jax.random.split(key, 16)
    user_ids = jax.random.randint(ks[0], (BATCH,), 0, NUM_USERS, dtype=jnp.int64 if jax.config.jax_enable_x64 else jnp.int32)
    item_ids = jax.random.randint(ks[1], (BATCH,), 0, NUM_ITEMS, dtype=jnp.int64 if jax.config.jax_enable_x64 else jnp.int32)
    gmf_user_table = jax.random.normal(ks[2], (NUM_USERS, EMBED), dtype=jnp.float32) * 0.02
    gmf_item_table = jax.random.normal(ks[3], (NUM_ITEMS, EMBED), dtype=jnp.float32) * 0.02
    mlp_user_table = jax.random.normal(ks[4], (NUM_USERS, EMBED), dtype=jnp.float32) * 0.02
    mlp_item_table = jax.random.normal(ks[5], (NUM_ITEMS, EMBED), dtype=jnp.float32) * 0.02
    W1 = jax.random.normal(ks[6], (H1, 2 * EMBED), dtype=jnp.float32) * (1.0 / np.sqrt(2 * EMBED))
    b1 = jnp.zeros((H1,), dtype=jnp.float32)
    W2 = jax.random.normal(ks[7], (H2, H1), dtype=jnp.float32) * (1.0 / np.sqrt(H1))
    b2 = jnp.zeros((H2,), dtype=jnp.float32)
    Wf = jax.random.normal(ks[8], (1, EMBED + H2), dtype=jnp.float32) * (1.0 / np.sqrt(EMBED + H2))
    bf = jnp.zeros((1,), dtype=jnp.float32)
    return {
        "user_ids": user_ids,
        "item_ids": item_ids,
        "gmf_user_table": gmf_user_table,
        "gmf_item_table": gmf_item_table,
        "mlp_user_table": mlp_user_table,
        "mlp_item_table": mlp_item_table,
        "W1": W1, "b1": b1,
        "W2": W2, "b2": b2,
        "Wf": Wf, "bf": bf,
    }


def reference(user_ids, item_ids, gmf_user_table, gmf_item_table,
              mlp_user_table, mlp_item_table, W1, b1, W2, b2, Wf, bf):
    # GMF branch: elementwise product of gathered embeddings
    gmf_user = jnp.take(gmf_user_table, user_ids, axis=0)
    gmf_item = jnp.take(gmf_item_table, item_ids, axis=0)
    gmf_output = gmf_user * gmf_item
    # MLP branch
    mlp_user = jnp.take(mlp_user_table, user_ids, axis=0)
    mlp_item = jnp.take(mlp_item_table, item_ids, axis=0)
    mlp_input = jnp.concatenate([mlp_user, mlp_item], axis=-1)
    h = jax.nn.relu(mlp_input @ W1.T + b1)
    h = jax.nn.relu(h @ W2.T + b2)
    combined = jnp.concatenate([gmf_output, h], axis=-1)
    prediction = combined @ Wf.T + bf
    return jax.nn.sigmoid(prediction).squeeze()

if __name__ == "__main__":
    import jax
    _d = setup_inputs()
    print(jax.jit(kernel)(*tuple(_d.values())))

</pallas_src>

<mosaic_0001>
#map = affine_map<(d0, d1) -> (0)>
#map1 = affine_map<(d0, d1) -> (0, 0, 0)>
#map2 = affine_map<(d0, d1) -> (0, 0)>
module attributes {stable_mosaic.version = 14 : i64} {
  func.func @k(%arg0: i32, %arg1: i32, %arg2: memref<16384xi32, #tpu.memory_space<hbm>>, %arg3: memref<16384xi32, #tpu.memory_space<hbm>>, %arg4: memref<125000x8x32xf32, #tpu.memory_space<hbm>>, %arg5: memref<125000x8x32xf32, #tpu.memory_space<hbm>>, %arg6: memref<125000x8x32xf32, #tpu.memory_space<hbm>>, %arg7: memref<125000x8x32xf32, #tpu.memory_space<hbm>>, %arg8: memref<16384x32xf32, #tpu.memory_space<hbm>>, %arg9: memref<16384x32xf32, #tpu.memory_space<hbm>>, %arg10: memref<16384x32xf32, #tpu.memory_space<hbm>>, %arg11: memref<16384x32xf32, #tpu.memory_space<hbm>>, %arg12: memref<512xi32, #tpu.memory_space<vmem>>, %arg13: memref<512xi32, #tpu.memory_space<vmem>>, %arg14: memref<512x32xf32, #tpu.memory_space<vmem>>, %arg15: memref<!tpu.dma_semaphore, #tpu.memory_space<semaphore_mem>>) attributes {dimension_semantics = [#tpu.dimension_semantics<core_parallel>, #tpu.dimension_semantics<subcore_parallel>], iteration_bounds = array<i64: 2, 16>, scalar_prefetch = 0 : i64, scratch_operands = 4 : i64, tpu.core_type = #tpu.core_type<sc_vector_subcore>, window_params = [{transform_indices = #map}, {transform_indices = #map}, {transform_indices = #map1}, {transform_indices = #map1}, {transform_indices = #map1}, {transform_indices = #map1}, {transform_indices = #map2}, {transform_indices = #map2}, {transform_indices = #map2}, {transform_indices = #map2}]} {
    %mul3A = arith.constant 2 : i32
    %mul3A_0 = arith.muli %arg1, %mul3A : i32
    %add3A = arith.addi %mul3A_0, %arg0 : i32
    %mul3A_1 = arith.constant 512 : i32
    %mul3A_2 = arith.muli %add3A, %mul3A_1 : i32
    "tpu.region"() ({
      %run_scoped3A = tpu.sem_alloc : memref<!tpu.dma_semaphore, #tpu.memory_space<semaphore_mem>>
      %dma_start3A = tpu.memref_slice %arg2[%mul3A_2] : memref<16384xi32, #tpu.memory_space<hbm>> -> memref<512xi32, #tpu.memory_space<hbm>>
      %dma_start3A_45 = tpu.memref_slice %arg2[%mul3A_2] : memref<16384xi32, #tpu.memory_space<hbm>> -> memref<512xi32, #tpu.memory_space<hbm>>
      tpu.enqueue_dma source(%dma_start3A_45 : memref<512xi32, #tpu.memory_space<hbm>>) target(%arg12 : memref<512xi32, #tpu.memory_space<vmem>>) target_semaphore(%run_scoped3A : memref<!tpu.dma_semaphore, #tpu.memory_space<semaphore_mem>>)
      %dma_wait3A_46 = tpu.memref_slice %arg2[%mul3A_2] : memref<16384xi32, #tpu.memory_space<hbm>> -> memref<512xi32, #tpu.memory_space<hbm>>
      %dma_wait3A_47 = tpu.memref_slice %arg2[%mul3A_2] : memref<16384xi32, #tpu.memory_space<hbm>> -> memref<512xi32, #tpu.memory_space<hbm>>
      tpu.wait_dma2 semaphore(%run_scoped3A : memref<!tpu.dma_semaphore, #tpu.memory_space<semaphore_mem>>) src(%dma_wait3A_47 : memref<512xi32, #tpu.memory_space<hbm>>) dst(%arg12 : memref<512xi32, #tpu.memory_space<vmem>>)
      tpu.yield
    }) : () -> ()
    "tpu.region"() ({
      %run_scoped3A = tpu.sem_alloc : memref<!tpu.dma_semaphore, #tpu.memory_space<semaphore_mem>>
      %dma_start3A = tpu.memref_slice %arg3[%mul3A_2] : memref<16384xi32, #tpu.memory_space<hbm>> -> memref<512xi32, #tpu.memory_space<hbm>>
      %dma_start3A_45 = tpu.memref_slice %arg3[%mul3A_2] : memref<16384xi32, #tpu.memory_space<hbm>> -> memref<512xi32, #tpu.memory_space<hbm>>
      tpu.enqueue_dma source(%dma_start3A_45 : memref<512xi32, #tpu.memory_space<hbm>>) target(%arg13 : memref<512xi32, #tpu.memory_space<vmem>>) target_semaphore(%run_scoped3A : memref<!tpu.dma_semaphore, #tpu.memory_space<semaphore_mem>>)
      %dma_wait3A_46 = tpu.memref_slice %arg3[%mul3A_2] : memref<16384xi32, #tpu.memory_space<hbm>> -> memref<512xi32, #tpu.memory_space<hbm>>
      %dma_wait3A_47 = tpu.memref_slice %arg3[%mul3A_2] : memref<16384xi32, #tpu.memory_space<hbm>> -> memref<512xi32, #tpu.memory_space<hbm>>
      tpu.wait_dma2 semaphore(%run_scoped3A : memref<!tpu.dma_semaphore, #tpu.memory_space<semaphore_mem>>) src(%dma_wait3A_47 : memref<512xi32, #tpu.memory_space<hbm>>) dst(%arg13 : memref<512xi32, #tpu.memory_space<vmem>>)
      tpu.yield
    }) : () -> ()
    %scan3A = arith.constant 0 : i32
    %scan3A_3 = arith.constant 0 : i32
    %scan3A_4 = arith.constant 32 : i32
    %scan3A_5 = arith.addi %scan3A_3, %scan3A_4 : i32
    %scan3A_6 = arith.constant 1 : i32
    %scan3A_7 = scf.for %scan3A_45 = %scan3A_3 to %scan3A_5 step %scan3A_6 iter_args(%scan3A_46 = %scan3A) -> (i32)  : i32 {
      %mul3A_47 = arith.constant 16 : i32
      %mul3A_48 = arith.muli %scan3A_45, %mul3A_47 : i32
      %get3A = arith.index_cast %mul3A_48 : i32 to index
      %get3A_49 = tpu.vector_load %arg12[%get3A] {strides = array<i32>} : memref<512xi32, #tpu.memory_space<vmem>>, vector<16xi32>,
      %get3A_50 = vector.shape_cast %get3A_49 : vector<16xi32> to vector<16xi32>
      %slice3A = vector.extract_strided_slice %get3A_50 {offsets = [0], sizes = [1], strides = [1]} : vector<16xi32> to vector<1xi32>
      %squeeze3A = vector.extract %slice3A[0] : i32 from vector<1xi32>
      %shift_right_logical3A = arith.constant 3 : i32
      %shift_right_logical3A_51 = arith.shrui %squeeze3A, %shift_right_logical3A : i32
      %and3A = arith.constant 7 : i32
      %and3A_52 = arith.andi %squeeze3A, %and3A : i32
      %mul3A_53 = arith.constant 16 : i32
      %mul3A_54 = arith.muli %scan3A_45, %mul3A_53 : i32
      %add3A_55 = arith.constant 0 : i32
      %add3A_56 = arith.addi %mul3A_54, %add3A_55 : i32
      %dma_start3A = arith.constant 0 : i32
      %dma_start3A_57 = tpu.memref_slice %arg14[%add3A_56, %dma_start3A] : memref<512x32xf32, #tpu.memory_space<vmem>> -> memref<1x32xf32, #tpu.memory_space<vmem>>
      %dma_start3A_58 = tpu.memref_squeeze %dma_start3A_57 : memref<1x32xf32, #tpu.memory_space<vmem>> -> memref<32xf32, #tpu.memory_space<vmem>>
      %dma_start3A_59 = arith.constant 0 : i32
      %dma_start3A_60 = tpu.memref_slice %arg4[%shift_right_logical3A_51, %and3A_52, %dma_start3A_59] : memref<125000x8x32xf32, #tpu.memory_space<hbm>> -> memref<1x1x32xf32, #tpu.memory_space<hbm>>
      %dma_start3A_61 = tpu.memref_squeeze %dma_start3A_60 : memref<1x1x32xf32, #tpu.memory_space<hbm>> -> memref<32xf32, #tpu.memory_space<hbm>>
      %dma_start3A_62 = arith.constant 0 : i32
      %dma_start3A_63 = tpu.memref_slice %arg14[%add3A_56, %dma_start3A_62] : memref<512x32xf32, #tpu.memory_space<vmem>> -> memref<1x32xf32, #tpu.memory_space<vmem>>
      %dma_start3A_64 = tpu.memref_squeeze %dma_start3A_63 : memref<1x32xf32, #tpu.memory_space<vmem>> -> memref<32xf32, #tpu.memory_space<vmem>>
      %dma_start3A_65 = arith.constant 0 : i32
      %dma_start3A_66 = tpu.memref_slice %arg4[%shift_right_logical3A_51, %and3A_52, %dma_start3A_65] : memref<125000x8x32xf32, #tpu.memory_space<hbm>> -> memref<1x1x32xf32, #tpu.memory_space<hbm>>
      %dma_start3A_67 = tpu.memref_squeeze %dma_start3A_66 : memref<1x1x32xf32, #tpu.memory_space<hbm>> -> memref<32xf32, #tpu.memory_space<hbm>>
      tpu.enqueue_dma source(%dma_start3A_67 : memref<32xf32, #tpu.memory_space<hbm>>) target(%dma_start3A_64 : memref<32xf32, #tpu.memory_space<vmem>>) target_semaphore(%arg15 : memref<!tpu.dma_semaphore, #tpu.memory_space<semaphore_mem>>)
      %slice3A_68 = vector.extract_strided_slice %get3A_50 {offsets = [1], sizes = [1], strides = [1]} : vector<16xi32> to vector<1xi32>
      %squeeze3A_69 = vector.extract %slice3A_68[0] : i32 from vector<1xi32>
      %shift_right_logical3A_70 = arith.constant 3 : i32
      %shift_right_logical3A_71 = arith.shrui %squeeze3A_69, %shift_right_logical3A_70 : i32
      %and3A_72 = arith.constant 7 : i32
      %and3A_73 = arith.andi %squeeze3A_69, %and3A_72 : i32
      %mul3A_74 = arith.constant 16 : i32
      %mul3A_75 = arith.muli %scan3A_45, %mul3A_74 : i32
      %add3A_76 = arith.constant 1 : i32
      %add3A_77 = arith.addi %mul3A_75, %add3A_76 : i32
      %dma_start3A_78 = arith.constant 0 : i32
      %dma_start3A_79 = tpu.memref_slice %arg14[%add3A_77, %dma_start3A_78] : memref<512x32xf32, #tpu.memory_space<vmem>> -> memref<1x32xf32, #tpu.memory_space<vmem>>
      %dma_start3A_80 = tpu.memref_squeeze %dma_start3A_79 : memref<1x32xf32, #tpu.memory_space<vmem>> -> memref<32xf32, #tpu.memory_space<vmem>>
      %dma_start3A_81 = arith.constant 0 : i32
      %dma_start3A_82 = tpu.memref_slice %arg4[%shift_right_logical3A_71, %and3A_73, %dma_start3A_81] : memref<125000x8x32xf32, #tpu.memory_space<hbm>> -> memref<1x1x32xf32, #tpu.memory_space<hbm>>
      %dma_start3A_83 = tpu.memref_squeeze %dma_start3A_82 : memref<1x1x32xf32, #tpu.memory_space<hbm>> -> memref<32xf32, #tpu.memory_space<hbm>>
      %dma_start3A_84 = arith.constant 0 : i32
      %dma_start3A_85 = tpu.memref_slice %arg14[%add3A_77, %dma_start3A_84] : memref<512x32xf32, #tpu.memory_space<vmem>> -> memref<1x32xf32, #tpu.memory_space<vmem>>
      %dma_start3A_86 = tpu.memref_squeeze %dma_start3A_85 : memref<1x32xf32, #tpu.memory_space<vmem>> -> memref<32xf32, #tpu.memory_space<vmem>>
      %dma_start3A_87 = arith.constant 0 : i32
      %dma_start3A_88 = tpu.memref_slice %arg4[%shift_right_logical3A_71, %and3A_73, %dma_start3A_87] : memref<125000x8x32xf32, #tpu.memory_space<hbm>> -> memref<1x1x32xf32, #tpu.memory_space<hbm>>
      %dma_start3A_89 = tpu.memref_squeeze %dma_start3A_88 : memref<1x1x32xf32, #tpu.memory_space<hbm>> -> memref<32xf32, #tpu.memory_space<hbm>>
      tpu.enqueue_dma source(%dma_start3A_89 : memref<32xf32, #tpu.memory_space<hbm>>) target(%dma_start3A_86 : memref<32xf32, #tpu.memory_space<vmem>>) target_semaphore(%arg15 : memref<!tpu.dma_semaphore, #tpu.memory_space<semaphore_mem>>)
      %slice3A_90 = vector.extract_strided_slice %get3A_50 {offsets = [2], sizes = [1], strides = [1]} : vector<16xi32> to vector<1xi32>
      %squeeze3A_91 = vector.extract %slice3A_90[0] : i32 from vector<1xi32>
      %shift_right_logical3A_92 = arith.constant 3 : i32
      %shift_right_logical3A_93 = arith.shrui %squeeze3A_91, %shift_right_logical3A_92 : i32
      %and3A_94 = arith.constant 7 : i32
      %and3A_95 = arith.andi %squeeze3A_91, %and3A_94 : i32
      %mul3A_96 = arith.constant 16 : i32
      %mul3A_97 = arith.muli %scan3A_45, %mul3A_96 : i32
      %add3A_98 = arith.constant 2 : i32
      %add3A_99 = arith.addi %mul3A_97, %add3A_98 : i32
      %dma_start3A_100 = arith.constant 0 : i32
      %dma_start3A_101 = tpu.memref_slice %arg14[%add3A_99, %dma_start3A_100] : memref<512x32xf32, #tpu.memory_space<vmem>> -> memref<1x32xf32, #tpu.memory_space<vmem>>
      %dma_start3A_102 = tpu.memref_squeeze %dma_start3A_101 : memref<1x32xf32, #tpu.memory_space<vmem>> -> memref<32xf32, #tpu.memory_space<vmem>>
      %dma_start3A_103 = arith.constant 0 : i32
      %dma_start3A_104 = tpu.memref_slice %arg4[%shift_right_logical3A_93, %and3A_95, %dma_start3A_103] : memref<125000x8x32xf32, #tpu.memory_space<hbm>> -> memref<1x1x32xf32, #tpu.memory_space<hbm>>
      %dma_start3A_105 = tpu.memref_squeeze %dma_start3A_104 : memref<1x1x32xf32, #tpu.memory_space<hbm>> -> memref<32xf32, #tpu.memory_space<hbm>>
      %dma_start3A_106 = arith.constant 0 : i32
      %dma_start3A_107 = tpu.memref_slice %arg14[%add3A_99, %dma_start3A_106] : memref<512x32xf32, #tpu.memory_space<vmem>> -> memref<1x32xf32, #tpu.memory_space<vmem>>
      %dma_start3A_108 = tpu.memref_squeeze %dma_start3A_107 : memref<1x32xf32, #tpu.memory_space<vmem>> -> memref<32xf32, #tpu.memory_space<vmem>>
      %dma_start3A_109 = arith.constant 0 : i32
      %dma_start3A_110 = tpu.memref_slice %arg4[%shift_right_logical3A_93, %and3A_95, %dma_start3A_109] : memref<125000x8x32xf32, #tpu.memory_space<hbm>> -> memref<1x1x32xf32, #tpu.memory_space<hbm>>
      %dma_start3A_111 = tpu.memref_squeeze %dma_start3A_110 : memref<1x1x32xf32, #tpu.memory_space<hbm>> -> memref<32xf32, #tpu.memory_space<hbm>>
      tpu.enqueue_dma source(%dma_start3A_111 : memref<32xf32, #tpu.memory_space<hbm>>) target(%dma_start3A_108 : memref<32xf32, #tpu.memory_space<vmem>>) target_semaphore(%arg15 : memref<!tpu.dma_semaphore, #tpu.memory_space<semaphore_mem>>)
      %slice3A_112 = vector.extract_strided_slice %get3A_50 {offsets = [3], sizes = [1], strides = [1]} : vector<16xi32> to vector<1xi32>
      %squeeze3A_113 = vector.extract %slice3A_112[0] : i32 from vector<1xi32>
      %shift_right_logical3A_114 = arith.constant 3 : i32
      %shift_right_logical3A_115 = arith.shrui %squeeze3A_113, %shift_right_logical3A_114 : i32
      %and3A_116 = arith.constant 7 : i32
      %and3A_117 = arith.andi %squeeze3A_113, %and3A_116 : i32
      %mul3A_118 = arith.constant 16 : i32
      %mul3A_119 = arith.muli %scan3A_45, %mul3A_118 : i32
      %add3A_120 = arith.constant 3 : i32
      %add3A_121 = arith.addi %mul3A_119, %add3A_120 : i32
      %dma_start3A_122 = arith.constant 0 : i32
      %dma_start3A_123 = tpu.memref_slice %arg14[%add3A_121, %dma_start3A_122] : memref<512x32xf32, #tpu.memory_space<vmem>> -> memref<1x32xf32, #tpu.memory_space<vmem>>
      %dma_start3A_124 = tpu.memref_squeeze %dma_start3A_123 : memref<1x32xf32, #tpu.memory_space<vmem>> -> memref<32xf32, #tpu.memory_space<vmem>>
      %dma_start3A_125 = arith.constant 0 : i32
      %dma_start3A_126 = tpu.memref_slice %arg4[%shift_right_logical3A_115, %and3A_117, %dma_start3A_125] : memref<125000x8x32xf32, #tpu.memory_space<hbm>> -> memref<1x1x32xf32, #tpu.memory_space<hbm>>
      %dma_start3A_127 = tpu.memref_squeeze %dma_start3A_126 : memref<1x1x32xf32, #tpu.memory_space<hbm>> -> memref<32xf32, #tpu.memory_space<hbm>>
      %dma_start3A_128 = arith.constant 0 : i32
      %dma_start3A_129 = tpu.memref_slice %arg14[%add3A_121, %dma_start3A_128] : memref<512x32xf32, #tpu.memory_space<vmem>> -> memref<1x32xf32, #tpu.memory_space<vmem>>
      %dma_start3A_130 = tpu.memref_squeeze %dma_start3A_129 : memref<1x32xf32, #tpu.memory_space<vmem>> -> memref<32xf32, #tpu.memory_space<vmem>>
      %dma_start3A_131 = arith.constant 0 : i32
      %dma_start3A_132 = tpu.memref_slice %arg4[%shift_right_logical3A_115, %and3A_117, %dma_start3A_131] : memref<125000x8x32xf32, #tpu.memory_space<hbm>> -> memref<1x1x32xf32, #tpu.memory_space<hbm>>
      %dma_start3A_133 = tpu.memref_squeeze %dma_start3A_132 : memref<1x1x32xf32, #tpu.memory_space<hbm>> -> memref<32xf32, #tpu.memory_space<hbm>>
      tpu.enqueue_dma source(%dma_start3A_133 : memref<32xf32, #tpu.memory_space<hbm>>) target(%dma_start3A_130 : memref<32xf32, #tpu.memory_space<vmem>>) target_semaphore(%arg15 : memref<!tpu.dma_semaphore, #tpu.memory_space<semaphore_mem>>)
      %slice3A_134 = vector.extract_strided_slice %get3A_50 {offsets = [4], sizes = [1], strides = [1]} : vector<16xi32> to vector<1xi32>
      %squeeze3A_135 = vector.extract %slice3A_134[0] : i32 from vector<1xi32>
      %shift_right_logical3A_136 = arith.constant 3 : i32
      %shift_right_logical3A_137 = arith.shrui %squeeze3A_135, %shift_right_logical3A_136 : i32
      %and3A_138 = arith.constant 7 : i32
      %and3A_139 = arith.andi %squeeze3A_135, %and3A_138 : i32
      %mul3A_140 = arith.constant 16 : i32
      %mul3A_141 = arith.muli %scan3A_45, %mul3A_140 : i32
      %add3A_142 = arith.constant 4 : i32
      %add3A_143 = arith.addi %mul3A_141, %add3A_142 : i32
      %dma_start3A_144 = arith.constant 0 : i32
      %dma_start3A_145 = tpu.memref_slice %arg14[%add3A_143, %dma_start3A_144] : memref<512x32xf32, #tpu.memory_space<vmem>> -> memref<1x32xf32, #tpu.memory_space<vmem>>
      %dma_start3A_146 = tpu.memref_squeeze %dma_start3A_145 : memref<1x32xf32, #tpu.memory_space<vmem>> -> memref<32xf32, #tpu.memory_space<vmem>>
      %dma_start3A_147 = arith.constant 0 : i32
      %dma_start3A_148 = tpu.memref_slice %arg4[%shift_right_logical3A_137, %and3A_139, %dma_start3A_147] : memref<125000x8x32xf32, #tpu.memory_space<hbm>> -> memref<1x1x32xf32, #tpu.memory_space<hbm>>
      %dma_start3A_149 = tpu.memref_squeeze %dma_start3A_148 : memref<1x1x32xf32, #tpu.memory_space<hbm>> -> memref<32xf32, #tpu.memory_space<hbm>>
      %dma_start3A_150 = arith.constant 0 : i32
      %dma_start3A_151 = tpu.memref_slice %arg14[%add3A_143, %dma_start3A_150] : memref<512x32xf32, #tpu.memory_space<vmem>> -> memref<1x32xf32, #tpu.memory_space<vmem>>
      %dma_start3A_152 = tpu.memref_squeeze %dma_start3A_151 : memref<1x32xf32, #tpu.memory_space<vmem>> -> memref<32xf32, #tpu.memory_space<vmem>>
      %dma_start3A_153 = arith.constant 0 : i32
      %dma_start3A_154 = tpu.memref_slice %arg4[%shift_right_logical3A_137, %and3A_139, %dma_start3A_153] : memref<125000x8x32xf32, #tpu.memory_space<hbm>> -> memref<1x1x32xf32, #tpu.memory_space<hbm>>
      %dma_start3A_155 = tpu.memref_squeeze %dma_start3A_154 : memref<1x1x32xf32, #tpu.memory_space<hbm>> -> memref<32xf32, #tpu.memory_space<hbm>>
      tpu.enqueue_dma source(%dma_start3A_155 : memref<32xf32, #tpu.memory_space<hbm>>) target(%dma_start3A_152 : memref<32xf32, #tpu.memory_space<vmem>>) target_semaphore(%arg15 : memref<!tpu.dma_semaphore, #tpu.memory_space<semaphore_mem>>)
      %slice3A_156 = vector.extract_strided_slice %get3A_50 {offsets = [5], sizes = [1], strides = [1]} : vector<16xi32> to vector<1xi32>
      %squeeze3A_157 = vector.extract %slice3A_156[0] : i32 from vector<1xi32>
      %shift_right_logical3A_158 = arith.constant 3 : i32
      %shift_right_logical3A_159 = arith.shrui %squeeze3A_157, %shift_right_logical3A_158 : i32
      %and3A_160 = arith.constant 7 : i32
      %and3A_161 = arith.andi %squeeze3A_157, %and3A_160 : i32
      %mul3A_162 = arith.constant 16 : i32
      %mul3A_163 = arith.muli %scan3A_45, %mul3A_162 : i32
      %add3A_164 = arith.constant 5 : i32
      %add3A_165 = arith.addi %mul3A_163, %add3A_164 : i32
      %dma_start3A_166 = arith.constant 0 : i32
      %dma_start3A_167 = tpu.memref_slice %arg14[%add3A_165, %dma_start3A_166] : memref<512x32xf32, #tpu.memory_space<vmem>> -> memref<1x32xf32, #tpu.memory_space<vmem>>
      %dma_start3A_168 = tpu.memref_squeeze %dma_start3A_167 : memref<1x32xf32, #tpu.memory_space<vmem>> -> memref<32xf32, #tpu.memory_space<vmem>>
      %dma_start3A_169 = arith.constant 0 : i32
      %dma_start3A_170 = tpu.memref_slice %arg4[%shift_right_logical3A_159, %and3A_161, %dma_start3A_169] : memref<125000x8x32xf32, #tpu.memory_space<hbm>> -> memref<1x1x32xf32, #tpu.memory_space<hbm>>
      %dma_start3A_171 = tpu.memref_squeeze %dma_start3A_170 : memref<1x1x32xf32, #tpu.memory_space<hbm>> -> memref<32xf32, #tpu.memory_space<hbm>>
      %dma_start3A_172 = arith.constant 0 : i32
      %dma_start3A_173 = tpu.memref_slice %arg14[%add3A_165, %dma_start3A_172] : memref<512x32xf32, #tpu.memory_space<vmem>> -> memref<1x32xf32, #tpu.memory_space<vmem>>
      %dma_start3A_174 = tpu.memref_squeeze %dma_start3A_173 : memref<1x32xf32, #tpu.memory_space<vmem>> -> memref<32xf32, #tpu.memory_space<vmem>>
      %dma_start3A_175 = arith.constant 0 : i32
      %dma_start3A_176 = tpu.memref_slice %arg4[%shift_right_logical3A_159, %and3A_161, %dma_start3A_175] : memref<125000x8x32xf32, #tpu.memory_space<hbm>> -> memref<1x1x32xf32, #tpu.memory_space<hbm>>
      %dma_start3A_177 = tpu.memref_squeeze %dma_start3A_176 : memref<1x1x32xf32, #tpu.memory_space<hbm>> -> memref<32xf32, #tpu.memory_space<hbm>>
      tpu.enqueue_dma source(%dma_start3A_177 : memref<32xf32, #tpu.memory_space<hbm>>) target(%dma_start3A_174 : memref<32xf32, #tpu.memory_space<vmem>>) target_semaphore(%arg15 : memref<!tpu.dma_semaphore, #tpu.memory_space<semaphore_mem>>)
      %slice3A_178 = vector.extract_strided_slice %get3A_50 {offsets = [6], sizes = [1], strides = [1]} : vector<16xi32> to vector<1xi32>
      %squeeze3A_179 = vector.extract %slice3A_178[0] : i32 from vector<1xi32>
      %shift_right_logical3A_180 = arith.constant 3 : i32
      %shift_right_logical3A_181 = arith.shrui %squeeze3A_179, %shift_right_logical3A_180 : i32
      %and3A_182 = arith.constant 7 : i32
      %and3A_183 = arith.andi %squeeze3A_179, %and3A_182 : i32
      %mul3A_184 = arith.constant 16 : i32
      %mul3A_185 = arith.muli %scan3A_45, %mul3A_184 : i32
      %add3A_186 = arith.constant 6 : i32
      %add3A_187 = arith.addi %mul3A_185, %add3A_186 : i32
      %dma_start3A_188 = arith.constant 0 : i32
      %dma_start3A_189 = tpu.memref_slice %arg14[%add3A_187, %dma_start3A_188] : memref<512x32xf32, #tpu.memory_space<vmem>> -> memref<1x32xf32, #tpu.memory_space<vmem>>
      %dma_start3A_190 = tpu.memref_squeeze %dma_start3A_189 : memref<1x32xf32, #tpu.memory_space<vmem>> -> memref<32xf32, #tpu.memory_space<vmem>>
      %dma_start3A_191 = arith.constant 0 : i32
      %dma_start3A_192 = tpu.memref_slice %arg4[%shift_right_logical3A_181, %and3A_183, %dma_start3A_191] : memref<125000x8x32xf32, #tpu.memory_space<hbm>> -> memref<1x1x32xf32, #tpu.memory_space<hbm>>
      %dma_start3A_193 = tpu.memref_squeeze %dma_start3A_192 : memref<1x1x32xf32, #tpu.memory_space<hbm>> -> memref<32xf32, #tpu.memory_space<hbm>>
      %dma_start3A_194 = arith.constant 0 : i32
      %dma_start3A_195 = tpu.memref_slice %arg14[%add3A_187, %dma_start3A_194] : memref<512x32xf32, #tpu.memory_space<vmem>> -> memref<1x32xf32, #tpu.memory_space<vmem>>
      %dma_start3A_196 = tpu.memref_squeeze %dma_start3A_195 : memref<1x32xf32, #tpu.memory_space<vmem>> -> memref<32xf32, #tpu.memory_space<vmem>>
      %dma_start3A_197 = arith.constant 0 : i32
      %dma_start3A_198 = tpu.memref_slice %arg4[%shift_right_logical3A_181, %and3A_183, %dma_start3A_197] : memref<125000x8x32xf32, #tpu.memory_space<hbm>> -> memref<1x1x32xf32, #tpu.memory_space<hbm>>
      %dma_start3A_199 = tpu.memref_squeeze %dma_start3A_198 : memref<1x1x32xf32, #tpu.memory_space<hbm>> -> memref<32xf32, #tpu.memory_space<hbm>>
      tpu.enqueue_dma source(%dma_start3A_199 : memref<32xf32, #tpu.memory_space<hbm>>) target(%dma_start3A_196 : memref<32xf32, #tpu.memory_space<vmem>>) target_semaphore(%arg15 : memref<!tpu.dma_semaphore, #tpu.memory_space<semaphore_mem>>)
      %slice3A_200 = vector.extract_strided_slice %get3A_50 {offsets = [7], sizes = [1], strides = [1]} : vector<16xi32> to vector<1xi32>
      %squeeze3A_201 = vector.extract %slice3A_200[0] : i32 from vector<1xi32>
      %shift_right_logical3A_202 = arith.constant 3 : i32
      %shift_right_logical3A_203 = arith.shrui %squeeze3A_201, %shift_right_logical3A_202 : i32
      %and3A_204 = arith.constant 7 : i32
      %and3A_205 = arith.andi %squeeze3A_201, %and3A_204 : i32
      %mul3A_206 = arith.constant 16 : i32
      %mul3A_207 = arith.muli %scan3A_45, %mul3A_206 : i32
      %add3A_208 = arith.constant 7 : i32
      %add3A_209 = arith.addi %mul3A_207, %add3A_208 : i32
      %dma_start3A_210 = arith.constant 0 : i32
      %dma_start3A_211 = tpu.memref_slice %arg14[%add3A_209, %dma_start3A_210] : memref<512x32xf32, #tpu.memory_space<vmem>> -> memref<1x32xf32, #tpu.memory_space<vmem>>
      %dma_start3A_212 = tpu.memref_squeeze %dma_start3A_211 : memref<1x32xf32, #tpu.memory_space<vmem>> -> memref<32xf32, #tpu.memory_space<vmem>>
      %dma_start3A_213 = arith.constant 0 : i32
      %dma_start3A_214 = tpu.memref_slice %arg4[%shift_right_logical3A_203, %and3A_205, %dma_start3A_213] : memref<125000x8x32xf32, #tpu.memory_space<hbm>> -> memref<1x1x32xf32, #tpu.memory_space<hbm>>
      %dma_start3A_215 = tpu.memref_squeeze %dma_start3A_214 : memref<1x1x32xf32, #tpu.memory_space<hbm>> -> memref<32xf32, #tpu.memory_space<hbm>>
      %dma_start3A_216 = arith.constant 0 : i32
      %dma_start3A_217 = tpu.memref_slice %arg14[%add3A_209, %dma_start3A_216] : memref<512x32xf32, #tpu.memory_space<vmem>> -> memref<1x32xf32, #tpu.memory_space<vmem>>
      %dma_start3A_218 = tpu.memref_squeeze %dma_start3A_217 : memref<1x32xf32, #tpu.memory_space<vmem>> -> memref<32xf32, #tpu.memory_space<vmem>>
      %dma_start3A_219 = arith.constant 0 : i32
      %dma_start3A_220 = tpu.memref_slice %arg4[%shift_right_logical3A_203, %and3A_205, %dma_start3A_219] : memref<125000x8x32xf32, #tpu.memory_space<hbm>> -> memref<1x1x32xf32, #tpu.memory_space<hbm>>
      %dma_start3A_221 = tpu.memref_squeeze %dma_start3A_220 : memref<1x1x32xf32, #tpu.memory_space<hbm>> -> memref<32xf32, #tpu.memory_space<hbm>>
      tpu.enqueue_dma source(%dma_start3A_221 : memref<32xf32, #tpu.memory_space<hbm>>) target(%dma_start3A_218 : memref<32xf32, #tpu.memory_space<vmem>>) target_semaphore(%arg15 : memref<!tpu.dma_semaphore, #tpu.memory_space<semaphore_mem>>)
      %slice3A_222 = vector.extract_strided_slice %get3A_50 {offsets = [8], sizes = [1], strides = [1]} : vector<16xi32> to vector<1xi32>
      %squeeze3A_223 = vector.extract %slice3A_222[0] : i32 from vector<1xi32>
      %shift_right_logical3A_224 = arith.constant 3 : i32
      %shift_right_logical3A_225 = arith.shrui %squeeze3A_223, %shift_right_logical3A_224 : i32
      %and3A_226 = arith.constant 7 : i32
      %and3A_227 = arith.andi %squeeze3A_223, %and3A_226 : i32
      %mul3A_228 = arith.constant 16 : i32
      %mul3A_229 = arith.muli %scan3A_45, %mul3A_228 : i32
      %add3A_230 = arith.constant 8 : i32
      %add3A_231 = arith.addi %mul3A_229, %add3A_230 : i32
      %dma_start3A_232 = arith.constant 0 : i32
      %dma_start3A_233 = tpu.memref_slice %arg14[%add3A_231, %dma_start3A_232] : memref<512x32xf32, #tpu.memory_space<vmem>> -> memref<1x32xf32, #tpu.memory_space<vmem>>
      %dma_start3A_234 = tpu.memref_squeeze %dma_start3A_233 : memref<1x32xf32, #tpu.memory_space<vmem>> -> memref<32xf32, #tpu.memory_space<vmem>>
      %dma_start3A_235 = arith.constant 0 : i32
      %dma_start3A_236 = tpu.memref_slice %arg4[%shift_right_logical3A_225, %and3A_227, %dma_start3A_235] : memref<125000x8x32xf32, #tpu.memory_space<hbm>> -> memref<1x1x32xf32, #tpu.memory_space<hbm>>
      %dma_start3A_237 = tpu.memref_squeeze %dma_start3A_236 : memref<1x1x32xf32, #tpu.memory_space<hbm>> -> memref<32xf32, #tpu.memory_space<hbm>>
      %dma_start3A_238 = arith.constant 0 : i32
      %dma_start3A_239 = tpu.memref_slice %arg14[%add3A_231, %dma_start3A_238] : memref<512x32xf32, #tpu.memory_space<vmem>> -> memref<1x32xf32, #tpu.memory_space<vmem>>
      %dma_start3A_240 = tpu.memref_squeeze %dma_start3A_239 : memref<1x32xf32, #tpu.memory_space<vmem>> -> memref<32xf32, #tpu.memory_space<vmem>>
      %dma_start3A_241 = arith.constant 0 : i32
      %dma_start3A_242 = tpu.memref_slice %arg4[%shift_right_logical3A_225, %and3A_227, %dma_start3A_241] : memref<125000x8x32xf32, #tpu.memory_space<hbm>> -> memref<1x1x32xf32, #tpu.memory_space<hbm>>
      %dma_start3A_243 = tpu.memref_squeeze %dma_start3A_242 : memref<1x1x32xf32, #tpu.memory_space<hbm>> -> memref<32xf32, #tpu.memory_space<hbm>>
      tpu.enqueue_dma source(%dma_start3A_243 : memref<32xf32, #tpu.memory_space<hbm>>) target(%dma_start3A_240 : memref<32xf32, #tpu.memory_space<vmem>>) target_semaphore(%arg15 : memref<!tpu.dma_semaphore, #tpu.memory_space<semaphore_mem>>)
      %slice3A_244 = vector.extract_strided_slice %get3A_50 {offsets = [9], sizes = [1], strides = [1]} : vector<16xi32> to vector<1xi32>
      %squeeze3A_245 = vector.extract %slice3A_244[0] : i32 from vector<1xi32>
      %shift_right_logical3A_246 = arith.constant 3 : i32
      %shift_right_logical3A_247 = arith.shrui %squeeze3A_245, %shift_right_logical3A_246 : i32
      %and3A_248 = arith.constant 7 : i32
      %and3A_249 = arith.andi %squeeze3A_245, %and3A_248 : i32
      %mul3A_250 = arith.constant 16 : i32
      %mul3A_251 = arith.muli %scan3A_45, %mul3A_250 : i32
      %add3A_252 = arith.constant 9 : i32
      %add3A_253 = arith.addi %mul3A_251, %add3A_252 : i32
      %dma_start3A_254 = arith.constant 0 : i32
      %dma_start3A_255 = tpu.memref_slice %arg14[%add3A_253, %dma_start3A_254] : memref<512x32xf32, #tpu.memory_space<vmem>> -> memref<1x32xf32, #tpu.memory_space<vmem>>
      %dma_start3A_256 = tpu.memref_squeeze %dma_start3A_255 : memref<1x32xf32, #tpu.memory_space<vmem>> -> memref<32xf32, #tpu.memory_space<vmem>>
      %dma_start3A_257 = arith.constant 0 : i32
      %dma_start3A_258 = tpu.memref_slice %arg4[%shift_right_logical3A_247, %and3A_249, %dma_start3A_257] : memref<125000x8x32xf32, #tpu.memory_space<hbm>> -> memref<1x1x32xf32, #tpu.memory_space<hbm>>
      %dma_start3A_259 = tpu.memref_squeeze %dma_start3A_258 : memref<1x1x32xf32, #tpu.memory_space<hbm>> -> memref<32xf32, #tpu.memory_space<hbm>>
      %dma_start3A_260 = arith.constant 0 : i32
      %dma_start3A_261 = tpu.memref_slice %arg14[%add3A_253, %dma_start3A_260] : memref<512x32xf32, #tpu.memory_space<vmem>> -> memref<1x32xf32, #tpu.memory_space<vmem>>
      %dma_start3A_262 = tpu.memref_squeeze %dma_start3A_261 : memref<1x32xf32, #tpu.memory_space<vmem>> -> memref<32xf32, #tpu.memory_space<vmem>>
      %dma_start3A_263 = arith.constant 0 : i32
      %dma_start3A_264 = tpu.memref_slice %arg4[%shift_right_logical3A_247, %and3A_249, %dma_start3A_263] : memref<125000x8x32xf32, #tpu.memory_space<hbm>> -> memref<1x1x32xf32, #tpu.memory_space<hbm>>
      %dma_start3A_265 = tpu.memref_squeeze %dma_start3A_264 : memref<1x1x32xf32, #tpu.memory_space<hbm>> -> memref<32xf32, #tpu.memory_space<hbm>>
      tpu.enqueue_dma source(%dma_start3A_265 : memref<32xf32, #tpu.memory_space<hbm>>) target(%dma_start3A_262 : memref<32xf32, #tpu.memory_space<vmem>>) target_semaphore(%arg15 : memref<!tpu.dma_semaphore, #tpu.memory_space<semaphore_mem>>)
      %slice3A_266 = vector.extract_strided_slice %get3A_50 {offsets = [10], sizes = [1], strides = [1]} : vector<16xi32> to vector<1xi32>
      %squeeze3A_267 = vector.extract %slice3A_266[0] : i32 from vector<1xi32>
      %shift_right_logical3A_268 = arith.constant 3 : i32
      %shift_right_logical3A_269 = arith.shrui %squeeze3A_267, %shift_right_logical3A_268 : i32
      %and3A_270 = arith.constant 7 : i32
      %and3A_271 = arith.andi %squeeze3A_267, %and3A_270 : i32
      %mul3A_272 = arith.constant 16 : i32
      %mul3A_273 = arith.muli %scan3A_45, %mul3A_272 : i32
      %add3A_274 = arith.constant 10 : i32
      %add3A_275 = arith.addi %mul3A_273, %add3A_274 : i32
      %dma_start3A_276 = arith.constant 0 : i32
      %dma_start3A_277 = tpu.memref_slice %arg14[%add3A_275, %dma_start3A_276] : memref<512x32xf32, #tpu.memory_space<vmem>> -> memref<1x32xf32, #tpu.memory_space<vmem>>
      %dma_start3A_278 = tpu.memref_squeeze %dma_start3A_277 : memref<1x32xf32, #tpu.memory_space<vmem>> -> memref<32xf32, #tpu.memory_space<vmem>>
      %dma_start3A_279 = arith.constant 0 : i32
      %dma_start3A_280 = tpu.memref_slice %arg4[%shift_right_logical3A_269, %and3A_271, %dma_start3A_279] : memref<125000x8x32xf32, #tpu.memory_space<hbm>> -> memref<1x1x32xf32, #tpu.memory_space<hbm>>
      %dma_start3A_281 = tpu.memref_squeeze %dma_start3A_280 : memref<1x1x32xf32, #tpu.memory_space<hbm>> -> memref<32xf32, #tpu.memory_space<hbm>>
      %dma_start3A_282 = arith.constant 0 : i32
      %dma_start3A_283 = tpu.memref_slice %arg14[%add3A_275, %dma_start3A_282] : memref<512x32xf32, #tpu.memory_space<vmem>> -> memref<1x32xf32, #tpu.memory_space<vmem>>
      %dma_start3A_284 = tpu.memref_squeeze %dma_start3A_283 : memref<1x32xf32, #tpu.memory_space<vmem>> -> memref<32xf32, #tpu.memory_space<vmem>>
      %dma_start3A_285 = arith.constant 0 : i32
      %dma_start3A_286 = tpu.memref_slice %arg4[%shift_right_logical3A_269, %and3A_271, %dma_start3A_285] : memref<125000x8x32xf32, #tpu.memory_space<hbm>> -> memref<1x1x32xf32, #tpu.memory_space<hbm>>
      %dma_start3A_287 = tpu.memref_squeeze %dma_start3A_286 : memref<1x1x32xf32, #tpu.memory_space<hbm>> -> memref<32xf32, #tpu.memory_space<hbm>>
      tpu.enqueue_dma source(%dma_start3A_287 : memref<32xf32, #tpu.memory_space<hbm>>) target(%dma_start3A_284 : memref<32xf32, #tpu.memory_space<vmem>>) target_semaphore(%arg15 : memref<!tpu.dma_semaphore, #tpu.memory_space<semaphore_mem>>)
      %slice3A_288 = vector.extract_strided_slice %get3A_50 {offsets = [11], sizes = [1], strides = [1]} : vector<16xi32> to vector<1xi32>
      %squeeze3A_289 = vector.extract %slice3A_288[0] : i32 from vector<1xi32>
      %shift_right_logical3A_290 = arith.constant 3 : i32
      %shift_right_logical3A_291 = arith.shrui %squeeze3A_289, %shift_right_logical3A_290 : i32
      %and3A_292 = arith.constant 7 : i32
      %and3A_293 = arith.andi %squeeze3A_289, %and3A_292 : i32
      %mul3A_294 = arith.constant 16 : i32
      %mul3A_295 = arith.muli %scan3A_45, %mul3A_294 : i32
      %add3A_296 = arith.constant 11 : i32
      %add3A_297 = arith.addi %mul3A_295, %add3A_296 : i32
      %dma_start3A_298 = arith.constant 0 : i32
      %dma_start3A_299 = tpu.memref_slice %arg14[%add3A_297, %dma_start3A_298] : memref<512x32xf32, #tpu.memory_space<vmem>> -> memref<1x32xf32, #tpu.memory_space<vmem>>
      %dma_start3A_300 = tpu.memref_squeeze %dma_start3A_299 : memref<1x32xf32, #tpu.memory_space<vmem>> -> memref<32xf32, #tpu.memory_space<vmem>>
      %dma_start3A_301 = arith.constant 0 : i32
      %dma_start3A_302 = tpu.memref_slice %arg4[%shift_right_logical3A_291, %and3A_293, %dma_start3A_301] : memref<125000x8x32xf32, #tpu.memory_space<hbm>> -> memref<1x1x32xf32, #tpu.memory_space<hbm>>
      %dma_start3A_303 = tpu.memref_squeeze %dma_start3A_302 : memref<1x1x32xf32, #tpu.memory_space<hbm>> -> memref<32xf32, #tpu.memory_space<hbm>>
      %dma_start3A_304 = arith.constant 0 : i32
      %dma_start3A_305 = tpu.memref_slice %arg14[%add3A_297, %dma_start3A_304] : memref<512x32xf32, #tpu.memory_space<vmem>> -> memref<1x32xf32, #tpu.memory_space<vmem>>
      %dma_start3A_306 = tpu.memref_squeeze %dma_start3A_305 : memref<1x32xf32, #tpu.memory_space<vmem>> -> memref<32xf32, #tpu.memory_space<vmem>>
      %dma_start3A_307 = arith.constant 0 : i32
      %dma_start3A_308 = tpu.memref_slice %arg4[%shift_right_logical3A_291, %and3A_293, %dma_start3A_307] : memref<125000x8x32xf32, #tpu.memory_space<hbm>> -> memref<1x1x32xf32, #tpu.memory_space<hbm>>
      %dma_start3A_309 = tpu.memref_squeeze %dma_start3A_308 : memref<1x1x32xf32, #tpu.memory_space<hbm>> -> memref<32xf32, #tpu.memory_space<hbm>>
      tpu.enqueue_dma source(%dma_start3A_309 : memref<32xf32, #tpu.memory_space<hbm>>) target(%dma_start3A_306 : memref<32xf32, #tpu.memory_space<vmem>>) target_semaphore(%arg15 : memref<!tpu.dma_semaphore, #tpu.memory_space<semaphore_mem>>)
      %slice3A_310 = vector.extract_strided_slice %get3A_50 {offsets = [12], sizes = [1], strides = [1]} : vector<16xi32> to vector<1xi32>
      %squeeze3A_311 = vector.extract %slice3A_310[0] : i32 from vector<1xi32>
      %shift_right_logical3A_312 = arith.constant 3 : i32
      %shift_right_logical3A_313 = arith.shrui %squeeze3A_311, %shift_right_logical3A_312 : i32
      %and3A_314 = arith.constant 7 : i32
      %and3A_315 = arith.andi %squeeze3A_311, %and3A_314 : i32
      %mul3A_316 = arith.constant 16 : i32
      %mul3A_317 = arith.muli %scan3A_45, %mul3A_316 : i32
      %add3A_318 = arith.constant 12 : i32
      %add3A_319 = arith.addi %mul3A_317, %add3A_318 : i32
      %dma_start3A_320 = arith.constant 0 : i32
      %dma_start3A_321 = tpu.memref_slice %arg14[%add3A_319, %dma_start3A_320] : memref<512x32xf32, #tpu.memory_space<vmem>> -> memref<1x32xf32, #tpu.memory_space<vmem>>
      %dma_start3A_322 = tpu.memref_squeeze %dma_start3A_321 : memref<1x32xf32, #tpu.memory_space<vmem>> -> memref<32xf32, #tpu.memory_space<vmem>>
      %dma_start3A_323 = arith.constant 0 : i32
      %dma_start3A_324 = tpu.memref_slice %arg4[%shift_right_logical3A_313, %and3A_315, %dma_start3A_323] : memref<125000x8x32xf32, #tpu.memory_space<hbm>> -> memref<1x1x32xf32, #tpu.memory_space<hbm>>
      %dma_start3A_325 = tpu.memref_squeeze %dma_start3A_324 : memref<1x1x32xf32, #tpu.memory_space<hbm>> -> memref<32xf32, #tpu.memory_space<hbm>>
      %dma_start3A_326 = arith.constant 0 : i32
      %dma_start3A_327 = tpu.memref_slice %arg14[%add3A_319, %dma_start3A_326] : memref<512x32xf32, #tpu.memory_space<vmem>> -> memref<1x32xf32, #tpu.memory_space<vmem>>
      %dma_start3A_328 = tpu.memref_squeeze %dma_start3A_327 : memref<1x32xf32, #tpu.memory_space<vmem>> -> memref<32xf32, #tpu.memory_space<vmem>>
      %dma_start3A_329 = arith.constant 0 : i32
      %dma_start3A_330 = tpu.memref_slice %arg4[%shift_right_logical3A_313, %and3A_315, %dma_start3A_329] : memref<125000x8x32xf32, #tpu.memory_space<hbm>> -> memref<1x1x32xf32, #tpu.memory_space<hbm>>
      %dma_start3A_331 = tpu.memref_squeeze %dma_start3A_330 : memref<1x1x32xf32, #tpu.memory_space<hbm>> -> memref<32xf32, #tpu.memory_space<hbm>>
      tpu.enqueue_dma source(%dma_start3A_331 : memref<32xf32, #tpu.memory_space<hbm>>) target(%dma_start3A_328 : memref<32xf32, #tpu.memory_space<vmem>>) target_semaphore(%arg15 : memref<!tpu.dma_semaphore, #tpu.memory_space<semaphore_mem>>)
      %slice3A_332 = vector.extract_strided_slice %get3A_50 {offsets = [13], sizes = [1], strides = [1]} : vector<16xi32> to vector<1xi32>
      %squeeze3A_333 = vector.extract %slice3A_332[0] : i32 from vector<1xi32>
      %shift_right_logical3A_334 = arith.constant 3 : i32
      %shift_right_logical3A_335 = arith.shrui %squeeze3A_333, %shift_right_logical3A_334 : i32
      %and3A_336 = arith.constant 7 : i32
      %and3A_337 = arith.andi %squeeze3A_333, %and3A_336 : i32
      %mul3A_338 = arith.constant 16 : i32
      %mul3A_339 = arith.muli %scan3A_45, %mul3A_338 : i32
      %add3A_340 = arith.constant 13 : i32
      %add3A_341 = arith.addi %mul3A_339, %add3A_340 : i32
      %dma_start3A_342 = arith.constant 0 : i32
      %dma_start3A_343 = tpu.memref_slice %arg14[%add3A_341, %dma_start3A_342] : memref<512x32xf32, #tpu.memory_space<vmem>> -> memref<1x32xf32, #tpu.memory_space<vmem>>
      %dma_start3A_344 = tpu.memref_squeeze %dma_start3A_343 : memref<1x32xf32, #tpu.memory_space<vmem>> -> memref<32xf32, #tpu.memory_space<vmem>>
      %dma_start3A_345 = arith.constant 0 : i32
      %dma_start3A_346 = tpu.memref_slice %arg4[%shift_right_logical3A_335, %and3A_337, %dma_start3A_345] : memref<125000x8x32xf32, #tpu.memory_space<hbm>> -> memref<1x1x32xf32, #tpu.memory_space<hbm>>
      %dma_start3A_347 = tpu.memref_squeeze %dma_start3A_346 : memref<1x1x32xf32, #tpu.memory_space<hbm>> -> memref<32xf32, #tpu.memory_space<hbm>>
      %dma_start3A_348 = arith.constant 0 : i32
      %dma_start3A_349 = tpu.memref_slice %arg14[%add3A_341, %dma_start3A_348] : memref<512x32xf32, #tpu.memory_space<vmem>> -> memref<1x32xf32, #tpu.memory_space<vmem>>
      %dma_start3A_350 = tpu.memref_squeeze %dma_start3A_349 : memref<1x32xf32, #tpu.memory_space<vmem>> -> memref<32xf32, #tpu.memory_space<vmem>>
      %dma_start3A_351 = arith.constant 0 : i32
      %dma_start3A_352 = tpu.memref_slice %arg4[%shift_right_logical3A_335, %and3A_337, %dma_start3A_351] : memref<125000x8x32xf32, #tpu.memory_space<hbm>> -> memref<1x1x32xf32, #tpu.memory_space<hbm>>
      %dma_start3A_353 = tpu.memref_squeeze %dma_start3A_352 : memref<1x1x32xf32, #tpu.memory_space<hbm>> -> memref<32xf32, #tpu.memory_space<hbm>>
      tpu.enqueue_dma source(%dma_start3A_353 : memref<32xf32, #tpu.memory_space<hbm>>) target(%dma_start3A_350 : memref<32xf32, #tpu.memory_space<vmem>>) target_semaphore(%arg15 : memref<!tpu.dma_semaphore, #tpu.memory_space<semaphore_mem>>)
      %slice3A_354 = vector.extract_strided_slice %get3A_50 {offsets = [14], sizes = [1], strides = [1]} : vector<16xi32> to vector<1xi32>
      %squeeze3A_355 = vector.extract %slice3A_354[0] : i32 from vector<1xi32>
      %shift_right_logical3A_356 = arith.constant 3 : i32
      %shift_right_logical3A_357 = arith.shrui %squeeze3A_355, %shift_right_logical3A_356 : i32
      %and3A_358 = arith.constant 7 : i32
      %and3A_359 = arith.andi %squeeze3A_355, %and3A_358 : i32
      %mul3A_360 = arith.constant 16 : i32
      %mul3A_361 = arith.muli %scan3A_45, %mul3A_360 : i32
      %add3A_362 = arith.constant 14 : i32
      %add3A_363 = arith.addi %mul3A_361, %add3A_362 : i32
      %dma_start3A_364 = arith.constant 0 : i32
      %dma_start3A_365 = tpu.memref_slice %arg14[%add3A_363, %dma_start3A_364] : memref<512x32xf32, #tpu.memory_space<vmem>> -> memref<1x32xf32, #tpu.memory_space<vmem>>
      %dma_start3A_366 = tpu.memref_squeeze %dma_start3A_365 : memref<1x32xf32, #tpu.memory_space<vmem>> -> memref<32xf32, #tpu.memory_space<vmem>>
      %dma_start3A_367 = arith.constant 0 : i32
      %dma_start3A_368 = tpu.memref_slice %arg4[%shift_right_logical3A_357, %and3A_359, %dma_start3A_367] : memref<125000x8x32xf32, #tpu.memory_space<hbm>> -> memref<1x1x32xf32, #tpu.memory_space<hbm>>
      %dma_start3A_369 = tpu.memref_squeeze %dma_start3A_368 : memref<1x1x32xf32, #tpu.memory_space<hbm>> -> memref<32xf32, #tpu.memory_space<hbm>>
      %dma_start3A_370 = arith.constant 0 : i32
      %dma_start3A_371 = tpu.memref_slice %arg14[%add3A_363, %dma_start3A_370] : memref<512x32xf32, #tpu.memory_space<vmem>> -> memref<1x32xf32, #tpu.memory_space<vmem>>
      %dma_start3A_372 = tpu.memref_squeeze %dma_start3A_371 : memref<1x32xf32, #tpu.memory_space<vmem>> -> memref<32xf32, #tpu.memory_space<vmem>>
      %dma_start3A_373 = arith.constant 0 : i32
      %dma_start3A_374 = tpu.memref_slice %arg4[%shift_right_logical3A_357, %and3A_359, %dma_start3A_373] : memref<125000x8x32xf32, #tpu.memory_space<hbm>> -> memref<1x1x32xf32, #tpu.memory_space<hbm>>
      %dma_start3A_375 = tpu.memref_squeeze %dma_start3A_374 : memref<1x1x32xf32, #tpu.memory_space<hbm>> -> memref<32xf32, #tpu.memory_space<hbm>>
      tpu.enqueue_dma source(%dma_start3A_375 : memref<32xf32, #tpu.memory_space<hbm>>) target(%dma_start3A_372 : memref<32xf32, #tpu.memory_space<vmem>>) target_semaphore(%arg15 : memref<!tpu.dma_semaphore, #tpu.memory_space<semaphore_mem>>)
      %slice3A_376 = vector.extract_strided_slice %get3A_50 {offsets = [15], sizes = [1], strides = [1]} : vector<16xi32> to vector<1xi32>
      %squeeze3A_377 = vector.extract %slice3A_376[0] : i32 from vector<1xi32>
      %shift_right_logical3A_378 = arith.constant 3 : i32
      %shift_right_logical3A_379 = arith.shrui %squeeze3A_377, %shift_right_logical3A_378 : i32
      %and3A_380 = arith.constant 7 : i32
      %and3A_381 = arith.andi %squeeze3A_377, %and3A_380 : i32
      %mul3A_382 = arith.constant 16 : i32
      %mul3A_383 = arith.muli %scan3A_45, %mul3A_382 : i32
      %add3A_384 = arith.constant 15 : i32
      %add3A_385 = arith.addi %mul3A_383, %add3A_384 : i32
      %dma_start3A_386 = arith.constant 0 : i32
      %dma_start3A_387 = tpu.memref_slice %arg14[%add3A_385, %dma_start3A_386] : memref<512x32xf32, #tpu.memory_space<vmem>> -> memref<1x32xf32, #tpu.memory_space<vmem>>
      %dma_start3A_388 = tpu.memref_squeeze %dma_start3A_387 : memref<1x32xf32, #tpu.memory_space<vmem>> -> memref<32xf32, #tpu.memory_space<vmem>>
      %dma_start3A_389 = arith.constant 0 : i32
      %dma_start3A_390 = tpu.memref_slice %arg4[%shift_right_logical3A_379, %and3A_381, %dma_start3A_389] : memref<125000x8x32xf32, #tpu.memory_space<hbm>> -> memref<1x1x32xf32, #tpu.memory_space<hbm>>
      %dma_start3A_391 = tpu.memref_squeeze %dma_start3A_390 : memref<1x1x32xf32, #tpu.memory_space<hbm>> -> memref<32xf32, #tpu.memory_space<hbm>>
      %dma_start3A_392 = arith.constant 0 : i32
      %dma_start3A_393 = tpu.memref_slice %arg14[%add3A_385, %dma_start3A_392] : memref<512x32xf32, #tpu.memory_space<vmem>> -> memref<1x32xf32, #tpu.memory_space<vmem>>
      %dma_start3A_394 = tpu.memref_squeeze %dma_start3A_393 : memref<1x32xf32, #tpu.memory_space<vmem>> -> memref<32xf32, #tpu.memory_space<vmem>>
      %dma_start3A_395 = arith.constant 0 : i32
      %dma_start3A_396 = tpu.memref_slice %arg4[%shift_right_logical3A_379, %and3A_381, %dma_start3A_395] : memref<125000x8x32xf32, #tpu.memory_space<hbm>> -> memref<1x1x32xf32, #tpu.memory_space<hbm>>
      %dma_start3A_397 = tpu.memref_squeeze %dma_start3A_396 : memref<1x1x32xf32, #tpu.memory_space<hbm>> -> memref<32xf32, #tpu.memory_space<hbm>>
      tpu.enqueue_dma source(%dma_start3A_397 : memref<32xf32, #tpu.memory_space<hbm>>) target(%dma_start3A_394 : memref<32xf32, #tpu.memory_space<vmem>>) target_semaphore(%arg15 : memref<!tpu.dma_semaphore, #tpu.memory_space<semaphore_mem>>)
      %scan3A_398 = arith.constant 0 : i32
      scf.yield %scan3A_398 : i32
    }
    %scan3A_8 = arith.constant 32 : i32
    %dma_wait3A = arith.constant 0 : i32
    %dma_wait3A_9 = tpu.memref_slice %arg8[%mul3A_2, %dma_wait3A] : memref<16384x32xf32, #tpu.memory_space<hbm>> -> memref<512x32xf32, #tpu.memory_space<hbm>>
    %dma_wait3A_10 = arith.constant 0 : i32
    %dma_wait3A_11 = tpu.memref_slice %arg8[%mul3A_2, %dma_wait3A_10] : memref<16384x32xf32, #tpu.memory_space<hbm>> -> memref<512x32xf32, #tpu.memory_space<hbm>>
    tpu.wait_dma2 semaphore(%arg15 : memref<!tpu.dma_semaphore, #tpu.memory_space<semaphore_mem>>) src(%dma_wait3A_11 : memref<512x32xf32, #tpu.memory_space<hbm>>) dst(%arg14 : memref<512x32xf32, #tpu.memory_space<vmem>>)
    "tpu.region"() ({
      %run_scoped3A = tpu.sem_alloc : memref<!tpu.dma_semaphore, #tpu.memory_space<semaphore_mem>>
      %dma_start3A = arith.constant 0 : i32
      %dma_start3A_45 = tpu.memref_slice %arg8[%mul3A_2, %dma_start3A] : memref<16384x32xf32, #tpu.memory_space<hbm>> -> memref<512x32xf32, #tpu.memory_space<hbm>>
      %dma_start3A_46 = arith.constant 0 : i32
      %dma_start3A_47 = tpu.memref_slice %arg8[%mul3A_2, %dma_start3A_46] : memref<16384x32xf32, #tpu.memory_space<hbm>> -> memref<512x32xf32, #tpu.memory_space<hbm>>
      tpu.enqueue_dma source(%arg14 : memref<512x32xf32, #tpu.memory_space<vmem>>) target(%dma_start3A_47 : memref<512x32xf32, #tpu.memory_space<hbm>>) target_semaphore(%run_scoped3A : memref<!tpu.dma_semaphore, #tpu.memory_space<semaphore_mem>>)
      %dma_wait3A_48 = arith.constant 0 : i32
      %dma_wait3A_49 = tpu.memref_slice %arg8[%mul3A_2, %dma_wait3A_48] : memref<16384x32xf32, #tpu.memory_space<hbm>> -> memref<512x32xf32, #tpu.memory_space<hbm>>
      %dma_wait3A_50 = arith.constant 0 : i32
      %dma_wait3A_51 = tpu.memref_slice %arg8[%mul3A_2, %dma_wait3A_50] : memref<16384x32xf32, #tpu.memory_space<hbm>> -> memref<512x32xf32, #tpu.memory_space<hbm>>
      tpu.wait_dma2 semaphore(%run_scoped3A : memref<!tpu.dma_semaphore, #tpu.memory_space<semaphore_mem>>) src(%arg14 : memref<512x32xf32, #tpu.memory_space<vmem>>) dst(%dma_wait3A_51 : memref<512x32xf32, #tpu.memory_space<hbm>>)
      tpu.yield
    }) : () -> ()
    %scan3A_12 = arith.constant 0 : i32
    %scan3A_13 = arith.constant 0 : i32
    %scan3A_14 = arith.constant 32 : i32
    %scan3A_15 = arith.addi %scan3A_13, %scan3A_14 : i32
    %scan3A_16 = arith.constant 1 : i32
    %scan3A_17 = scf.for %scan3A_45 = %scan3A_13 to %scan3A_15 step %scan3A_16 iter_args(%scan3A_46 = %scan3A_12) -> (i32)  : i32 {
      %mul3A_47 = arith.constant 16 : i32
      %mul3A_48 = arith.muli %scan3A_45, %mul3A_47 : i32
      %get3A = arith.index_cast %mul3A_48 : i32 to index
      %get3A_49 = tpu.vector_load %arg13[%get3A] {strides = array<i32>} : memref<512xi32, #tpu.memory_space<vmem>>, vector<16xi32>,
      %get3A_50 = vector.shape_cast %get3A_49 : vector<16xi32> to vector<16xi32>
      %slice3A = vector.extract_strided_slice %get3A_50 {offsets = [0], sizes = [1], strides = [1]} : vector<16xi32> to vector<1xi32>
      %squeeze3A = vector.extract %slice3A[0] : i32 from vector<1xi32>
      %shift_right_logical3A = arith.constant 3 : i32
      %shift_right_logical3A_51 = arith.shrui %squeeze3A, %shift_right_logical3A : i32
      %and3A = arith.constant 7 : i32
      %and3A_52 = arith.andi %squeeze3A, %and3A : i32
      %mul3A_53 = arith.constant 16 : i32
      %mul3A_54 = arith.muli %scan3A_45, %mul3A_53 : i32
      %add3A_55 = arith.constant 0 : i32
      %add3A_56 = arith.addi %mul3A_54, %add3A_55 : i32
      %dma_start3A = arith.constant 0 : i32
      %dma_start3A_57 = tpu.memref_slice %arg14[%add3A_56, %dma_start3A] : memref<512x32xf32, #tpu.memory_space<vmem>> -> memref<1x32xf32, #tpu.memory_space<vmem>>
      %dma_start3A_58 = tpu.memref_squeeze %dma_start3A_57 : memref<1x32xf32, #tpu.memory_space<vmem>> -> memref<32xf32, #tpu.memory_space<vmem>>
      %dma_start3A_59 = arith.constant 0 : i32
      %dma_start3A_60 = tpu.memref_slice %arg5[%shift_right_logical3A_51, %and3A_52, %dma_start3A_59] : memref<125000x8x32xf32, #tpu.memory_space<hbm>> -> memref<1x1x32xf32, #tpu.memory_space<hbm>>
      %dma_start3A_61 = tpu.memref_squeeze %dma_start3A_60 : memref<1x1x32xf32, #tpu.memory_space<hbm>> -> memref<32xf32, #tpu.memory_space<hbm>>
      %dma_start3A_62 = arith.constant 0 : i32
      %dma_start3A_63 = tpu.memref_slice %arg14[%add3A_56, %dma_start3A_62] : memref<512x32xf32, #tpu.memory_space<vmem>> -> memref<1x32xf32, #tpu.memory_space<vmem>>
      %dma_start3A_64 = tpu.memref_squeeze %dma_start3A_63 : memref<1x32xf32, #tpu.memory_space<vmem>> -> memref<32xf32, #tpu.memory_space<vmem>>
      %dma_start3A_65 = arith.constant 0 : i32
      %dma_start3A_66 = tpu.memref_slice %arg5[%shift_right_logical3A_51, %and3A_52, %dma_start3A_65] : memref<125000x8x32xf32, #tpu.memory_space<hbm>> -> memref<1x1x32xf32, #tpu.memory_space<hbm>>
      %dma_start3A_67 = tpu.memref_squeeze %dma_start3A_66 : memref<1x1x32xf32, #tpu.memory_space<hbm>> -> memref<32xf32, #tpu.memory_space<hbm>>
      tpu.enqueue_dma source(%dma_start3A_67 : memref<32xf32, #tpu.memory_space<hbm>>) target(%dma_start3A_64 : memref<32xf32, #tpu.memory_space<vmem>>) target_semaphore(%arg15 : memref<!tpu.dma_semaphore, #tpu.memory_space<semaphore_mem>>)
      %slice3A_68 = vector.extract_strided_slice %get3A_50 {offsets = [1], sizes = [1], strides = [1]} : vector<16xi32> to vector<1xi32>
      %squeeze3A_69 = vector.extract %slice3A_68[0] : i32 from vector<1xi32>
      %shift_right_logical3A_70 = arith.constant 3 : i32
      %shift_right_logical3A_71 = arith.shrui %squeeze3A_69, %shift_right_logical3A_70 : i32
      %and3A_72 = arith.constant 7 : i32
      %and3A_73 = arith.andi %squeeze3A_69, %and3A_72 : i32
      %mul3A_74 = arith.constant 16 : i32
      %mul3A_75 = arith.muli %scan3A_45, %mul3A_74 : i32
      %add3A_76 = arith.constant 1 : i32
      %add3A_77 = arith.addi %mul3A_75, %add3A_76 : i32
      %dma_start3A_78 = arith.constant 0 : i32
      %dma_start3A_79 = tpu.memref_slice %arg14[%add3A_77, %dma_start3A_78] : memref<512x32xf32, #tpu.memory_space<vmem>> -> memref<1x32xf32, #tpu.memory_space<vmem>>
      %dma_start3A_80 = tpu.memref_squeeze %dma_start3A_79 : memref<1x32xf32, #tpu.memory_space<vmem>> -> memref<32xf32, #tpu.memory_space<vmem>>
      %dma_start3A_81 = arith.constant 0 : i32
      %dma_start3A_82 = tpu.memref_slice %arg5[%shift_right_logical3A_71, %and3A_73, %dma_start3A_81] : memref<125000x8x32xf32, #tpu.memory_space<hbm>> -> memref<1x1x32xf32, #tpu.memory_space<hbm>>
      %dma_start3A_83 = tpu.memref_squeeze %dma_start3A_82 : memref<1x1x32xf32, #tpu.memory_space<hbm>> -> memref<32xf32, #tpu.memory_space<hbm>>
      %dma_start3A_84 = arith.constant 0 : i32
      %dma_start3A_85 = tpu.memref_slice %arg14[%add3A_77, %dma_start3A_84] : memref<512x32xf32, #tpu.memory_space<vmem>> -> memref<1x32xf32, #tpu.memory_space<vmem>>
      %dma_start3A_86 = tpu.memref_squeeze %dma_start3A_85 : memref<1x32xf32, #tpu.memory_space<vmem>> -> memref<32xf32, #tpu.memory_space<vmem>>
      %dma_start3A_87 = arith.constant 0 : i32
      %dma_start3A_88 = tpu.memref_slice %arg5[%shift_right_logical3A_71, %and3A_73, %dma_start3A_87] : memref<125000x8x32xf32, #tpu.memory_space<hbm>> -> memref<1x1x32xf32, #tpu.memory_space<hbm>>
      %dma_start3A_89 = tpu.memref_squeeze %dma_start3A_88 : memref<1x1x32xf32, #tpu.memory_space<hbm>> -> memref<32xf32, #tpu.memory_space<hbm>>
      tpu.enqueue_dma source(%dma_start3A_89 : memref<32xf32, #tpu.memory_space<hbm>>) target(%dma_start3A_86 : memref<32xf32, #tpu.memory_space<vmem>>) target_semaphore(%arg15 : memref<!tpu.dma_semaphore, #tpu.memory_space<semaphore_mem>>)
      %slice3A_90 = vector.extract_strided_slice %get3A_50 {offsets = [2], sizes = [1], strides = [1]} : vector<16xi32> to vector<1xi32>
      %squeeze3A_91 = vector.extract %slice3A_90[0] : i32 from vector<1xi32>
      %shift_right_logical3A_92 = arith.constant 3 : i32
      %shift_right_logical3A_93 = arith.shrui %squeeze3A_91, %shift_right_logical3A_92 : i32
      %and3A_94 = arith.constant 7 : i32
      %and3A_95 = arith.andi %squeeze3A_91, %and3A_94 : i32
      %mul3A_96 = arith.constant 16 : i32
      %mul3A_97 = arith.muli %scan3A_45, %mul3A_96 : i32
      %add3A_98 = arith.constant 2 : i32
      %add3A_99 = arith.addi %mul3A_97, %add3A_98 : i32
      %dma_start3A_100 = arith.constant 0 : i32
      %dma_start3A_101 = tpu.memref_slice %arg14[%add3A_99, %dma_start3A_100] : memref<512x32xf32, #tpu.memory_space<vmem>> -> memref<1x32xf32, #tpu.memory_space<vmem>>
      %dma_start3A_102 = tpu.memref_squeeze %dma_start3A_101 : memref<1x32xf32, #tpu.memory_space<vmem>> -> memref<32xf32, #tpu.memory_space<vmem>>
      %dma_start3A_103 = arith.constant 0 : i32
      %dma_start3A_104 = tpu.memref_slice %arg5[%shift_right_logical3A_93, %and3A_95, %dma_start3A_103] : memref<125000x8x32xf32, #tpu.memory_space<hbm>> -> memref<1x1x32xf32, #tpu.memory_space<hbm>>
      %dma_start3A_105 = tpu.memref_squeeze %dma_start3A_104 : memref<1x1x32xf32, #tpu.memory_space<hbm>> -> memref<32xf32, #tpu.memory_space<hbm>>
      %dma_start3A_106 = arith.constant 0 : i32
      %dma_start3A_107 = tpu.memref_slice %arg14[%add3A_99, %dma_start3A_106] : memref<512x32xf32, #tpu.memory_space<vmem>> -> memref<1x32xf32, #tpu.memory_space<vmem>>
      %dma_start3A_108 = tpu.memref_squeeze %dma_start3A_107 : memref<1x32xf32, #tpu.memory_space<vmem>> -> memref<32xf32, #tpu.memory_space<vmem>>
      %dma_start3A_109 = arith.constant 0 : i32
      %dma_start3A_110 = tpu.memref_slice %arg5[%shift_right_logical3A_93, %and3A_95, %dma_start3A_109] : memref<125000x8x32xf32, #tpu.memory_space<hbm>> -> memref<1x1x32xf32, #tpu.memory_space<hbm>>
      %dma_start3A_111 = tpu.memref_squeeze %dma_start3A_110 : memref<1x1x32xf32, #tpu.memory_space<hbm>> -> memref<32xf32, #tpu.memory_space<hbm>>
      tpu.enqueue_dma source(%dma_start3A_111 : memref<32xf32, #tpu.memory_space<hbm>>) target(%dma_start3A_108 : memref<32xf32, #tpu.memory_space<vmem>>) target_semaphore(%arg15 : memref<!tpu.dma_semaphore, #tpu.memory_space<semaphore_mem>>)
      %slice3A_112 = vector.extract_strided_slice %get3A_50 {offsets = [3], sizes = [1], strides = [1]} : vector<16xi32> to vector<1xi32>
      %squeeze3A_113 = vector.extract %slice3A_112[0] : i32 from vector<1xi32>
      %shift_right_logical3A_114 = arith.constant 3 : i32
      %shift_right_logical3A_115 = arith.shrui %squeeze3A_113, %shift_right_logical3A_114 : i32
      %and3A_116 = arith.constant 7 : i32
      %and3A_117 = arith.andi %squeeze3A_113, %and3A_116 : i32
      %mul3A_118 = arith.constant 16 : i32
      %mul3A_119 = arith.muli %scan3A_45, %mul3A_118 : i32
      %add3A_120 = arith.constant 3 : i32
      %add3A_121 = arith.addi %mul3A_119, %add3A_120 : i32
      %dma_start3A_122 = arith.constant 0 : i32
      %dma_start3A_123 = tpu.memref_slice %arg14[%add3A_121, %dma_start3A_122] : memref<512x32xf32, #tpu.memory_space<vmem>> -> memref<1x32xf32, #tpu.memory_space<vmem>>
      %dma_start3A_124 = tpu.memref_squeeze %dma_start3A_123 : memref<1x32xf32, #tpu.memory_space<vmem>> -> memref<32xf32, #tpu.memory_space<vmem>>
      %dma_start3A_125 = arith.constant 0 : i32
      %dma_start3A_126 = tpu.memref_slice %arg5[%shift_right_logical3A_115, %and3A_117, %dma_start3A_125] : memref<125000x8x32xf32, #tpu.memory_space<hbm>> -> memref<1x1x32xf32, #tpu.memory_space<hbm>>
      %dma_start3A_127 = tpu.memref_squeeze %dma_start3A_126 : memref<1x1x32xf32, #tpu.memory_space<hbm>> -> memref<32xf32, #tpu.memory_space<hbm>>
      %dma_start3A_128 = arith.constant 0 : i32
      %dma_start3A_129 = tpu.memref_slice %arg14[%add3A_121, %dma_start3A_128] : memref<512x32xf32, #tpu.memory_space<vmem>> -> memref<1x32xf32, #tpu.memory_space<vmem>>
      %dma_start3A_130 = tpu.memref_squeeze %dma_start3A_129 : memref<1x32xf32, #tpu.memory_space<vmem>> -> memref<32xf32, #tpu.memory_space<vmem>>
      %dma_start3A_131 = arith.constant 0 : i32
      %dma_start3A_132 = tpu.memref_slice %arg5[%shift_right_logical3A_115, %and3A_117, %dma_start3A_131] : memref<125000x8x32xf32, #tpu.memory_space<hbm>> -> memref<1x1x32xf32, #tpu.memory_space<hbm>>
      %dma_start3A_133 = tpu.memref_squeeze %dma_start3A_132 : memref<1x1x32xf32, #tpu.memory_space<hbm>> -> memref<32xf32, #tpu.memory_space<hbm>>
      tpu.enqueue_dma source(%dma_start3A_133 : memref<32xf32, #tpu.memory_space<hbm>>) target(%dma_start3A_130 : memref<32xf32, #tpu.memory_space<vmem>>) target_semaphore(%arg15 : memref<!tpu.dma_semaphore, #tpu.memory_space<semaphore_mem>>)
      %slice3A_134 = vector.extract_strided_slice %get3A_50 {offsets = [4], sizes = [1], strides = [1]} : vector<16xi32> to vector<1xi32>
      %squeeze3A_135 = vector.extract %slice3A_134[0] : i32 from vector<1xi32>
      %shift_right_logical3A_136 = arith.constant 3 : i32
      %shift_right_logical3A_137 = arith.shrui %squeeze3A_135, %shift_right_logical3A_136 : i32
      %and3A_138 = arith.constant 7 : i32
      %and3A_139 = arith.andi %squeeze3A_135, %and3A_138 : i32
      %mul3A_140 = arith.constant 16 : i32
      %mul3A_141 = arith.muli %scan3A_45, %mul3A_140 : i32
      %add3A_142 = arith.constant 4 : i32
      %add3A_143 = arith.addi %mul3A_141, %add3A_142 : i32
      %dma_start3A_144 = arith.constant 0 : i32
      %dma_start3A_145 = tpu.memref_slice %arg14[%add3A_143, %dma_start3A_144] : memref<512x32xf32, #tpu.memory_space<vmem>> -> memref<1x32xf32, #tpu.memory_space<vmem>>
      %dma_start3A_146 = tpu.memref_squeeze %dma_start3A_145 : memref<1x32xf32, #tpu.memory_space<vmem>> -> memref<32xf32, #tpu.memory_space<vmem>>
      %dma_start3A_147 = arith.constant 0 : i32
      %dma_start3A_148 = tpu.memref_slice %arg5[%shift_right_logical3A_137, %and3A_139, %dma_start3A_147] : memref<125000x8x32xf32, #tpu.memory_space<hbm>> -> memref<1x1x32xf32, #tpu.memory_space<hbm>>
      %dma_start3A_149 = tpu.memref_squeeze %dma_start3A_148 : memref<1x1x32xf32, #tpu.memory_space<hbm>> -> memref<32xf32, #tpu.memory_space<hbm>>
      %dma_start3A_150 = arith.constant 0 : i32
      %dma_start3A_151 = tpu.memref_slice %arg14[%add3A_143, %dma_start3A_150] : memref<512x32xf32, #tpu.memory_space<vmem>> -> memref<1x32xf32, #tpu.memory_space<vmem>>
      %dma_start3A_152 = tpu.memref_squeeze %dma_start3A_151 : memref<1x32xf32, #tpu.memory_space<vmem>> -> memref<32xf32, #tpu.memory_space<vmem>>
      %dma_start3A_153 = arith.constant 0 : i32
      %dma_start3A_154 = tpu.memref_slice %arg5[%shift_right_logical3A_137, %and3A_139, %dma_start3A_153] : memref<125000x8x32xf32, #tpu.memory_space<hbm>> -> memref<1x1x32xf32, #tpu.memory_space<hbm>>
      %dma_start3A_155 = tpu.memref_squeeze %dma_start3A_154 : memref<1x1x32xf32, #tpu.memory_space<hbm>> -> memref<32xf32, #tpu.memory_space<hbm>>
      tpu.enqueue_dma source(%dma_start3A_155 : memref<32xf32, #tpu.memory_space<hbm>>) target(%dma_start3A_152 : memref<32xf32, #tpu.memory_space<vmem>>) target_semaphore(%arg15 : memref<!tpu.dma_semaphore, #tpu.memory_space<semaphore_mem>>)
      %slice3A_156 = vector.extract_strided_slice %get3A_50 {offsets = [5], sizes = [1], strides = [1]} : vector<16xi32> to vector<1xi32>
      %squeeze3A_157 = vector.extract %slice3A_156[0] : i32 from vector<1xi32>
      %shift_right_logical3A_158 = arith.constant 3 : i32
      %shift_right_logical3A_159 = arith.shrui %squeeze3A_157, %shift_right_logical3A_158 : i32
      %and3A_160 = arith.constant 7 : i32
      %and3A_161 = arith.andi %squeeze3A_157, %and3A_160 : i32
      %mul3A_162 = arith.constant 16 : i32
      %mul3A_163 = arith.muli %scan3A_45, %mul3A_162 : i32
      %add3A_164 = arith.constant 5 : i32
      %add3A_165 = arith.addi %mul3A_163, %add3A_164 : i32
      %dma_start3A_166 = arith.constant 0 : i32
      %dma_start3A_167 = tpu.memref_slice %arg14[%add3A_165, %dma_start3A_166] : memref<512x32xf32, #tpu.memory_space<vmem>> -> memref<1x32xf32, #tpu.memory_space<vmem>>
      %dma_start3A_168 = tpu.memref_squeeze %dma_start3A_167 : memref<1x32xf32, #tpu.memory_space<vmem>> -> memref<32xf32, #tpu.memory_space<vmem>>
      %dma_start3A_169 = arith.constant 0 : i32
      %dma_start3A_170 = tpu.memref_slice %arg5[%shift_right_logical3A_159, %and3A_161, %dma_start3A_169] : memref<125000x8x32xf32, #tpu.memory_space<hbm>> -> memref<1x1x32xf32, #tpu.memory_space<hbm>>
      %dma_start3A_171 = tpu.memref_squeeze %dma_start3A_170 : memref<1x1x32xf32, #tpu.memory_space<hbm>> -> memref<32xf32, #tpu.memory_space<hbm>>
      %dma_start3A_172 = arith.constant 0 : i32
      %dma_start3A_173 = tpu.memref_slice %arg14[%add3A_165, %dma_start3A_172] : memref<512x32xf32, #tpu.memory_space<vmem>> -> memref<1x32xf32, #tpu.memory_space<vmem>>
      %dma_start3A_174 = tpu.memref_squeeze %dma_start3A_173 : memref<1x32xf32, #tpu.memory_space<vmem>> -> memref<32xf32, #tpu.memory_space<vmem>>
      %dma_start3A_175 = arith.constant 0 : i32
      %dma_start3A_176 = tpu.memref_slice %arg5[%shift_right_logical3A_159, %and3A_161, %dma_start3A_175] : memref<125000x8x32xf32, #tpu.memory_space<hbm>> -> memref<1x1x32xf32, #tpu.memory_space<hbm>>
      %dma_start3A_177 = tpu.memref_squeeze %dma_start3A_176 : memref<1x1x32xf32, #tpu.memory_space<hbm>> -> memref<32xf32, #tpu.memory_space<hbm>>
      tpu.enqueue_dma source(%dma_start3A_177 : memref<32xf32, #tpu.memory_space<hbm>>) target(%dma_start3A_174 : memref<32xf32, #tpu.memory_space<vmem>>) target_semaphore(%arg15 : memref<!tpu.dma_semaphore, #tpu.memory_space<semaphore_mem>>)
      %slice3A_178 = vector.extract_strided_slice %get3A_50 {offsets = [6], sizes = [1], strides = [1]} : vector<16xi32> to vector<1xi32>
      %squeeze3A_179 = vector.extract %slice3A_178[0] : i32 from vector<1xi32>
      %shift_right_logical3A_180 = arith.constant 3 : i32
      %shift_right_logical3A_181 = arith.shrui %squeeze3A_179, %shift_right_logical3A_180 : i32
      %and3A_182 = arith.constant 7 : i32
      %and3A_183 = arith.andi %squeeze3A_179, %and3A_182 : i32
      %mul3A_184 = arith.constant 16 : i32
      %mul3A_185 = arith.muli %scan3A_45, %mul3A_184 : i32
      %add3A_186 = arith.constant 6 : i32
      %add3A_187 = arith.addi %mul3A_185, %add3A_186 : i32
      %dma_start3A_188 = arith.constant 0 : i32
      %dma_start3A_189 = tpu.memref_slice %arg14[%add3A_187, %dma_start3A_188] : memref<512x32xf32, #tpu.memory_space<vmem>> -> memref<1x32xf32, #tpu.memory_space<vmem>>
      %dma_start3A_190 = tpu.memref_squeeze %dma_start3A_189 : memref<1x32xf32, #tpu.memory_space<vmem>> -> memref<32xf32, #tpu.memory_space<vmem>>
      %dma_start3A_191 = arith.constant 0 : i32
      %dma_start3A_192 = tpu.memref_slice %arg5[%shift_right_logical3A_181, %and3A_183, %dma_start3A_191] : memref<125000x8x32xf32, #tpu.memory_space<hbm>> -> memref<1x1x32xf32, #tpu.memory_space<hbm>>
      %dma_start3A_193 = tpu.memref_squeeze %dma_start3A_192 : memref<1x1x32xf32, #tpu.memory_space<hbm>> -> memref<32xf32, #tpu.memory_space<hbm>>
      %dma_start3A_194 = arith.constant 0 : i32
      %dma_start3A_195 = tpu.memref_slice %arg14[%add3A_187, %dma_start3A_194] : memref<512x32xf32, #tpu.memory_space<vmem>> -> memref<1x32xf32, #tpu.memory_space<vmem>>
      %dma_start3A_196 = tpu.memref_squeeze %dma_start3A_195 : memref<1x32xf32, #tpu.memory_space<vmem>> -> memref<32xf32, #tpu.memory_space<vmem>>
      %dma_start3A_197 = arith.constant 0 : i32
      %dma_start3A_198 = tpu.memref_slice %arg5[%shift_right_logical3A_181, %and3A_183, %dma_start3A_197] : memref<125000x8x32xf32, #tpu.memory_space<hbm>> -> memref<1x1x32xf32, #tpu.memory_space<hbm>>
      %dma_start3A_199 = tpu.memref_squeeze %dma_start3A_198 : memref<1x1x32xf32, #tpu.memory_space<hbm>> -> memref<32xf32, #tpu.memory_space<hbm>>
      tpu.enqueue_dma source(%dma_start3A_199 : memref<32xf32, #tpu.memory_space<hbm>>) target(%dma_start3A_196 : memref<32xf32, #tpu.memory_space<vmem>>) target_semaphore(%arg15 : memref<!tpu.dma_semaphore, #tpu.memory_space<semaphore_mem>>)
      %slice3A_200 = vector.extract_strided_slice %get3A_50 {offsets = [7], sizes = [1], strides = [1]} : vector<16xi32> to vector<1xi32>
      %squeeze3A_201 = vector.extract %slice3A_200[0] : i32 from vector<1xi32>
      %shift_right_logical3A_202 = arith.constant 3 : i32
      %shift_right_logical3A_203 = arith.shrui %squeeze3A_201, %shift_right_logical3A_202 : i32
      %and3A_204 = arith.constant 7 : i32
      %and3A_205 = arith.andi %squeeze3A_201, %and3A_204 : i32
      %mul3A_206 = arith.constant 16 : i32
      %mul3A_207 = arith.muli %scan3A_45, %mul3A_206 : i32
      %add3A_208 = arith.constant 7 : i32
      %add3A_209 = arith.addi %mul3A_207, %add3A_208 : i32
      %dma_start3A_210 = arith.constant 0 : i32
      %dma_start3A_211 = tpu.memref_slice %arg14[%add3A_209, %dma_start3A_210] : memref<512x32xf32, #tpu.memory_space<vmem>> -> memref<1x32xf32, #tpu.memory_space<vmem>>
      %dma_start3A_212 = tpu.memref_squeeze %dma_start3A_211 : memref<1x32xf32, #tpu.memory_space<vmem>> -> memref<32xf32, #tpu.memory_space<vmem>>
      %dma_start3A_213 = arith.constant 0 : i32
      %dma_start3A_214 = tpu.memref_slice %arg5[%shift_right_logical3A_203, %and3A_205, %dma_start3A_213] : memref<125000x8x32xf32, #tpu.memory_space<hbm>> -> memref<1x1x32xf32, #tpu.memory_space<hbm>>
      %dma_start3A_215 = tpu.memref_squeeze %dma_start3A_214 : memref<1x1x32xf32, #tpu.memory_space<hbm>> -> memref<32xf32, #tpu.memory_space<hbm>>
      %dma_start3A_216 = arith.constant 0 : i32
      %dma_start3A_217 = tpu.memref_slice %arg14[%add3A_209, %dma_start3A_216] : memref<512x32xf32, #tpu.memory_space<vmem>> -> memref<1x32xf32, #tpu.memory_space<vmem>>
      %dma_start3A_218 = tpu.memref_squeeze %dma_start3A_217 : memref<1x32xf32, #tpu.memory_space<vmem>> -> memref<32xf32, #tpu.memory_space<vmem>>
      %dma_start3A_219 = arith.constant 0 : i32
      %dma_start3A_220 = tpu.memref_slice %arg5[%shift_right_logical3A_203, %and3A_205, %dma_start3A_219] : memref<125000x8x32xf32, #tpu.memory_space<hbm>> -> memref<1x1x32xf32, #tpu.memory_space<hbm>>
      %dma_start3A_221 = tpu.memref_squeeze %dma_start3A_220 : memref<1x1x32xf32, #tpu.memory_space<hbm>> -> memref<32xf32, #tpu.memory_space<hbm>>
      tpu.enqueue_dma source(%dma_start3A_221 : memref<32xf32, #tpu.memory_space<hbm>>) target(%dma_start3A_218 : memref<32xf32, #tpu.memory_space<vmem>>) target_semaphore(%arg15 : memref<!tpu.dma_semaphore, #tpu.memory_space<semaphore_mem>>)
      %slice3A_222 = vector.extract_strided_slice %get3A_50 {offsets = [8], sizes = [1], strides = [1]} : vector<16xi32> to vector<1xi32>
      %squeeze3A_223 = vector.extract %slice3A_222[0] : i32 from vector<1xi32>
      %shift_right_logical3A_224 = arith.constant 3 : i32
      %shift_right_logical3A_225 = arith.shrui %squeeze3A_223, %shift_right_logical3A_224 : i32
      %and3A_226 = arith.constant 7 : i32
      %and3A_227 = arith.andi %squeeze3A_223, %and3A_226 : i32
      %mul3A_228 = arith.constant 16 : i32
      %mul3A_229 = arith.muli %scan3A_45, %mul3A_228 : i32
      %add3A_230 = arith.constant 8 : i32
      %add3A_231 = arith.addi %mul3A_229, %add3A_230 : i32
      %dma_start3A_232 = arith.constant 0 : i32
      %dma_start3A_233 = tpu.memref_slice %arg14[%add3A_231, %dma_start3A_232] : memref<512x32xf32, #tpu.memory_space<vmem>> -> memref<1x32xf32, #tpu.memory_space<vmem>>
      %dma_start3A_234 = tpu.memref_squeeze %dma_start3A_233 : memref<1x32xf32, #tpu.memory_space<vmem>> -> memref<32xf32, #tpu.memory_space<vmem>>
      %dma_start3A_235 = arith.constant 0 : i32
      %dma_start3A_236 = tpu.memref_slice %arg5[%shift_right_logical3A_225, %and3A_227, %dma_start3A_235] : memref<125000x8x32xf32, #tpu.memory_space<hbm>> -> memref<1x1x32xf32, #tpu.memory_space<hbm>>
      %dma_start3A_237 = tpu.memref_squeeze %dma_start3A_236 : memref<1x1x32xf32, #tpu.memory_space<hbm>> -> memref<32xf32, #tpu.memory_space<hbm>>
      %dma_start3A_238 = arith.constant 0 : i32
      %dma_start3A_239 = tpu.memref_slice %arg14[%add3A_231, %dma_start3A_238] : memref<512x32xf32, #tpu.memory_space<vmem>> -> memref<1x32xf32, #tpu.memory_space<vmem>>
      %dma_start3A_240 = tpu.memref_squeeze %dma_start3A_239 : memref<1x32xf32, #tpu.memory_space<vmem>> -> memref<32xf32, #tpu.memory_space<vmem>>
      %dma_start3A_241 = arith.constant 0 : i32
      %dma_start3A_242 = tpu.memref_slice %arg5[%shift_right_logical3A_225, %and3A_227, %dma_start3A_241] : memref<125000x8x32xf32, #tpu.memory_space<hbm>> -> memref<1x1x32xf32, #tpu.memory_space<hbm>>
      %dma_start3A_243 = tpu.memref_squeeze %dma_start3A_242 : memref<1x1x32xf32, #tpu.memory_space<hbm>> -> memref<32xf32, #tpu.memory_space<hbm>>
      tpu.enqueue_dma source(%dma_start3A_243 : memref<32xf32, #tpu.memory_space<hbm>>) target(%dma_start3A_240 : memref<32xf32, #tpu.memory_space<vmem>>) target_semaphore(%arg15 : memref<!tpu.dma_semaphore, #tpu.memory_space<semaphore_mem>>)
      %slice3A_244 = vector.extract_strided_slice %get3A_50 {offsets = [9], sizes = [1], strides = [1]} : vector<16xi32> to vector<1xi32>
      %squeeze3A_245 = vector.extract %slice3A_244[0] : i32 from vector<1xi32>
      %shift_right_logical3A_246 = arith.constant 3 : i32
      %shift_right_logical3A_247 = arith.shrui %squeeze3A_245, %shift_right_logical3A_246 : i32
      %and3A_248 = arith.constant 7 : i32
      %and3A_249 = arith.andi %squeeze3A_245, %and3A_248 : i32
      %mul3A_250 = arith.constant 16 : i32
      %mul3A_251 = arith.muli %scan3A_45, %mul3A_250 : i32
      %add3A_252 = arith.constant 9 : i32
      %add3A_253 = arith.addi %mul3A_251, %add3A_252 : i32
      %dma_start3A_254 = arith.constant 0 : i32
      %dma_start3A_255 = tpu.memref_slice %arg14[%add3A_253, %dma_start3A_254] : memref<512x32xf32, #tpu.memory_space<vmem>> -> memref<1x32xf32, #tpu.memory_space<vmem>>
      %dma_start3A_256 = tpu.memref_squeeze %dma_start3A_255 : memref<1x32xf32, #tpu.memory_space<vmem>> -> memref<32xf32, #tpu.memory_space<vmem>>
      %dma_start3A_257 = arith.constant 0 : i32
      %dma_start3A_258 = tpu.memref_slice %arg5[%shift_right_logical3A_247, %and3A_249, %dma_start3A_257] : memref<125000x8x32xf32, #tpu.memory_space<hbm>> -> memref<1x1x32xf32, #tpu.memory_space<hbm>>
      %dma_start3A_259 = tpu.memref_squeeze %dma_start3A_258 : memref<1x1x32xf32, #tpu.memory_space<hbm>> -> memref<32xf32, #tpu.memory_space<hbm>>
      %dma_start3A_260 = arith.constant 0 : i32
      %dma_start3A_261 = tpu.memref_slice %arg14[%add3A_253, %dma_start3A_260] : memref<512x32xf32, #tpu.memory_space<vmem>> -> memref<1x32xf32, #tpu.memory_space<vmem>>
      %dma_start3A_262 = tpu.memref_squeeze %dma_start3A_261 : memref<1x32xf32, #tpu.memory_space<vmem>> -> memref<32xf32, #tpu.memory_space<vmem>>
      %dma_start3A_263 = arith.constant 0 : i32
      %dma_start3A_264 = tpu.memref_slice %arg5[%shift_right_logical3A_247, %and3A_249, %dma_start3A_263] : memref<125000x8x32xf32, #tpu.memory_space<hbm>> -> memref<1x1x32xf32, #tpu.memory_space<hbm>>
      %dma_start3A_265 = tpu.memref_squeeze %dma_start3A_264 : memref<1x1x32xf32, #tpu.memory_space<hbm>> -> memref<32xf32, #tpu.memory_space<hbm>>
      tpu.enqueue_dma source(%dma_start3A_265 : memref<32xf32, #tpu.memory_space<hbm>>) target(%dma_start3A_262 : memref<32xf32, #tpu.memory_space<vmem>>) target_semaphore(%arg15 : memref<!tpu.dma_semaphore, #tpu.memory_space<semaphore_mem>>)
      %slice3A_266 = vector.extract_strided_slice %get3A_50 {offsets = [10], sizes = [1], strides = [1]} : vector<16xi32> to vector<1xi32>
      %squeeze3A_267 = vector.extract %slice3A_266[0] : i32 from vector<1xi32>
      %shift_right_logical3A_268 = arith.constant 3 : i32
      %shift_right_logical3A_269 = arith.shrui %squeeze3A_267, %shift_right_logical3A_268 : i32
      %and3A_270 = arith.constant 7 : i32
      %and3A_271 = arith.andi %squeeze3A_267, %and3A_270 : i32
      %mul3A_272 = arith.constant 16 : i32
      %mul3A_273 = arith.muli %scan3A_45, %mul3A_272 : i32
      %add3A_274 = arith.constant 10 : i32
      %add3A_275 = arith.addi %mul3A_273, %add3A_274 : i32
      %dma_start3A_276 = arith.constant 0 : i32
      %dma_start3A_277 = tpu.memref_slice %arg14[%add3A_275, %dma_start3A_276] : memref<512x32xf32, #tpu.memory_space<vmem>> -> memref<1x32xf32, #tpu.memory_space<vmem>>
      %dma_start3A_278 = tpu.memref_squeeze %dma_start3A_277 : memref<1x32xf32, #tpu.memory_space<vmem>> -> memref<32xf32, #tpu.memory_space<vmem>>
      %dma_start3A_279 = arith.constant 0 : i32
      %dma_start3A_280 = tpu.memref_slice %arg5[%shift_right_logical3A_269, %and3A_271, %dma_start3A_279] : memref<125000x8x32xf32, #tpu.memory_space<hbm>> -> memref<1x1x32xf32, #tpu.memory_space<hbm>>
      %dma_start3A_281 = tpu.memref_squeeze %dma_start3A_280 : memref<1x1x32xf32, #tpu.memory_space<hbm>> -> memref<32xf32, #tpu.memory_space<hbm>>
      %dma_start3A_282 = arith.constant 0 : i32
      %dma_start3A_283 = tpu.memref_slice %arg14[%add3A_275, %dma_start3A_282] : memref<512x32xf32, #tpu.memory_space<vmem>> -> memref<1x32xf32, #tpu.memory_space<vmem>>
      %dma_start3A_284 = tpu.memref_squeeze %dma_start3A_283 : memref<1x32xf32, #tpu.memory_space<vmem>> -> memref<32xf32, #tpu.memory_space<vmem>>
      %dma_start3A_285 = arith.constant 0 : i32
      %dma_start3A_286 = tpu.memref_slice %arg5[%shift_right_logical3A_269, %and3A_271, %dma_start3A_285] : memref<125000x8x32xf32, #tpu.memory_space<hbm>> -> memref<1x1x32xf32, #tpu.memory_space<hbm>>
      %dma_start3A_287 = tpu.memref_squeeze %dma_start3A_286 : memref<1x1x32xf32, #tpu.memory_space<hbm>> -> memref<32xf32, #tpu.memory_space<hbm>>
      tpu.enqueue_dma source(%dma_start3A_287 : memref<32xf32, #tpu.memory_space<hbm>>) target(%dma_start3A_284 : memref<32xf32, #tpu.memory_space<vmem>>) target_semaphore(%arg15 : memref<!tpu.dma_semaphore, #tpu.memory_space<semaphore_mem>>)
      %slice3A_288 = vector.extract_strided_slice %get3A_50 {offsets = [11], sizes = [1], strides = [1]} : vector<16xi32> to vector<1xi32>
      %squeeze3A_289 = vector.extract %slice3A_288[0] : i32 from vector<1xi32>
      %shift_right_logical3A_290 = arith.constant 3 : i32
      %shift_right_logical3A_291 = arith.shrui %squeeze3A_289, %shift_right_logical3A_290 : i32
      %and3A_292 = arith.constant 7 : i32
      %and3A_293 = arith.andi %squeeze3A_289, %and3A_292 : i32
      %mul3A_294 = arith.constant 16 : i32
      %mul3A_295 = arith.muli %scan3A_45, %mul3A_294 : i32
      %add3A_296 = arith.constant 11 : i32
      %add3A_297 = arith.addi %mul3A_295, %add3A_296 : i32
      %dma_start3A_298 = arith.constant 0 : i32
      %dma_start3A_299 = tpu.memref_slice %arg14[%add3A_297, %dma_start3A_298] : memref<512x32xf32, #tpu.memory_space<vmem>> -> memref<1x32xf32, #tpu.memory_space<vmem>>
      %dma_start3A_300 = tpu.memref_squeeze %dma_start3A_299 : memref<1x32xf32, #tpu.memory_space<vmem>> -> memref<32xf32, #tpu.memory_space<vmem>>
      %dma_start3A_301 = arith.constant 0 : i32
      %dma_start3A_302 = tpu.memref_slice %arg5[%shift_right_logical3A_291, %and3A_293, %dma_start3A_301] : memref<125000x8x32xf32, #tpu.memory_space<hbm>> -> memref<1x1x32xf32, #tpu.memory_space<hbm>>
      %dma_start3A_303 = tpu.memref_squeeze %dma_start3A_302 : memref<1x1x32xf32, #tpu.memory_space<hbm>> -> memref<32xf32, #tpu.memory_space<hbm>>
      %dma_start3A_304 = arith.constant 0 : i32
      %dma_start3A_305 = tpu.memref_slice %arg14[%add3A_297, %dma_start3A_304] : memref<512x32xf32, #tpu.memory_space<vmem>> -> memref<1x32xf32, #tpu.memory_space<vmem>>
      %dma_start3A_306 = tpu.memref_squeeze %dma_start3A_305 : memref<1x32xf32, #tpu.memory_space<vmem>> -> memref<32xf32, #tpu.memory_space<vmem>>
      %dma_start3A_307 = arith.constant 0 : i32
      %dma_start3A_308 = tpu.memref_slice %arg5[%shift_right_logical3A_291, %and3A_293, %dma_start3A_307] : memref<125000x8x32xf32, #tpu.memory_space<hbm>> -> memref<1x1x32xf32, #tpu.memory_space<hbm>>
      %dma_start3A_309 = tpu.memref_squeeze %dma_start3A_308 : memref<1x1x32xf32, #tpu.memory_space<hbm>> -> memref<32xf32, #tpu.memory_space<hbm>>
      tpu.enqueue_dma source(%dma_start3A_309 : memref<32xf32, #tpu.memory_space<hbm>>) target(%dma_start3A_306 : memref<32xf32, #tpu.memory_space<vmem>>) target_semaphore(%arg15 : memref<!tpu.dma_semaphore, #tpu.memory_space<semaphore_mem>>)
      %slice3A_310 = vector.extract_strided_slice %get3A_50 {offsets = [12], sizes = [1], strides = [1]} : vector<16xi32> to vector<1xi32>
      %squeeze3A_311 = vector.extract %slice3A_310[0] : i32 from vector<1xi32>
      %shift_right_logical3A_312 = arith.constant 3 : i32
      %shift_right_logical3A_313 = arith.shrui %squeeze3A_311, %shift_right_logical3A_312 : i32
      %and3A_314 = arith.constant 7 : i32
      %and3A_315 = arith.andi %squeeze3A_311, %and3A_314 : i32
      %mul3A_316 = arith.constant 16 : i32
      %mul3A_317 = arith.muli %scan3A_45, %mul3A_316 : i32
      %add3A_318 = arith.constant 12 : i32
      %add3A_319 = arith.addi %mul3A_317, %add3A_318 : i32
      %dma_start3A_320 = arith.constant 0 : i32
      %dma_start3A_321 = tpu.memref_slice %arg14[%add3A_319, %dma_start3A_320] : memref<512x32xf32, #tpu.memory_space<vmem>> -> memref<1x32xf32, #tpu.memory_space<vmem>>
      %dma_start3A_322 = tpu.memref_squeeze %dma_start3A_321 : memref<1x32xf32, #tpu.memory_space<vmem>> -> memref<32xf32, #tpu.memory_space<vmem>>
      %dma_start3A_323 = arith.constant 0 : i32
      %dma_start3A_324 = tpu.memref_slice %arg5[%shift_right_logical3A_313, %and3A_315, %dma_start3A_323] : memref<125000x8x32xf32, #tpu.memory_space<hbm>> -> memref<1x1x32xf32, #tpu.memory_space<hbm>>
      %dma_start3A_325 = tpu.memref_squeeze %dma_start3A_324 : memref<1x1x32xf32, #tpu.memory_space<hbm>> -> memref<32xf32, #tpu.memory_space<hbm>>
      %dma_start3A_326 = arith.constant 0 : i32
      %dma_start3A_327 = tpu.memref_slice %arg14[%add3A_319, %dma_start3A_326] : memref<512x32xf32, #tpu.memory_space<vmem>> -> memref<1x32xf32, #tpu.memory_space<vmem>>
      %dma_start3A_328 = tpu.memref_squeeze %dma_start3A_327 : memref<1x32xf32, #tpu.memory_space<vmem>> -> memref<32xf32, #tpu.memory_space<vmem>>
      %dma_start3A_329 = arith.constant 0 : i32
      %dma_start3A_330 = tpu.memref_slice %arg5[%shift_right_logical3A_313, %and3A_315, %dma_start3A_329] : memref<125000x8x32xf32, #tpu.memory_space<hbm>> -> memref<1x1x32xf32, #tpu.memory_space<hbm>>
      %dma_start3A_331 = tpu.memref_squeeze %dma_start3A_330 : memref<1x1x32xf32, #tpu.memory_space<hbm>> -> memref<32xf32, #tpu.memory_space<hbm>>
      tpu.enqueue_dma source(%dma_start3A_331 : memref<32xf32, #tpu.memory_space<hbm>>) target(%dma_start3A_328 : memref<32xf32, #tpu.memory_space<vmem>>) target_semaphore(%arg15 : memref<!tpu.dma_semaphore, #tpu.memory_space<semaphore_mem>>)
      %slice3A_332 = vector.extract_strided_slice %get3A_50 {offsets = [13], sizes = [1], strides = [1]} : vector<16xi32> to vector<1xi32>
      %squeeze3A_333 = vector.extract %slice3A_332[0] : i32 from vector<1xi32>
      %shift_right_logical3A_334 = arith.constant 3 : i32
      %shift_right_logical3A_335 = arith.shrui %squeeze3A_333, %shift_right_logical3A_334 : i32
      %and3A_336 = arith.constant 7 : i32
      %and3A_337 = arith.andi %squeeze3A_333, %and3A_336 : i32
      %mul3A_338 = arith.constant 16 : i32
      %mul3A_339 = arith.muli %scan3A_45, %mul3A_338 : i32
      %add3A_340 = arith.constant 13 : i32
      %add3A_341 = arith.addi %mul3A_339, %add3A_340 : i32
      %dma_start3A_342 = arith.constant 0 : i32
      %dma_start3A_343 = tpu.memref_slice %arg14[%add3A_341, %dma_start3A_342] : memref<512x32xf32, #tpu.memory_space<vmem>> -> memref<1x32xf32, #tpu.memory_space<vmem>>
      %dma_start3A_344 = tpu.memref_squeeze %dma_start3A_343 : memref<1x32xf32, #tpu.memory_space<vmem>> -> memref<32xf32, #tpu.memory_space<vmem>>
      %dma_start3A_345 = arith.constant 0 : i32
      %dma_start3A_346 = tpu.memref_slice %arg5[%shift_right_logical3A_335, %and3A_337, %dma_start3A_345] : memref<125000x8x32xf32, #tpu.memory_space<hbm>> -> memref<1x1x32xf32, #tpu.memory_space<hbm>>
      %dma_start3A_347 = tpu.memref_squeeze %dma_start3A_346 : memref<1x1x32xf32, #tpu.memory_space<hbm>> -> memref<32xf32, #tpu.memory_space<hbm>>
      %dma_start3A_348 = arith.constant 0 : i32
      %dma_start3A_349 = tpu.memref_slice %arg14[%add3A_341, %dma_start3A_348] : memref<512x32xf32, #tpu.memory_space<vmem>> -> memref<1x32xf32, #tpu.memory_space<vmem>>
      %dma_start3A_350 = tpu.memref_squeeze %dma_start3A_349 : memref<1x32xf32, #tpu.memory_space<vmem>> -> memref<32xf32, #tpu.memory_space<vmem>>
      %dma_start3A_351 = arith.constant 0 : i32
      %dma_start3A_352 = tpu.memref_slice %arg5[%shift_right_logical3A_335, %and3A_337, %dma_start3A_351] : memref<125000x8x32xf32, #tpu.memory_space<hbm>> -> memref<1x1x32xf32, #tpu.memory_space<hbm>>
      %dma_start3A_353 = tpu.memref_squeeze %dma_start3A_352 : memref<1x1x32xf32, #tpu.memory_space<hbm>> -> memref<32xf32, #tpu.memory_space<hbm>>
      tpu.enqueue_dma source(%dma_start3A_353 : memref<32xf32, #tpu.memory_space<hbm>>) target(%dma_start3A_350 : memref<32xf32, #tpu.memory_space<vmem>>) target_semaphore(%arg15 : memref<!tpu.dma_semaphore, #tpu.memory_space<semaphore_mem>>)
      %slice3A_354 = vector.extract_strided_slice %get3A_50 {offsets = [14], sizes = [1], strides = [1]} : vector<16xi32> to vector<1xi32>
      %squeeze3A_355 = vector.extract %slice3A_354[0] : i32 from vector<1xi32>
      %shift_right_logical3A_356 = arith.constant 3 : i32
      %shift_right_logical3A_357 = arith.shrui %squeeze3A_355, %shift_right_logical3A_356 : i32
      %and3A_358 = arith.constant 7 : i32
      %and3A_359 = arith.andi %squeeze3A_355, %and3A_358 : i32
      %mul3A_360 = arith.constant 16 : i32
      %mul3A_361 = arith.muli %scan3A_45, %mul3A_360 : i32
      %add3A_362 = arith.constant 14 : i32
      %add3A_363 = arith.addi %mul3A_361, %add3A_362 : i32
      %dma_start3A_364 = arith.constant 0 : i32
      %dma_start3A_365 = tpu.memref_slice %arg14[%add3A_363, %dma_start3A_364] : memref<512x32xf32, #tpu.memory_space<vmem>> -> memref<1x32xf32, #tpu.memory_space<vmem>>
      %dma_start3A_366 = tpu.memref_squeeze %dma_start3A_365 : memref<1x32xf32, #tpu.memory_space<vmem>> -> memref<32xf32, #tpu.memory_space<vmem>>
      %dma_start3A_367 = arith.constant 0 : i32
      %dma_start3A_368 = tpu.memref_slice %arg5[%shift_right_logical3A_357, %and3A_359, %dma_start3A_367] : memref<125000x8x32xf32, #tpu.memory_space<hbm>> -> memref<1x1x32xf32, #tpu.memory_space<hbm>>
      %dma_start3A_369 = tpu.memref_squeeze %dma_start3A_368 : memref<1x1x32xf32, #tpu.memory_space<hbm>> -> memref<32xf32, #tpu.memory_space<hbm>>
      %dma_start3A_370 = arith.constant 0 : i32
      %dma_start3A_371 = tpu.memref_slice %arg14[%add3A_363, %dma_start3A_370] : memref<512x32xf32, #tpu.memory_space<vmem>> -> memref<1x32xf32, #tpu.memory_space<vmem>>
      %dma_start3A_372 = tpu.memref_squeeze %dma_start3A_371 : memref<1x32xf32, #tpu.memory_space<vmem>> -> memref<32xf32, #tpu.memory_space<vmem>>
      %dma_start3A_373 = arith.constant 0 : i32
      %dma_start3A_374 = tpu.memref_slice %arg5[%shift_right_logical3A_357, %and3A_359, %dma_start3A_373] : memref<125000x8x32xf32, #tpu.memory_space<hbm>> -> memref<1x1x32xf32, #tpu.memory_space<hbm>>
      %dma_start3A_375 = tpu.memref_squeeze %dma_start3A_374 : memref<1x1x32xf32, #tpu.memory_space<hbm>> -> memref<32xf32, #tpu.memory_space<hbm>>
      tpu.enqueue_dma source(%dma_start3A_375 : memref<32xf32, #tpu.memory_space<hbm>>) target(%dma_start3A_372 : memref<32xf32, #tpu.memory_space<vmem>>) target_semaphore(%arg15 : memref<!tpu.dma_semaphore, #tpu.memory_space<semaphore_mem>>)
      %slice3A_376 = vector.extract_strided_slice %get3A_50 {offsets = [15], sizes = [1], strides = [1]} : vector<16xi32> to vector<1xi32>
      %squeeze3A_377 = vector.extract %slice3A_376[0] : i32 from vector<1xi32>
      %shift_right_logical3A_378 = arith.constant 3 : i32
      %shift_right_logical3A_379 = arith.shrui %squeeze3A_377, %shift_right_logical3A_378 : i32
      %and3A_380 = arith.constant 7 : i32
      %and3A_381 = arith.andi %squeeze3A_377, %and3A_380 : i32
      %mul3A_382 = arith.constant 16 : i32
      %mul3A_383 = arith.muli %scan3A_45, %mul3A_382 : i32
      %add3A_384 = arith.constant 15 : i32
      %add3A_385 = arith.addi %mul3A_383, %add3A_384 : i32
      %dma_start3A_386 = arith.constant 0 : i32
      %dma_start3A_387 = tpu.memref_slice %arg14[%add3A_385, %dma_start3A_386] : memref<512x32xf32, #tpu.memory_space<vmem>> -> memref<1x32xf32, #tpu.memory_space<vmem>>
      %dma_start3A_388 = tpu.memref_squeeze %dma_start3A_387 : memref<1x32xf32, #tpu.memory_space<vmem>> -> memref<32xf32, #tpu.memory_space<vmem>>
      %dma_start3A_389 = arith.constant 0 : i32
      %dma_start3A_390 = tpu.memref_slice %arg5[%shift_right_logical3A_379, %and3A_381, %dma_start3A_389] : memref<125000x8x32xf32, #tpu.memory_space<hbm>> -> memref<1x1x32xf32, #tpu.memory_space<hbm>>
      %dma_start3A_391 = tpu.memref_squeeze %dma_start3A_390 : memref<1x1x32xf32, #tpu.memory_space<hbm>> -> memref<32xf32, #tpu.memory_space<hbm>>
      %dma_start3A_392 = arith.constant 0 : i32
      %dma_start3A_393 = tpu.memref_slice %arg14[%add3A_385, %dma_start3A_392] : memref<512x32xf32, #tpu.memory_space<vmem>> -> memref<1x32xf32, #tpu.memory_space<vmem>>
      %dma_start3A_394 = tpu.memref_squeeze %dma_start3A_393 : memref<1x32xf32, #tpu.memory_space<vmem>> -> memref<32xf32, #tpu.memory_space<vmem>>
      %dma_start3A_395 = arith.constant 0 : i32
      %dma_start3A_396 = tpu.memref_slice %arg5[%shift_right_logical3A_379, %and3A_381, %dma_start3A_395] : memref<125000x8x32xf32, #tpu.memory_space<hbm>> -> memref<1x1x32xf32, #tpu.memory_space<hbm>>
      %dma_start3A_397 = tpu.memref_squeeze %dma_start3A_396 : memref<1x1x32xf32, #tpu.memory_space<hbm>> -> memref<32xf32, #tpu.memory_space<hbm>>
      tpu.enqueue_dma source(%dma_start3A_397 : memref<32xf32, #tpu.memory_space<hbm>>) target(%dma_start3A_394 : memref<32xf32, #tpu.memory_space<vmem>>) target_semaphore(%arg15 : memref<!tpu.dma_semaphore, #tpu.memory_space<semaphore_mem>>)
      %scan3A_398 = arith.constant 0 : i32
      scf.yield %scan3A_398 : i32
    }
    %scan3A_18 = arith.constant 32 : i32
    %dma_wait3A_19 = arith.constant 0 : i32
    %dma_wait3A_20 = tpu.memref_slice %arg9[%mul3A_2, %dma_wait3A_19] : memref<16384x32xf32, #tpu.memory_space<hbm>> -> memref<512x32xf32, #tpu.memory_space<hbm>>
    %dma_wait3A_21 = arith.constant 0 : i32
    %dma_wait3A_22 = tpu.memref_slice %arg9[%mul3A_2, %dma_wait3A_21] : memref<16384x32xf32, #tpu.memory_space<hbm>> -> memref<512x32xf32, #tpu.memory_space<hbm>>
    tpu.wait_dma2 semaphore(%arg15 : memref<!tpu.dma_semaphore, #tpu.memory_space<semaphore_mem>>) src(%dma_wait3A_22 : memref<512x32xf32, #tpu.memory_space<hbm>>) dst(%arg14 : memref<512x32xf32, #tpu.memory_space<vmem>>)
    "tpu.region"() ({
      %run_scoped3A = tpu.sem_alloc : memref<!tpu.dma_semaphore, #tpu.memory_space<semaphore_mem>>
      %dma_start3A = arith.constant 0 : i32
      %dma_start3A_45 = tpu.memref_slice %arg9[%mul3A_2, %dma_start3A] : memref<16384x32xf32, #tpu.memory_space<hbm>> -> memref<512x32xf32, #tpu.memory_space<hbm>>
      %dma_start3A_46 = arith.constant 0 : i32
      %dma_start3A_47 = tpu.memref_slice %arg9[%mul3A_2, %dma_start3A_46] : memref<16384x32xf32, #tpu.memory_space<hbm>> -> memref<512x32xf32, #tpu.memory_space<hbm>>
      tpu.enqueue_dma source(%arg14 : memref<512x32xf32, #tpu.memory_space<vmem>>) target(%dma_start3A_47 : memref<512x32xf32, #tpu.memory_space<hbm>>) target_semaphore(%run_scoped3A : memref<!tpu.dma_semaphore, #tpu.memory_space<semaphore_mem>>)
      %dma_wait3A_48 = arith.constant 0 : i32
      %dma_wait3A_49 = tpu.memref_slice %arg9[%mul3A_2, %dma_wait3A_48] : memref<16384x32xf32, #tpu.memory_space<hbm>> -> memref<512x32xf32, #tpu.memory_space<hbm>>
      %dma_wait3A_50 = arith.constant 0 : i32
      %dma_wait3A_51 = tpu.memref_slice %arg9[%mul3A_2, %dma_wait3A_50] : memref<16384x32xf32, #tpu.memory_space<hbm>> -> memref<512x32xf32, #tpu.memory_space<hbm>>
      tpu.wait_dma2 semaphore(%run_scoped3A : memref<!tpu.dma_semaphore, #tpu.memory_space<semaphore_mem>>) src(%arg14 : memref<512x32xf32, #tpu.memory_space<vmem>>) dst(%dma_wait3A_51 : memref<512x32xf32, #tpu.memory_space<hbm>>)
      tpu.yield
    }) : () -> ()
    %scan3A_23 = arith.constant 0 : i32
    %scan3A_24 = arith.constant 0 : i32
    %scan3A_25 = arith.constant 32 : i32
    %scan3A_26 = arith.addi %scan3A_24, %scan3A_25 : i32
    %scan3A_27 = arith.constant 1 : i32
    %scan3A_28 = scf.for %scan3A_45 = %scan3A_24 to %scan3A_26 step %scan3A_27 iter_args(%scan3A_46 = %scan3A_23) -> (i32)  : i32 {
      %mul3A_47 = arith.constant 16 : i32
      %mul3A_48 = arith.muli %scan3A_45, %mul3A_47 : i32
      %get3A = arith.index_cast %mul3A_48 : i32 to index
      %get3A_49 = tpu.vector_load %arg12[%get3A] {strides = array<i32>} : memref<512xi32, #tpu.memory_space<vmem>>, vector<16xi32>,
      %get3A_50 = vector.shape_cast %get3A_49 : vector<16xi32> to vector<16xi32>
      %slice3A = vector.extract_strided_slice %get3A_50 {offsets = [0], sizes = [1], strides = [1]} : vector<16xi32> to vector<1xi32>
      %squeeze3A = vector.extract %slice3A[0] : i32 from vector<1xi32>
      %shift_right_logical3A = arith.constant 3 : i32
      %shift_right_logical3A_51 = arith.shrui %squeeze3A, %shift_right_logical3A : i32
      %and3A = arith.constant 7 : i32
      %and3A_52 = arith.andi %squeeze3A, %and3A : i32
      %mul3A_53 = arith.constant 16 : i32
      %mul3A_54 = arith.muli %scan3A_45, %mul3A_53 : i32
      %add3A_55 = arith.constant 0 : i32
      %add3A_56 = arith.addi %mul3A_54, %add3A_55 : i32
      %dma_start3A = arith.constant 0 : i32
      %dma_start3A_57 = tpu.memref_slice %arg14[%add3A_56, %dma_start3A] : memref<512x32xf32, #tpu.memory_space<vmem>> -> memref<1x32xf32, #tpu.memory_space<vmem>>
      %dma_start3A_58 = tpu.memref_squeeze %dma_start3A_57 : memref<1x32xf32, #tpu.memory_space<vmem>> -> memref<32xf32, #tpu.memory_space<vmem>>
      %dma_start3A_59 = arith.constant 0 : i32
      %dma_start3A_60 = tpu.memref_slice %arg6[%shift_right_logical3A_51, %and3A_52, %dma_start3A_59] : memref<125000x8x32xf32, #tpu.memory_space<hbm>> -> memref<1x1x32xf32, #tpu.memory_space<hbm>>
      %dma_start3A_61 = tpu.memref_squeeze %dma_start3A_60 : memref<1x1x32xf32, #tpu.memory_space<hbm>> -> memref<32xf32, #tpu.memory_space<hbm>>
      %dma_start3A_62 = arith.constant 0 : i32
      %dma_start3A_63 = tpu.memref_slice %arg14[%add3A_56, %dma_start3A_62] : memref<512x32xf32, #tpu.memory_space<vmem>> -> memref<1x32xf32, #tpu.memory_space<vmem>>
      %dma_start3A_64 = tpu.memref_squeeze %dma_start3A_63 : memref<1x32xf32, #tpu.memory_space<vmem>> -> memref<32xf32, #tpu.memory_space<vmem>>
      %dma_start3A_65 = arith.constant 0 : i32
      %dma_start3A_66 = tpu.memref_slice %arg6[%shift_right_logical3A_51, %and3A_52, %dma_start3A_65] : memref<125000x8x32xf32, #tpu.memory_space<hbm>> -> memref<1x1x32xf32, #tpu.memory_space<hbm>>
      %dma_start3A_67 = tpu.memref_squeeze %dma_start3A_66 : memref<1x1x32xf32, #tpu.memory_space<hbm>> -> memref<32xf32, #tpu.memory_space<hbm>>
      tpu.enqueue_dma source(%dma_start3A_67 : memref<32xf32, #tpu.memory_space<hbm>>) target(%dma_start3A_64 : memref<32xf32, #tpu.memory_space<vmem>>) target_semaphore(%arg15 : memref<!tpu.dma_semaphore, #tpu.memory_space<semaphore_mem>>)
      %slice3A_68 = vector.extract_strided_slice %get3A_50 {offsets = [1], sizes = [1], strides = [1]} : vector<16xi32> to vector<1xi32>
      %squeeze3A_69 = vector.extract %slice3A_68[0] : i32 from vector<1xi32>
      %shift_right_logical3A_70 = arith.constant 3 : i32
      %shift_right_logical3A_71 = arith.shrui %squeeze3A_69, %shift_right_logical3A_70 : i32
      %and3A_72 = arith.constant 7 : i32
      %and3A_73 = arith.andi %squeeze3A_69, %and3A_72 : i32
      %mul3A_74 = arith.constant 16 : i32
      %mul3A_75 = arith.muli %scan3A_45, %mul3A_74 : i32
      %add3A_76 = arith.constant 1 : i32
      %add3A_77 = arith.addi %mul3A_75, %add3A_76 : i32
      %dma_start3A_78 = arith.constant 0 : i32
      %dma_start3A_79 = tpu.memref_slice %arg14[%add3A_77, %dma_start3A_78] : memref<512x32xf32, #tpu.memory_space<vmem>> -> memref<1x32xf32, #tpu.memory_space<vmem>>
      %dma_start3A_80 = tpu.memref_squeeze %dma_start3A_79 : memref<1x32xf32, #tpu.memory_space<vmem>> -> memref<32xf32, #tpu.memory_space<vmem>>
      %dma_start3A_81 = arith.constant 0 : i32
      %dma_start3A_82 = tpu.memref_slice %arg6[%shift_right_logical3A_71, %and3A_73, %dma_start3A_81] : memref<125000x8x32xf32, #tpu.memory_space<hbm>> -> memref<1x1x32xf32, #tpu.memory_space<hbm>>
      %dma_start3A_83 = tpu.memref_squeeze %dma_start3A_82 : memref<1x1x32xf32, #tpu.memory_space<hbm>> -> memref<32xf32, #tpu.memory_space<hbm>>
      %dma_start3A_84 = arith.constant 0 : i32
      %dma_start3A_85 = tpu.memref_slice %arg14[%add3A_77, %dma_start3A_84] : memref<512x32xf32, #tpu.memory_space<vmem>> -> memref<1x32xf32, #tpu.memory_space<vmem>>
      %dma_start3A_86 = tpu.memref_squeeze %dma_start3A_85 : memref<1x32xf32, #tpu.memory_space<vmem>> -> memref<32xf32, #tpu.memory_space<vmem>>
      %dma_start3A_87 = arith.constant 0 : i32
      %dma_start3A_88 = tpu.memref_slice %arg6[%shift_right_logical3A_71, %and3A_73, %dma_start3A_87] : memref<125000x8x32xf32, #tpu.memory_space<hbm>> -> memref<1x1x32xf32, #tpu.memory_space<hbm>>
      %dma_start3A_89 = tpu.memref_squeeze %dma_start3A_88 : memref<1x1x32xf32, #tpu.memory_space<hbm>> -> memref<32xf32, #tpu.memory_space<hbm>>
      tpu.enqueue_dma source(%dma_start3A_89 : memref<32xf32, #tpu.memory_space<hbm>>) target(%dma_start3A_86 : memref<32xf32, #tpu.memory_space<vmem>>) target_semaphore(%arg15 : memref<!tpu.dma_semaphore, #tpu.memory_space<semaphore_mem>>)
      %slice3A_90 = vector.extract_strided_slice %get3A_50 {offsets = [2], sizes = [1], strides = [1]} : vector<16xi32> to vector<1xi32>
      %squeeze3A_91 = vector.extract %slice3A_90[0] : i32 from vector<1xi32>
      %shift_right_logical3A_92 = arith.constant 3 : i32
      %shift_right_logical3A_93 = arith.shrui %squeeze3A_91, %shift_right_logical3A_92 : i32
      %and3A_94 = arith.constant 7 : i32
      %and3A_95 = arith.andi %squeeze3A_91, %and3A_94 : i32
      %mul3A_96 = arith.constant 16 : i32
      %mul3A_97 = arith.muli %scan3A_45, %mul3A_96 : i32
      %add3A_98 = arith.constant 2 : i32
      %add3A_99 = arith.addi %mul3A_97, %add3A_98 : i32
      %dma_start3A_100 = arith.constant 0 : i32
      %dma_start3A_101 = tpu.memref_slice %arg14[%add3A_99, %dma_start3A_100] : memref<512x32xf32, #tpu.memory_space<vmem>> -> memref<1x32xf32, #tpu.memory_space<vmem>>
      %dma_start3A_102 = tpu.memref_squeeze %dma_start3A_101 : memref<1x32xf32, #tpu.memory_space<vmem>> -> memref<32xf32, #tpu.memory_space<vmem>>
      %dma_start3A_103 = arith.constant 0 : i32
      %dma_start3A_104 = tpu.memref_slice %arg6[%shift_right_logical3A_93, %and3A_95, %dma_start3A_103] : memref<125000x8x32xf32, #tpu.memory_space<hbm>> -> memref<1x1x32xf32, #tpu.memory_space<hbm>>
      %dma_start3A_105 = tpu.memref_squeeze %dma_start3A_104 : memref<1x1x32xf32, #tpu.memory_space<hbm>> -> memref<32xf32, #tpu.memory_space<hbm>>
      %dma_start3A_106 = arith.constant 0 : i32
      %dma_start3A_107 = tpu.memref_slice %arg14[%add3A_99, %dma_start3A_106] : memref<512x32xf32, #tpu.memory_space<vmem>> -> memref<1x32xf32, #tpu.memory_space<vmem>>
      %dma_start3A_108 = tpu.memref_squeeze %dma_start3A_107 : memref<1x32xf32, #tpu.memory_space<vmem>> -> memref<32xf32, #tpu.memory_space<vmem>>
      %dma_start3A_109 = arith.constant 0 : i32
      %dma_start3A_110 = tpu.memref_slice %arg6[%shift_right_logical3A_93, %and3A_95, %dma_start3A_109] : memref<125000x8x32xf32, #tpu.memory_space<hbm>> -> memref<1x1x32xf32, #tpu.memory_space<hbm>>
      %dma_start3A_111 = tpu.memref_squeeze %dma_start3A_110 : memref<1x1x32xf32, #tpu.memory_space<hbm>> -> memref<32xf32, #tpu.memory_space<hbm>>
      tpu.enqueue_dma source(%dma_start3A_111 : memref<32xf32, #tpu.memory_space<hbm>>) target(%dma_start3A_108 : memref<32xf32, #tpu.memory_space<vmem>>) target_semaphore(%arg15 : memref<!tpu.dma_semaphore, #tpu.memory_space<semaphore_mem>>)
      %slice3A_112 = vector.extract_strided_slice %get3A_50 {offsets = [3], sizes = [1], strides = [1]} : vector<16xi32> to vector<1xi32>
      %squeeze3A_113 = vector.extract %slice3A_112[0] : i32 from vector<1xi32>
      %shift_right_logical3A_114 = arith.constant 3 : i32
      %shift_right_logical3A_115 = arith.shrui %squeeze3A_113, %shift_right_logical3A_114 : i32
      %and3A_116 = arith.constant 7 : i32
      %and3A_117 = arith.andi %squeeze3A_113, %and3A_116 : i32
      %mul3A_118 = arith.constant 16 : i32
      %mul3A_119 = arith.muli %scan3A_45, %mul3A_118 : i32
      %add3A_120 = arith.constant 3 : i32
      %add3A_121 = arith.addi %mul3A_119, %add3A_120 : i32
      %dma_start3A_122 = arith.constant 0 : i32
      %dma_start3A_123 = tpu.memref_slice %arg14[%add3A_121, %dma_start3A_122] : memref<512x32xf32, #tpu.memory_space<vmem>> -> memref<1x32xf32, #tpu.memory_space<vmem>>
      %dma_start3A_124 = tpu.memref_squeeze %dma_start3A_123 : memref<1x32xf32, #tpu.memory_space<vmem>> -> memref<32xf32, #tpu.memory_space<vmem>>
      %dma_start3A_125 = arith.constant 0 : i32
      %dma_start3A_126 = tpu.memref_slice %arg6[%shift_right_logical3A_115, %and3A_117, %dma_start3A_125] : memref<125000x8x32xf32, #tpu.memory_space<hbm>> -> memref<1x1x32xf32, #tpu.memory_space<hbm>>
      %dma_start3A_127 = tpu.memref_squeeze %dma_start3A_126 : memref<1x1x32xf32, #tpu.memory_space<hbm>> -> memref<32xf32, #tpu.memory_space<hbm>>
      %dma_start3A_128 = arith.constant 0 : i32
      %dma_start3A_129 = tpu.memref_slice %arg14[%add3A_121, %dma_start3A_128] : memref<512x32xf32, #tpu.memory_space<vmem>> -> memref<1x32xf32, #tpu.memory_space<vmem>>
      %dma_start3A_130 = tpu.memref_squeeze %dma_start3A_129 : memref<1x32xf32, #tpu.memory_space<vmem>> -> memref<32xf32, #tpu.memory_space<vmem>>
      %dma_start3A_131 = arith.constant 0 : i32
      %dma_start3A_132 = tpu.memref_slice %arg6[%shift_right_logical3A_115, %and3A_117, %dma_start3A_131] : memref<125000x8x32xf32, #tpu.memory_space<hbm>> -> memref<1x1x32xf32, #tpu.memory_space<hbm>>
      %dma_start3A_133 = tpu.memref_squeeze %dma_start3A_132 : memref<1x1x32xf32, #tpu.memory_space<hbm>> -> memref<32xf32, #tpu.memory_space<hbm>>
      tpu.enqueue_dma source(%dma_start3A_133 : memref<32xf32, #tpu.memory_space<hbm>>) target(%dma_start3A_130 : memref<32xf32, #tpu.memory_space<vmem>>) target_semaphore(%arg15 : memref<!tpu.dma_semaphore, #tpu.memory_space<semaphore_mem>>)
      %slice3A_134 = vector.extract_strided_slice %get3A_50 {offsets = [4], sizes = [1], strides = [1]} : vector<16xi32> to vector<1xi32>
      %squeeze3A_135 = vector.extract %slice3A_134[0] : i32 from vector<1xi32>
      %shift_right_logical3A_136 = arith.constant 3 : i32
      %shift_right_logical3A_137 = arith.shrui %squeeze3A_135, %shift_right_logical3A_136 : i32
      %and3A_138 = arith.constant 7 : i32
      %and3A_139 = arith.andi %squeeze3A_135, %and3A_138 : i32
      %mul3A_140 = arith.constant 16 : i32
      %mul3A_141 = arith.muli %scan3A_45, %mul3A_140 : i32
      %add3A_142 = arith.constant 4 : i32
      %add3A_143 = arith.addi %mul3A_141, %add3A_142 : i32
      %dma_start3A_144 = arith.constant 0 : i32
      %dma_start3A_145 = tpu.memref_slice %arg14[%add3A_143, %dma_start3A_144] : memref<512x32xf32, #tpu.memory_space<vmem>> -> memref<1x32xf32, #tpu.memory_space<vmem>>
      %dma_start3A_146 = tpu.memref_squeeze %dma_start3A_145 : memref<1x32xf32, #tpu.memory_space<vmem>> -> memref<32xf32, #tpu.memory_space<vmem>>
      %dma_start3A_147 = arith.constant 0 : i32
      %dma_start3A_148 = tpu.memref_slice %arg6[%shift_right_logical3A_137, %and3A_139, %dma_start3A_147] : memref<125000x8x32xf32, #tpu.memory_space<hbm>> -> memref<1x1x32xf32, #tpu.memory_space<hbm>>
      %dma_start3A_149 = tpu.memref_squeeze %dma_start3A_148 : memref<1x1x32xf32, #tpu.memory_space<hbm>> -> memref<32xf32, #tpu.memory_space<hbm>>
      %dma_start3A_150 = arith.constant 0 : i32
      %dma_start3A_151 = tpu.memref_slice %arg14[%add3A_143, %dma_start3A_150] : memref<512x32xf32, #tpu.memory_space<vmem>> -> memref<1x32xf32, #tpu.memory_space<vmem>>
      %dma_start3A_152 = tpu.memref_squeeze %dma_start3A_151 : memref<1x32xf32, #tpu.memory_space<vmem>> -> memref<32xf32, #tpu.memory_space<vmem>>
      %dma_start3A_153 = arith.constant 0 : i32
      %dma_start3A_154 = tpu.memref_slice %arg6[%shift_right_logical3A_137, %and3A_139, %dma_start3A_153] : memref<125000x8x32xf32, #tpu.memory_space<hbm>> -> memref<1x1x32xf32, #tpu.memory_space<hbm>>
      %dma_start3A_155 = tpu.memref_squeeze %dma_start3A_154 : memref<1x1x32xf32, #tpu.memory_space<hbm>> -> memref<32xf32, #tpu.memory_space<hbm>>
      tpu.enqueue_dma source(%dma_start3A_155 : memref<32xf32, #tpu.memory_space<hbm>>) target(%dma_start3A_152 : memref<32xf32, #tpu.memory_space<vmem>>) target_semaphore(%arg15 : memref<!tpu.dma_semaphore, #tpu.memory_space<semaphore_mem>>)
      %slice3A_156 = vector.extract_strided_slice %get3A_50 {offsets = [5], sizes = [1], strides = [1]} : vector<16xi32> to vector<1xi32>
      %squeeze3A_157 = vector.extract %slice3A_156[0] : i32 from vector<1xi32>
      %shift_right_logical3A_158 = arith.constant 3 : i32
      %shift_right_logical3A_159 = arith.shrui %squeeze3A_157, %shift_right_logical3A_158 : i32
      %and3A_160 = arith.constant 7 : i32
      %and3A_161 = arith.andi %squeeze3A_157, %and3A_160 : i32
      %mul3A_162 = arith.constant 16 : i32
      %mul3A_163 = arith.muli %scan3A_45, %mul3A_162 : i32
      %add3A_164 = arith.constant 5 : i32
      %add3A_165 = arith.addi %mul3A_163, %add3A_164 : i32
      %dma_start3A_166 = arith.constant 0 : i32
      %dma_start3A_167 = tpu.memref_slice %arg14[%add3A_165, %dma_start3A_166] : memref<512x32xf32, #tpu.memory_space<vmem>> -> memref<1x32xf32, #tpu.memory_space<vmem>>
      %dma_start3A_168 = tpu.memref_squeeze %dma_start3A_167 : memref<1x32xf32, #tpu.memory_space<vmem>> -> memref<32xf32, #tpu.memory_space<vmem>>
      %dma_start3A_169 = arith.constant 0 : i32
      %dma_start3A_170 = tpu.memref_slice %arg6[%shift_right_logical3A_159, %and3A_161, %dma_start3A_169] : memref<125000x8x32xf32, #tpu.memory_space<hbm>> -> memref<1x1x32xf32, #tpu.memory_space<hbm>>
      %dma_start3A_171 = tpu.memref_squeeze %dma_start3A_170 : memref<1x1x32xf32, #tpu.memory_space<hbm>> -> memref<32xf32, #tpu.memory_space<hbm>>
      %dma_start3A_172 = arith.constant 0 : i32
      %dma_start3A_173 = tpu.memref_slice %arg14[%add3A_165, %dma_start3A_172] : memref<512x32xf32, #tpu.memory_space<vmem>> -> memref<1x32xf32, #tpu.memory_space<vmem>>
      %dma_start3A_174 = tpu.memref_squeeze %dma_start3A_173 : memref<1x32xf32, #tpu.memory_space<vmem>> -> memref<32xf32, #tpu.memory_space<vmem>>
      %dma_start3A_175 = arith.constant 0 : i32
      %dma_start3A_176 = tpu.memref_slice %arg6[%shift_right_logical3A_159, %and3A_161, %dma_start3A_175] : memref<125000x8x32xf32, #tpu.memory_space<hbm>> -> memref<1x1x32xf32, #tpu.memory_space<hbm>>
      %dma_start3A_177 = tpu.memref_squeeze %dma_start3A_176 : memref<1x1x32xf32, #tpu.memory_space<hbm>> -> memref<32xf32, #tpu.memory_space<hbm>>
      tpu.enqueue_dma source(%dma_start3A_177 : memref<32xf32, #tpu.memory_space<hbm>>) target(%dma_start3A_174 : memref<32xf32, #tpu.memory_space<vmem>>) target_semaphore(%arg15 : memref<!tpu.dma_semaphore, #tpu.memory_space<semaphore_mem>>)
      %slice3A_178 = vector.extract_strided_slice %get3A_50 {offsets = [6], sizes = [1], strides = [1]} : vector<16xi32> to vector<1xi32>
      %squeeze3A_179 = vector.extract %slice3A_178[0] : i32 from vector<1xi32>
      %shift_right_logical3A_180 = arith.constant 3 : i32
      %shift_right_logical3A_181 = arith.shrui %squeeze3A_179, %shift_right_logical3A_180 : i32
      %and3A_182 = arith.constant 7 : i32
      %and3A_183 = arith.andi %squeeze3A_179, %and3A_182 : i32
      %mul3A_184 = arith.constant 16 : i32
      %mul3A_185 = arith.muli %scan3A_45, %mul3A_184 : i32
      %add3A_186 = arith.constant 6 : i32
      %add3A_187 = arith.addi %mul3A_185, %add3A_186 : i32
      %dma_start3A_188 = arith.constant 0 : i32
      %dma_start3A_189 = tpu.memref_slice %arg14[%add3A_187, %dma_start3A_188] : memref<512x32xf32, #tpu.memory_space<vmem>> -> memref<1x32xf32, #tpu.memory_space<vmem>>
      %dma_start3A_190 = tpu.memref_squeeze %dma_start3A_189 : memref<1x32xf32, #tpu.memory_space<vmem>> -> memref<32xf32, #tpu.memory_space<vmem>>
      %dma_start3A_191 = arith.constant 0 : i32
      %dma_start3A_192 = tpu.memref_slice %arg6[%shift_right_logical3A_181, %and3A_183, %dma_start3A_191] : memref<125000x8x32xf32, #tpu.memory_space<hbm>> -> memref<1x1x32xf32, #tpu.memory_space<hbm>>
      %dma_start3A_193 = tpu.memref_squeeze %dma_start3A_192 : memref<1x1x32xf32, #tpu.memory_space<hbm>> -> memref<32xf32, #tpu.memory_space<hbm>>
      %dma_start3A_194 = arith.constant 0 : i32
      %dma_start3A_195 = tpu.memref_slice %arg14[%add3A_187, %dma_start3A_194] : memref<512x32xf32, #tpu.memory_space<vmem>> -> memref<1x32xf32, #tpu.memory_space<vmem>>
      %dma_start3A_196 = tpu.memref_squeeze %dma_start3A_195 : memref<1x32xf32, #tpu.memory_space<vmem>> -> memref<32xf32, #tpu.memory_space<vmem>>
      %dma_start3A_197 = arith.constant 0 : i32
      %dma_start3A_198 = tpu.memref_slice %arg6[%shift_right_logical3A_181, %and3A_183, %dma_start3A_197] : memref<125000x8x32xf32, #tpu.memory_space<hbm>> -> memref<1x1x32xf32, #tpu.memory_space<hbm>>
      %dma_start3A_199 = tpu.memref_squeeze %dma_start3A_198 : memref<1x1x32xf32, #tpu.memory_space<hbm>> -> memref<32xf32, #tpu.memory_space<hbm>>
      tpu.enqueue_dma source(%dma_start3A_199 : memref<32xf32, #tpu.memory_space<hbm>>) target(%dma_start3A_196 : memref<32xf32, #tpu.memory_space<vmem>>) target_semaphore(%arg15 : memref<!tpu.dma_semaphore, #tpu.memory_space<semaphore_mem>>)
      %slice3A_200 = vector.extract_strided_slice %get3A_50 {offsets = [7], sizes = [1], strides = [1]} : vector<16xi32> to vector<1xi32>
      %squeeze3A_201 = vector.extract %slice3A_200[0] : i32 from vector<1xi32>
      %shift_right_logical3A_202 = arith.constant 3 : i32
      %shift_right_logical3A_203 = arith.shrui %squeeze3A_201, %shift_right_logical3A_202 : i32
      %and3A_204 = arith.constant 7 : i32
      %and3A_205 = arith.andi %squeeze3A_201, %and3A_204 : i32
      %mul3A_206 = arith.constant 16 : i32
      %mul3A_207 = arith.muli %scan3A_45, %mul3A_206 : i32
      %add3A_208 = arith.constant 7 : i32
      %add3A_209 = arith.addi %mul3A_207, %add3A_208 : i32
      %dma_start3A_210 = arith.constant 0 : i32
      %dma_start3A_211 = tpu.memref_slice %arg14[%add3A_209, %dma_start3A_210] : memref<512x32xf32, #tpu.memory_space<vmem>> -> memref<1x32xf32, #tpu.memory_space<vmem>>
      %dma_start3A_212 = tpu.memref_squeeze %dma_start3A_211 : memref<1x32xf32, #tpu.memory_space<vmem>> -> memref<32xf32, #tpu.memory_space<vmem>>
      %dma_start3A_213 = arith.constant 0 : i32
      %dma_start3A_214 = tpu.memref_slice %arg6[%shift_right_logical3A_203, %and3A_205, %dma_start3A_213] : memref<125000x8x32xf32, #tpu.memory_space<hbm>> -> memref<1x1x32xf32, #tpu.memory_space<hbm>>
      %dma_start3A_215 = tpu.memref_squeeze %dma_start3A_214 : memref<1x1x32xf32, #tpu.memory_space<hbm>> -> memref<32xf32, #tpu.memory_space<hbm>>
      %dma_start3A_216 = arith.constant 0 : i32
      %dma_start3A_217 = tpu.memref_slice %arg14[%add3A_209, %dma_start3A_216] : memref<512x32xf32, #tpu.memory_space<vmem>> -> memref<1x32xf32, #tpu.memory_space<vmem>>
      %dma_start3A_218 = tpu.memref_squeeze %dma_start3A_217 : memref<1x32xf32, #tpu.memory_space<vmem>> -> memref<32xf32, #tpu.memory_space<vmem>>
      %dma_start3A_219 = arith.constant 0 : i32
      %dma_start3A_220 = tpu.memref_slice %arg6[%shift_right_logical3A_203, %and3A_205, %dma_start3A_219] : memref<125000x8x32xf32, #tpu.memory_space<hbm>> -> memref<1x1x32xf32, #tpu.memory_space<hbm>>
      %dma_start3A_221 = tpu.memref_squeeze %dma_start3A_220 : memref<1x1x32xf32, #tpu.memory_space<hbm>> -> memref<32xf32, #tpu.memory_space<hbm>>
      tpu.enqueue_dma source(%dma_start3A_221 : memref<32xf32, #tpu.memory_space<hbm>>) target(%dma_start3A_218 : memref<32xf32, #tpu.memory_space<vmem>>) target_semaphore(%arg15 : memref<!tpu.dma_semaphore, #tpu.memory_space<semaphore_mem>>)
      %slice3A_222 = vector.extract_strided_slice %get3A_50 {offsets = [8], sizes = [1], strides = [1]} : vector<16xi32> to vector<1xi32>
      %squeeze3A_223 = vector.extract %slice3A_222[0] : i32 from vector<1xi32>
      %shift_right_logical3A_224 = arith.constant 3 : i32
      %shift_right_logical3A_225 = arith.shrui %squeeze3A_223, %shift_right_logical3A_224 : i32
      %and3A_226 = arith.constant 7 : i32
      %and3A_227 = arith.andi %squeeze3A_223, %and3A_226 : i32
      %mul3A_228 = arith.constant 16 : i32
      %mul3A_229 = arith.muli %scan3A_45, %mul3A_228 : i32
      %add3A_230 = arith.constant 8 : i32
      %add3A_231 = arith.addi %mul3A_229, %add3A_230 : i32
      %dma_start3A_232 = arith.constant 0 : i32
      %dma_start3A_233 = tpu.memref_slice %arg14[%add3A_231, %dma_start3A_232] : memref<512x32xf32, #tpu.memory_space<vmem>> -> memref<1x32xf32, #tpu.memory_space<vmem>>
      %dma_start3A_234 = tpu.memref_squeeze %dma_start3A_233 : memref<1x32xf32, #tpu.memory_space<vmem>> -> memref<32xf32, #tpu.memory_space<vmem>>
      %dma_start3A_235 = arith.constant 0 : i32
      %dma_start3A_236 = tpu.memref_slice %arg6[%shift_right_logical3A_225, %and3A_227, %dma_start3A_235] : memref<125000x8x32xf32, #tpu.memory_space<hbm>> -> memref<1x1x32xf32, #tpu.memory_space<hbm>>
      %dma_start3A_237 = tpu.memref_squeeze %dma_start3A_236 : memref<1x1x32xf32, #tpu.memory_space<hbm>> -> memref<32xf32, #tpu.memory_space<hbm>>
      %dma_start3A_238 = arith.constant 0 : i32
      %dma_start3A_239 = tpu.memref_slice %arg14[%add3A_231, %dma_start3A_238] : memref<512x32xf32, #tpu.memory_space<vmem>> -> memref<1x32xf32, #tpu.memory_space<vmem>>
      %dma_start3A_240 = tpu.memref_squeeze %dma_start3A_239 : memref<1x32xf32, #tpu.memory_space<vmem>> -> memref<32xf32, #tpu.memory_space<vmem>>
      %dma_start3A_241 = arith.constant 0 : i32
      %dma_start3A_242 = tpu.memref_slice %arg6[%shift_right_logical3A_225, %and3A_227, %dma_start3A_241] : memref<125000x8x32xf32, #tpu.memory_space<hbm>> -> memref<1x1x32xf32, #tpu.memory_space<hbm>>
      %dma_start3A_243 = tpu.memref_squeeze %dma_start3A_242 : memref<1x1x32xf32, #tpu.memory_space<hbm>> -> memref<32xf32, #tpu.memory_space<hbm>>
      tpu.enqueue_dma source(%dma_start3A_243 : memref<32xf32, #tpu.memory_space<hbm>>) target(%dma_start3A_240 : memref<32xf32, #tpu.memory_space<vmem>>) target_semaphore(%arg15 : memref<!tpu.dma_semaphore, #tpu.memory_space<semaphore_mem>>)
      %slice3A_244 = vector.extract_strided_slice %get3A_50 {offsets = [9], sizes = [1], strides = [1]} : vector<16xi32> to vector<1xi32>
      %squeeze3A_245 = vector.extract %slice3A_244[0] : i32 from vector<1xi32>
      %shift_right_logical3A_246 = arith.constant 3 : i32
      %shift_right_logical3A_247 = arith.shrui %squeeze3A_245, %shift_right_logical3A_246 : i32
      %and3A_248 = arith.constant 7 : i32
      %and3A_249 = arith.andi %squeeze3A_245, %and3A_248 : i32
      %mul3A_250 = arith.constant 16 : i32
      %mul3A_251 = arith.muli %scan3A_45, %mul3A_250 : i32
      %add3A_252 = arith.constant 9 : i32
      %add3A_253 = arith.addi %mul3A_251, %add3A_252 : i32
      %dma_start3A_254 = arith.constant 0 : i32
      %dma_start3A_255 = tpu.memref_slice %arg14[%add3A_253, %dma_start3A_254] : memref<512x32xf32, #tpu.memory_space<vmem>> -> memref<1x32xf32, #tpu.memory_space<vmem>>
      %dma_start3A_256 = tpu.memref_squeeze %dma_start3A_255 : memref<1x32xf32, #tpu.memory_space<vmem>> -> memref<32xf32, #tpu.memory_space<vmem>>
      %dma_start3A_257 = arith.constant 0 : i32
      %dma_start3A_258 = tpu.memref_slice %arg6[%shift_right_logical3A_247, %and3A_249, %dma_start3A_257] : memref<125000x8x32xf32, #tpu.memory_space<hbm>> -> memref<1x1x32xf32, #tpu.memory_space<hbm>>
      %dma_start3A_259 = tpu.memref_squeeze %dma_start3A_258 : memref<1x1x32xf32, #tpu.memory_space<hbm>> -> memref<32xf32, #tpu.memory_space<hbm>>
      %dma_start3A_260 = arith.constant 0 : i32
      %dma_start3A_261 = tpu.memref_slice %arg14[%add3A_253, %dma_start3A_260] : memref<512x32xf32, #tpu.memory_space<vmem>> -> memref<1x32xf32, #tpu.memory_space<vmem>>
      %dma_start3A_262 = tpu.memref_squeeze %dma_start3A_261 : memref<1x32xf32, #tpu.memory_space<vmem>> -> memref<32xf32, #tpu.memory_space<vmem>>
      %dma_start3A_263 = arith.constant 0 : i32
      %dma_start3A_264 = tpu.memref_slice %arg6[%shift_right_logical3A_247, %and3A_249, %dma_start3A_263] : memref<125000x8x32xf32, #tpu.memory_space<hbm>> -> memref<1x1x32xf32, #tpu.memory_space<hbm>>
      %dma_start3A_265 = tpu.memref_squeeze %dma_start3A_264 : memref<1x1x32xf32, #tpu.memory_space<hbm>> -> memref<32xf32, #tpu.memory_space<hbm>>
      tpu.enqueue_dma source(%dma_start3A_265 : memref<32xf32, #tpu.memory_space<hbm>>) target(%dma_start3A_262 : memref<32xf32, #tpu.memory_space<vmem>>) target_semaphore(%arg15 : memref<!tpu.dma_semaphore, #tpu.memory_space<semaphore_mem>>)
      %slice3A_266 = vector.extract_strided_slice %get3A_50 {offsets = [10], sizes = [1], strides = [1]} : vector<16xi32> to vector<1xi32>
      %squeeze3A_267 = vector.extract %slice3A_266[0] : i32 from vector<1xi32>
      %shift_right_logical3A_268 = arith.constant 3 : i32
      %shift_right_logical3A_269 = arith.shrui %squeeze3A_267, %shift_right_logical3A_268 : i32
      %and3A_270 = arith.constant 7 : i32
      %and3A_271 = arith.andi %squeeze3A_267, %and3A_270 : i32
      %mul3A_272 = arith.constant 16 : i32
      %mul3A_273 = arith.muli %scan3A_45, %mul3A_272 : i32
      %add3A_274 = arith.constant 10 : i32
      %add3A_275 = arith.addi %mul3A_273, %add3A_274 : i32
      %dma_start3A_276 = arith.constant 0 : i32
      %dma_start3A_277 = tpu.memref_slice %arg14[%add3A_275, %dma_start3A_276] : memref<512x32xf32, #tpu.memory_space<vmem>> -> memref<1x32xf32, #tpu.memory_space<vmem>>
      %dma_start3A_278 = tpu.memref_squeeze %dma_start3A_277 : memref<1x32xf32, #tpu.memory_space<vmem>> -> memref<32xf32, #tpu.memory_space<vmem>>
      %dma_start3A_279 = arith.constant 0 : i32
      %dma_start3A_280 = tpu.memref_slice %arg6[%shift_right_logical3A_269, %and3A_271, %dma_start3A_279] : memref<125000x8x32xf32, #tpu.memory_space<hbm>> -> memref<1x1x32xf32, #tpu.memory_space<hbm>>
      %dma_start3A_281 = tpu.memref_squeeze %dma_start3A_280 : memref<1x1x32xf32, #tpu.memory_space<hbm>> -> memref<32xf32, #tpu.memory_space<hbm>>
      %dma_start3A_282 = arith.constant 0 : i32
      %dma_start3A_283 = tpu.memref_slice %arg14[%add3A_275, %dma_start3A_282] : memref<512x32xf32, #tpu.memory_space<vmem>> -> memref<1x32xf32, #tpu.memory_space<vmem>>
      %dma_start3A_284 = tpu.memref_squeeze %dma_start3A_283 : memref<1x32xf32, #tpu.memory_space<vmem>> -> memref<32xf32, #tpu.memory_space<vmem>>
      %dma_start3A_285 = arith.constant 0 : i32
      %dma_start3A_286 = tpu.memref_slice %arg6[%shift_right_logical3A_269, %and3A_271, %dma_start3A_285] : memref<125000x8x32xf32, #tpu.memory_space<hbm>> -> memref<1x1x32xf32, #tpu.memory_space<hbm>>
      %dma_start3A_287 = tpu.memref_squeeze %dma_start3A_286 : memref<1x1x32xf32, #tpu.memory_space<hbm>> -> memref<32xf32, #tpu.memory_space<hbm>>
      tpu.enqueue_dma source(%dma_start3A_287 : memref<32xf32, #tpu.memory_space<hbm>>) target(%dma_start3A_284 : memref<32xf32, #tpu.memory_space<vmem>>) target_semaphore(%arg15 : memref<!tpu.dma_semaphore, #tpu.memory_space<semaphore_mem>>)
      %slice3A_288 = vector.extract_strided_slice %get3A_50 {offsets = [11], sizes = [1], strides = [1]} : vector<16xi32> to vector<1xi32>
      %squeeze3A_289 = vector.extract %slice3A_288[0] : i32 from vector<1xi32>
      %shift_right_logical3A_290 = arith.constant 3 : i32
      %shift_right_logical3A_291 = arith.shrui %squeeze3A_289, %shift_right_logical3A_290 : i32
      %and3A_292 = arith.constant 7 : i32
      %and3A_293 = arith.andi %squeeze3A_289, %and3A_292 : i32
      %mul3A_294 = arith.constant 16 : i32
      %mul3A_295 = arith.muli %scan3A_45, %mul3A_294 : i32
      %add3A_296 = arith.constant 11 : i32
      %add3A_297 = arith.addi %mul3A_295, %add3A_296 : i32
      %dma_start3A_298 = arith.constant 0 : i32
      %dma_start3A_299 = tpu.memref_slice %arg14[%add3A_297, %dma_start3A_298] : memref<512x32xf32, #tpu.memory_space<vmem>> -> memref<1x32xf32, #tpu.memory_space<vmem>>
      %dma_start3A_300 = tpu.memref_squeeze %dma_start3A_299 : memref<1x32xf32, #tpu.memory_space<vmem>> -> memref<32xf32, #tpu.memory_space<vmem>>
      %dma_start3A_301 = arith.constant 0 : i32
      %dma_start3A_302 = tpu.memref_slice %arg6[%shift_right_logical3A_291, %and3A_293, %dma_start3A_301] : memref<125000x8x32xf32, #tpu.memory_space<hbm>> -> memref<1x1x32xf32, #tpu.memory_space<hbm>>
      %dma_start3A_303 = tpu.memref_squeeze %dma_start3A_302 : memref<1x1x32xf32, #tpu.memory_space<hbm>> -> memref<32xf32, #tpu.memory_space<hbm>>
      %dma_start3A_304 = arith.constant 0 : i32
      %dma_start3A_305 = tpu.memref_slice %arg14[%add3A_297, %dma_start3A_304] : memref<512x32xf32, #tpu.memory_space<vmem>> -> memref<1x32xf32, #tpu.memory_space<vmem>>
      %dma_start3A_306 = tpu.memref_squeeze %dma_start3A_305 : memref<1x32xf32, #tpu.memory_space<vmem>> -> memref<32xf32, #tpu.memory_space<vmem>>
      %dma_start3A_307 = arith.constant 0 : i32
      %dma_start3A_308 = tpu.memref_slice %arg6[%shift_right_logical3A_291, %and3A_293, %dma_start3A_307] : memref<125000x8x32xf32, #tpu.memory_space<hbm>> -> memref<1x1x32xf32, #tpu.memory_space<hbm>>
      %dma_start3A_309 = tpu.memref_squeeze %dma_start3A_308 : memref<1x1x32xf32, #tpu.memory_space<hbm>> -> memref<32xf32, #tpu.memory_space<hbm>>
      tpu.enqueue_dma source(%dma_start3A_309 : memref<32xf32, #tpu.memory_space<hbm>>) target(%dma_start3A_306 : memref<32xf32, #tpu.memory_space<vmem>>) target_semaphore(%arg15 : memref<!tpu.dma_semaphore, #tpu.memory_space<semaphore_mem>>)
      %slice3A_310 = vector.extract_strided_slice %get3A_50 {offsets = [12], sizes = [1], strides = [1]} : vector<16xi32> to vector<1xi32>
      %squeeze3A_311 = vector.extract %slice3A_310[0] : i32 from vector<1xi32>
      %shift_right_logical3A_312 = arith.constant 3 : i32
      %shift_right_logical3A_313 = arith.shrui %squeeze3A_311, %shift_right_logical3A_312 : i32
      %and3A_314 = arith.constant 7 : i32
      %and3A_315 = arith.andi %squeeze3A_311, %and3A_314 : i32
      %mul3A_316 = arith.constant 16 : i32
      %mul3A_317 = arith.muli %scan3A_45, %mul3A_316 : i32
      %add3A_318 = arith.constant 12 : i32
      %add3A_319 = arith.addi %mul3A_317, %add3A_318 : i32
      %dma_start3A_320 = arith.constant 0 : i32
      %dma_start3A_321 = tpu.memref_slice %arg14[%add3A_319, %dma_start3A_320] : memref<512x32xf32, #tpu.memory_space<vmem>> -> memref<1x32xf32, #tpu.memory_space<vmem>>
      %dma_start3A_322 = tpu.memref_squeeze %dma_start3A_321 : memref<1x32xf32, #tpu.memory_space<vmem>> -> memref<32xf32, #tpu.memory_space<vmem>>
      %dma_start3A_323 = arith.constant 0 : i32
      %dma_start3A_324 = tpu.memref_slice %arg6[%shift_right_logical3A_313, %and3A_315, %dma_start3A_323] : memref<125000x8x32xf32, #tpu.memory_space<hbm>> -> memref<1x1x32xf32, #tpu.memory_space<hbm>>
      %dma_start3A_325 = tpu.memref_squeeze %dma_start3A_324 : memref<1x1x32xf32, #tpu.memory_space<hbm>> -> memref<32xf32, #tpu.memory_space<hbm>>
      %dma_start3A_326 = arith.constant 0 : i32
      %dma_start3A_327 = tpu.memref_slice %arg14[%add3A_319, %dma_start3A_326] : memref<512x32xf32, #tpu.memory_space<vmem>> -> memref<1x32xf32, #tpu.memory_space<vmem>>
      %dma_start3A_328 = tpu.memref_squeeze %dma_start3A_327 : memref<1x32xf32, #tpu.memory_space<vmem>> -> memref<32xf32, #tpu.memory_space<vmem>>
      %dma_start3A_329 = arith.constant 0 : i32
      %dma_start3A_330 = tpu.memref_slice %arg6[%shift_right_logical3A_313, %and3A_315, %dma_start3A_329] : memref<125000x8x32xf32, #tpu.memory_space<hbm>> -> memref<1x1x32xf32, #tpu.memory_space<hbm>>
      %dma_start3A_331 = tpu.memref_squeeze %dma_start3A_330 : memref<1x1x32xf32, #tpu.memory_space<hbm>> -> memref<32xf32, #tpu.memory_space<hbm>>
      tpu.enqueue_dma source(%dma_start3A_331 : memref<32xf32, #tpu.memory_space<hbm>>) target(%dma_start3A_328 : memref<32xf32, #tpu.memory_space<vmem>>) target_semaphore(%arg15 : memref<!tpu.dma_semaphore, #tpu.memory_space<semaphore_mem>>)
      %slice3A_332 = vector.extract_strided_slice %get3A_50 {offsets = [13], sizes = [1], strides = [1]} : vector<16xi32> to vector<1xi32>
      %squeeze3A_333 = vector.extract %slice3A_332[0] : i32 from vector<1xi32>
      %shift_right_logical3A_334 = arith.constant 3 : i32
      %shift_right_logical3A_335 = arith.shrui %squeeze3A_333, %shift_right_logical3A_334 : i32
      %and3A_336 = arith.constant 7 : i32
      %and3A_337 = arith.andi %squeeze3A_333, %and3A_336 : i32
      %mul3A_338 = arith.constant 16 : i32
      %mul3A_339 = arith.muli %scan3A_45, %mul3A_338 : i32
      %add3A_340 = arith.constant 13 : i32
      %add3A_341 = arith.addi %mul3A_339, %add3A_340 : i32
      %dma_start3A_342 = arith.constant 0 : i32
      %dma_start3A_343 = tpu.memref_slice %arg14[%add3A_341, %dma_start3A_342] : memref<512x32xf32, #tpu.memory_space<vmem>> -> memref<1x32xf32, #tpu.memory_space<vmem>>
      %dma_start3A_344 = tpu.memref_squeeze %dma_start3A_343 : memref<1x32xf32, #tpu.memory_space<vmem>> -> memref<32xf32, #tpu.memory_space<vmem>>
      %dma_start3A_345 = arith.constant 0 : i32
      %dma_start3A_346 = tpu.memref_slice %arg6[%shift_right_logical3A_335, %and3A_337, %dma_start3A_345] : memref<125000x8x32xf32, #tpu.memory_space<hbm>> -> memref<1x1x32xf32, #tpu.memory_space<hbm>>
      %dma_start3A_347 = tpu.memref_squeeze %dma_start3A_346 : memref<1x1x32xf32, #tpu.memory_space<hbm>> -> memref<32xf32, #tpu.memory_space<hbm>>
      %dma_start3A_348 = arith.constant 0 : i32
      %dma_start3A_349 = tpu.memref_slice %arg14[%add3A_341, %dma_start3A_348] : memref<512x32xf32, #tpu.memory_space<vmem>> -> memref<1x32xf32, #tpu.memory_space<vmem>>
      %dma_start3A_350 = tpu.memref_squeeze %dma_start3A_349 : memref<1x32xf32, #tpu.memory_space<vmem>> -> memref<32xf32, #tpu.memory_space<vmem>>
      %dma_start3A_351 = arith.constant 0 : i32
      %dma_start3A_352 = tpu.memref_slice %arg6[%shift_right_logical3A_335, %and3A_337, %dma_start3A_351] : memref<125000x8x32xf32, #tpu.memory_space<hbm>> -> memref<1x1x32xf32, #tpu.memory_space<hbm>>
      %dma_start3A_353 = tpu.memref_squeeze %dma_start3A_352 : memref<1x1x32xf32, #tpu.memory_space<hbm>> -> memref<32xf32, #tpu.memory_space<hbm>>
      tpu.enqueue_dma source(%dma_start3A_353 : memref<32xf32, #tpu.memory_space<hbm>>) target(%dma_start3A_350 : memref<32xf32, #tpu.memory_space<vmem>>) target_semaphore(%arg15 : memref<!tpu.dma_semaphore, #tpu.memory_space<semaphore_mem>>)
      %slice3A_354 = vector.extract_strided_slice %get3A_50 {offsets = [14], sizes = [1], strides = [1]} : vector<16xi32> to vector<1xi32>
      %squeeze3A_355 = vector.extract %slice3A_354[0] : i32 from vector<1xi32>
      %shift_right_logical3A_356 = arith.constant 3 : i32
      %shift_right_logical3A_357 = arith.shrui %squeeze3A_355, %shift_right_logical3A_356 : i32
      %and3A_358 = arith.constant 7 : i32
      %and3A_359 = arith.andi %squeeze3A_355, %and3A_358 : i32
      %mul3A_360 = arith.constant 16 : i32
      %mul3A_361 = arith.muli %scan3A_45, %mul3A_360 : i32
      %add3A_362 = arith.constant 14 : i32
      %add3A_363 = arith.addi %mul3A_361, %add3A_362 : i32
      %dma_start3A_364 = arith.constant 0 : i32
      %dma_start3A_365 = tpu.memref_slice %arg14[%add3A_363, %dma_start3A_364] : memref<512x32xf32, #tpu.memory_space<vmem>> -> memref<1x32xf32, #tpu.memory_space<vmem>>
      %dma_start3A_366 = tpu.memref_squeeze %dma_start3A_365 : memref<1x32xf32, #tpu.memory_space<vmem>> -> memref<32xf32, #tpu.memory_space<vmem>>
      %dma_start3A_367 = arith.constant 0 : i32
      %dma_start3A_368 = tpu.memref_slice %arg6[%shift_right_logical3A_357, %and3A_359, %dma_start3A_367] : memref<125000x8x32xf32, #tpu.memory_space<hbm>> -> memref<1x1x32xf32, #tpu.memory_space<hbm>>
      %dma_start3A_369 = tpu.memref_squeeze %dma_start3A_368 : memref<1x1x32xf32, #tpu.memory_space<hbm>> -> memref<32xf32, #tpu.memory_space<hbm>>
      %dma_start3A_370 = arith.constant 0 : i32
      %dma_start3A_371 = tpu.memref_slice %arg14[%add3A_363, %dma_start3A_370] : memref<512x32xf32, #tpu.memory_space<vmem>> -> memref<1x32xf32, #tpu.memory_space<vmem>>
      %dma_start3A_372 = tpu.memref_squeeze %dma_start3A_371 : memref<1x32xf32, #tpu.memory_space<vmem>> -> memref<32xf32, #tpu.memory_space<vmem>>
      %dma_start3A_373 = arith.constant 0 : i32
      %dma_start3A_374 = tpu.memref_slice %arg6[%shift_right_logical3A_357, %and3A_359, %dma_start3A_373] : memref<125000x8x32xf32, #tpu.memory_space<hbm>> -> memref<1x1x32xf32, #tpu.memory_space<hbm>>
      %dma_start3A_375 = tpu.memref_squeeze %dma_start3A_374 : memref<1x1x32xf32, #tpu.memory_space<hbm>> -> memref<32xf32, #tpu.memory_space<hbm>>
      tpu.enqueue_dma source(%dma_start3A_375 : memref<32xf32, #tpu.memory_space<hbm>>) target(%dma_start3A_372 : memref<32xf32, #tpu.memory_space<vmem>>) target_semaphore(%arg15 : memref<!tpu.dma_semaphore, #tpu.memory_space<semaphore_mem>>)
      %slice3A_376 = vector.extract_strided_slice %get3A_50 {offsets = [15], sizes = [1], strides = [1]} : vector<16xi32> to vector<1xi32>
      %squeeze3A_377 = vector.extract %slice3A_376[0] : i32 from vector<1xi32>
      %shift_right_logical3A_378 = arith.constant 3 : i32
      %shift_right_logical3A_379 = arith.shrui %squeeze3A_377, %shift_right_logical3A_378 : i32
      %and3A_380 = arith.constant 7 : i32
      %and3A_381 = arith.andi %squeeze3A_377, %and3A_380 : i32
      %mul3A_382 = arith.constant 16 : i32
      %mul3A_383 = arith.muli %scan3A_45, %mul3A_382 : i32
      %add3A_384 = arith.constant 15 : i32
      %add3A_385 = arith.addi %mul3A_383, %add3A_384 : i32
      %dma_start3A_386 = arith.constant 0 : i32
      %dma_start3A_387 = tpu.memref_slice %arg14[%add3A_385, %dma_start3A_386] : memref<512x32xf32, #tpu.memory_space<vmem>> -> memref<1x32xf32, #tpu.memory_space<vmem>>
      %dma_start3A_388 = tpu.memref_squeeze %dma_start3A_387 : memref<1x32xf32, #tpu.memory_space<vmem>> -> memref<32xf32, #tpu.memory_space<vmem>>
      %dma_start3A_389 = arith.constant 0 : i32
      %dma_start3A_390 = tpu.memref_slice %arg6[%shift_right_logical3A_379, %and3A_381, %dma_start3A_389] : memref<125000x8x32xf32, #tpu.memory_space<hbm>> -> memref<1x1x32xf32, #tpu.memory_space<hbm>>
      %dma_start3A_391 = tpu.memref_squeeze %dma_start3A_390 : memref<1x1x32xf32, #tpu.memory_space<hbm>> -> memref<32xf32, #tpu.memory_space<hbm>>
      %dma_start3A_392 = arith.constant 0 : i32
      %dma_start3A_393 = tpu.memref_slice %arg14[%add3A_385, %dma_start3A_392] : memref<512x32xf32, #tpu.memory_space<vmem>> -> memref<1x32xf32, #tpu.memory_space<vmem>>
      %dma_start3A_394 = tpu.memref_squeeze %dma_start3A_393 : memref<1x32xf32, #tpu.memory_space<vmem>> -> memref<32xf32, #tpu.memory_space<vmem>>
      %dma_start3A_395 = arith.constant 0 : i32
      %dma_start3A_396 = tpu.memref_slice %arg6[%shift_right_logical3A_379, %and3A_381, %dma_start3A_395] : memref<125000x8x32xf32, #tpu.memory_space<hbm>> -> memref<1x1x32xf32, #tpu.memory_space<hbm>>
      %dma_start3A_397 = tpu.memref_squeeze %dma_start3A_396 : memref<1x1x32xf32, #tpu.memory_space<hbm>> -> memref<32xf32, #tpu.memory_space<hbm>>
      tpu.enqueue_dma source(%dma_start3A_397 : memref<32xf32, #tpu.memory_space<hbm>>) target(%dma_start3A_394 : memref<32xf32, #tpu.memory_space<vmem>>) target_semaphore(%arg15 : memref<!tpu.dma_semaphore, #tpu.memory_space<semaphore_mem>>)
      %scan3A_398 = arith.constant 0 : i32
      scf.yield %scan3A_398 : i32
    }
    %scan3A_29 = arith.constant 32 : i32
    %dma_wait3A_30 = arith.constant 0 : i32
    %dma_wait3A_31 = tpu.memref_slice %arg10[%mul3A_2, %dma_wait3A_30] : memref<16384x32xf32, #tpu.memory_space<hbm>> -> memref<512x32xf32, #tpu.memory_space<hbm>>
    %dma_wait3A_32 = arith.constant 0 : i32
    %dma_wait3A_33 = tpu.memref_slice %arg10[%mul3A_2, %dma_wait3A_32] : memref<16384x32xf32, #tpu.memory_space<hbm>> -> memref<512x32xf32, #tpu.memory_space<hbm>>
    tpu.wait_dma2 semaphore(%arg15 : memref<!tpu.dma_semaphore, #tpu.memory_space<semaphore_mem>>) src(%dma_wait3A_33 : memref<512x32xf32, #tpu.memory_space<hbm>>) dst(%arg14 : memref<512x32xf32, #tpu.memory_space<vmem>>)
    "tpu.region"() ({
      %run_scoped3A = tpu.sem_alloc : memref<!tpu.dma_semaphore, #tpu.memory_space<semaphore_mem>>
      %dma_start3A = arith.constant 0 : i32
      %dma_start3A_45 = tpu.memref_slice %arg10[%mul3A_2, %dma_start3A] : memref<16384x32xf32, #tpu.memory_space<hbm>> -> memref<512x32xf32, #tpu.memory_space<hbm>>
      %dma_start3A_46 = arith.constant 0 : i32
      %dma_start3A_47 = tpu.memref_slice %arg10[%mul3A_2, %dma_start3A_46] : memref<16384x32xf32, #tpu.memory_space<hbm>> -> memref<512x32xf32, #tpu.memory_space<hbm>>
      tpu.enqueue_dma source(%arg14 : memref<512x32xf32, #tpu.memory_space<vmem>>) target(%dma_start3A_47 : memref<512x32xf32, #tpu.memory_space<hbm>>) target_semaphore(%run_scoped3A : memref<!tpu.dma_semaphore, #tpu.memory_space<semaphore_mem>>)
      %dma_wait3A_48 = arith.constant 0 : i32
      %dma_wait3A_49 = tpu.memref_slice %arg10[%mul3A_2, %dma_wait3A_48] : memref<16384x32xf32, #tpu.memory_space<hbm>> -> memref<512x32xf32, #tpu.memory_space<hbm>>
      %dma_wait3A_50 = arith.constant 0 : i32
      %dma_wait3A_51 = tpu.memref_slice %arg10[%mul3A_2, %dma_wait3A_50] : memref<16384x32xf32, #tpu.memory_space<hbm>> -> memref<512x32xf32, #tpu.memory_space<hbm>>
      tpu.wait_dma2 semaphore(%run_scoped3A : memref<!tpu.dma_semaphore, #tpu.memory_space<semaphore_mem>>) src(%arg14 : memref<512x32xf32, #tpu.memory_space<vmem>>) dst(%dma_wait3A_51 : memref<512x32xf32, #tpu.memory_space<hbm>>)
      tpu.yield
    }) : () -> ()
    %scan3A_34 = arith.constant 0 : i32
    %scan3A_35 = arith.constant 0 : i32
    %scan3A_36 = arith.constant 32 : i32
    %scan3A_37 = arith.addi %scan3A_35, %scan3A_36 : i32
    %scan3A_38 = arith.constant 1 : i32
    %scan3A_39 = scf.for %scan3A_45 = %scan3A_35 to %scan3A_37 step %scan3A_38 iter_args(%scan3A_46 = %scan3A_34) -> (i32)  : i32 {
      %mul3A_47 = arith.constant 16 : i32
      %mul3A_48 = arith.muli %scan3A_45, %mul3A_47 : i32
      %get3A = arith.index_cast %mul3A_48 : i32 to index
      %get3A_49 = tpu.vector_load %arg13[%get3A] {strides = array<i32>} : memref<512xi32, #tpu.memory_space<vmem>>, vector<16xi32>,
      %get3A_50 = vector.shape_cast %get3A_49 : vector<16xi32> to vector<16xi32>
      %slice3A = vector.extract_strided_slice %get3A_50 {offsets = [0], sizes = [1], strides = [1]} : vector<16xi32> to vector<1xi32>
      %squeeze3A = vector.extract %slice3A[0] : i32 from vector<1xi32>
      %shift_right_logical3A = arith.constant 3 : i32
      %shift_right_logical3A_51 = arith.shrui %squeeze3A, %shift_right_logical3A : i32
      %and3A = arith.constant 7 : i32
      %and3A_52 = arith.andi %squeeze3A, %and3A : i32
      %mul3A_53 = arith.constant 16 : i32
      %mul3A_54 = arith.muli %scan3A_45, %mul3A_53 : i32
      %add3A_55 = arith.constant 0 : i32
      %add3A_56 = arith.addi %mul3A_54, %add3A_55 : i32
      %dma_start3A = arith.constant 0 : i32
      %dma_start3A_57 = tpu.memref_slice %arg14[%add3A_56, %dma_start3A] : memref<512x32xf32, #tpu.memory_space<vmem>> -> memref<1x32xf32, #tpu.memory_space<vmem>>
      %dma_start3A_58 = tpu.memref_squeeze %dma_start3A_57 : memref<1x32xf32, #tpu.memory_space<vmem>> -> memref<32xf32, #tpu.memory_space<vmem>>
      %dma_start3A_59 = arith.constant 0 : i32
      %dma_start3A_60 = tpu.memref_slice %arg7[%shift_right_logical3A_51, %and3A_52, %dma_start3A_59] : memref<125000x8x32xf32, #tpu.memory_space<hbm>> -> memref<1x1x32xf32, #tpu.memory_space<hbm>>
      %dma_start3A_61 = tpu.memref_squeeze %dma_start3A_60 : memref<1x1x32xf32, #tpu.memory_space<hbm>> -> memref<32xf32, #tpu.memory_space<hbm>>
      %dma_start3A_62 = arith.constant 0 : i32
      %dma_start3A_63 = tpu.memref_slice %arg14[%add3A_56, %dma_start3A_62] : memref<512x32xf32, #tpu.memory_space<vmem>> -> memref<1x32xf32, #tpu.memory_space<vmem>>
      %dma_start3A_64 = tpu.memref_squeeze %dma_start3A_63 : memref<1x32xf32, #tpu.memory_space<vmem>> -> memref<32xf32, #tpu.memory_space<vmem>>
      %dma_start3A_65 = arith.constant 0 : i32
      %dma_start3A_66 = tpu.memref_slice %arg7[%shift_right_logical3A_51, %and3A_52, %dma_start3A_65] : memref<125000x8x32xf32, #tpu.memory_space<hbm>> -> memref<1x1x32xf32, #tpu.memory_space<hbm>>
      %dma_start3A_67 = tpu.memref_squeeze %dma_start3A_66 : memref<1x1x32xf32, #tpu.memory_space<hbm>> -> memref<32xf32, #tpu.memory_space<hbm>>
      tpu.enqueue_dma source(%dma_start3A_67 : memref<32xf32, #tpu.memory_space<hbm>>) target(%dma_start3A_64 : memref<32xf32, #tpu.memory_space<vmem>>) target_semaphore(%arg15 : memref<!tpu.dma_semaphore, #tpu.memory_space<semaphore_mem>>)
      %slice3A_68 = vector.extract_strided_slice %get3A_50 {offsets = [1], sizes = [1], strides = [1]} : vector<16xi32> to vector<1xi32>
      %squeeze3A_69 = vector.extract %slice3A_68[0] : i32 from vector<1xi32>
      %shift_right_logical3A_70 = arith.constant 3 : i32
      %shift_right_logical3A_71 = arith.shrui %squeeze3A_69, %shift_right_logical3A_70 : i32
      %and3A_72 = arith.constant 7 : i32
      %and3A_73 = arith.andi %squeeze3A_69, %and3A_72 : i32
      %mul3A_74 = arith.constant 16 : i32
      %mul3A_75 = arith.muli %scan3A_45, %mul3A_74 : i32
      %add3A_76 = arith.constant 1 : i32
      %add3A_77 = arith.addi %mul3A_75, %add3A_76 : i32
      %dma_start3A_78 = arith.constant 0 : i32
      %dma_start3A_79 = tpu.memref_slice %arg14[%add3A_77, %dma_start3A_78] : memref<512x32xf32, #tpu.memory_space<vmem>> -> memref<1x32xf32, #tpu.memory_space<vmem>>
      %dma_start3A_80 = tpu.memref_squeeze %dma_start3A_79 : memref<1x32xf32, #tpu.memory_space<vmem>> -> memref<32xf32, #tpu.memory_space<vmem>>
      %dma_start3A_81 = arith.constant 0 : i32
      %dma_start3A_82 = tpu.memref_slice %arg7[%shift_right_logical3A_71, %and3A_73, %dma_start3A_81] : memref<125000x8x32xf32, #tpu.memory_space<hbm>> -> memref<1x1x32xf32, #tpu.memory_space<hbm>>
      %dma_start3A_83 = tpu.memref_squeeze %dma_start3A_82 : memref<1x1x32xf32, #tpu.memory_space<hbm>> -> memref<32xf32, #tpu.memory_space<hbm>>
      %dma_start3A_84 = arith.constant 0 : i32
      %dma_start3A_85 = tpu.memref_slice %arg14[%add3A_77, %dma_start3A_84] : memref<512x32xf32, #tpu.memory_space<vmem>> -> memref<1x32xf32, #tpu.memory_space<vmem>>
      %dma_start3A_86 = tpu.memref_squeeze %dma_start3A_85 : memref<1x32xf32, #tpu.memory_space<vmem>> -> memref<32xf32, #tpu.memory_space<vmem>>
      %dma_start3A_87 = arith.constant 0 : i32
      %dma_start3A_88 = tpu.memref_slice %arg7[%shift_right_logical3A_71, %and3A_73, %dma_start3A_87] : memref<125000x8x32xf32, #tpu.memory_space<hbm>> -> memref<1x1x32xf32, #tpu.memory_space<hbm>>
      %dma_start3A_89 = tpu.memref_squeeze %dma_start3A_88 : memref<1x1x32xf32, #tpu.memory_space<hbm>> -> memref<32xf32, #tpu.memory_space<hbm>>
      tpu.enqueue_dma source(%dma_start3A_89 : memref<32xf32, #tpu.memory_space<hbm>>) target(%dma_start3A_86 : memref<32xf32, #tpu.memory_space<vmem>>) target_semaphore(%arg15 : memref<!tpu.dma_semaphore, #tpu.memory_space<semaphore_mem>>)
      %slice3A_90 = vector.extract_strided_slice %get3A_50 {offsets = [2], sizes = [1], strides = [1]} : vector<16xi32> to vector<1xi32>
      %squeeze3A_91 = vector.extract %slice3A_90[0] : i32 from vector<1xi32>
      %shift_right_logical3A_92 = arith.constant 3 : i32
      %shift_right_logical3A_93 = arith.shrui %squeeze3A_91, %shift_right_logical3A_92 : i32
      %and3A_94 = arith.constant 7 : i32
      %and3A_95 = arith.andi %squeeze3A_91, %and3A_94 : i32
      %mul3A_96 = arith.constant 16 : i32
      %mul3A_97 = arith.muli %scan3A_45, %mul3A_96 : i32
      %add3A_98 = arith.constant 2 : i32
      %add3A_99 = arith.addi %mul3A_97, %add3A_98 : i32
      %dma_start3A_100 = arith.constant 0 : i32
      %dma_start3A_101 = tpu.memref_slice %arg14[%add3A_99, %dma_start3A_100] : memref<512x32xf32, #tpu.memory_space<vmem>> -> memref<1x32xf32, #tpu.memory_space<vmem>>
      %dma_start3A_102 = tpu.memref_squeeze %dma_start3A_101 : memref<1x32xf32, #tpu.memory_space<vmem>> -> memref<32xf32, #tpu.memory_space<vmem>>
      %dma_start3A_103 = arith.constant 0 : i32
      %dma_start3A_104 = tpu.memref_slice %arg7[%shift_right_logical3A_93, %and3A_95, %dma_start3A_103] : memref<125000x8x32xf32, #tpu.memory_space<hbm>> -> memref<1x1x32xf32, #tpu.memory_space<hbm>>
      %dma_start3A_105 = tpu.memref_squeeze %dma_start3A_104 : memref<1x1x32xf32, #tpu.memory_space<hbm>> -> memref<32xf32, #tpu.memory_space<hbm>>
      %dma_start3A_106 = arith.constant 0 : i32
      %dma_start3A_107 = tpu.memref_slice %arg14[%add3A_99, %dma_start3A_106] : memref<512x32xf32, #tpu.memory_space<vmem>> -> memref<1x32xf32, #tpu.memory_space<vmem>>
      %dma_start3A_108 = tpu.memref_squeeze %dma_start3A_107 : memref<1x32xf32, #tpu.memory_space<vmem>> -> memref<32xf32, #tpu.memory_space<vmem>>
      %dma_start3A_109 = arith.constant 0 : i32
      %dma_start3A_110 = tpu.memref_slice %arg7[%shift_right_logical3A_93, %and3A_95, %dma_start3A_109] : memref<125000x8x32xf32, #tpu.memory_space<hbm>> -> memref<1x1x32xf32, #tpu.memory_space<hbm>>
      %dma_start3A_111 = tpu.memref_squeeze %dma_start3A_110 : memref<1x1x32xf32, #tpu.memory_space<hbm>> -> memref<32xf32, #tpu.memory_space<hbm>>
      tpu.enqueue_dma source(%dma_start3A_111 : memref<32xf32, #tpu.memory_space<hbm>>) target(%dma_start3A_108 : memref<32xf32, #tpu.memory_space<vmem>>) target_semaphore(%arg15 : memref<!tpu.dma_semaphore, #tpu.memory_space<semaphore_mem>>)
      %slice3A_112 = vector.extract_strided_slice %get3A_50 {offsets = [3], sizes = [1], strides = [1]} : vector<16xi32> to vector<1xi32>
      %squeeze3A_113 = vector.extract %slice3A_112[0] : i32 from vector<1xi32>
      %shift_right_logical3A_114 = arith.constant 3 : i32
      %shift_right_logical3A_115 = arith.shrui %squeeze3A_113, %shift_right_logical3A_114 : i32
      %and3A_116 = arith.constant 7 : i32
      %and3A_117 = arith.andi %squeeze3A_113, %and3A_116 : i32
      %mul3A_118 = arith.constant 16 : i32
      %mul3A_119 = arith.muli %scan3A_45, %mul3A_118 : i32
      %add3A_120 = arith.constant 3 : i32
      %add3A_121 = arith.addi %mul3A_119, %add3A_120 : i32
      %dma_start3A_122 = arith.constant 0 : i32
      %dma_start3A_123 = tpu.memref_slice %arg14[%add3A_121, %dma_start3A_122] : memref<512x32xf32, #tpu.memory_space<vmem>> -> memref<1x32xf32, #tpu.memory_space<vmem>>
      %dma_start3A_124 = tpu.memref_squeeze %dma_start3A_123 : memref<1x32xf32, #tpu.memory_space<vmem>> -> memref<32xf32, #tpu.memory_space<vmem>>
      %dma_start3A_125 = arith.constant 0 : i32
      %dma_start3A_126 = tpu.memref_slice %arg7[%shift_right_logical3A_115, %and3A_117, %dma_start3A_125] : memref<125000x8x32xf32, #tpu.memory_space<hbm>> -> memref<1x1x32xf32, #tpu.memory_space<hbm>>
      %dma_start3A_127 = tpu.memref_squeeze %dma_start3A_126 : memref<1x1x32xf32, #tpu.memory_space<hbm>> -> memref<32xf32, #tpu.memory_space<hbm>>
      %dma_start3A_128 = arith.constant 0 : i32
      %dma_start3A_129 = tpu.memref_slice %arg14[%add3A_121, %dma_start3A_128] : memref<512x32xf32, #tpu.memory_space<vmem>> -> memref<1x32xf32, #tpu.memory_space<vmem>>
      %dma_start3A_130 = tpu.memref_squeeze %dma_start3A_129 : memref<1x32xf32, #tpu.memory_space<vmem>> -> memref<32xf32, #tpu.memory_space<vmem>>
      %dma_start3A_131 = arith.constant 0 : i32
      %dma_start3A_132 = tpu.memref_slice %arg7[%shift_right_logical3A_115, %and3A_117, %dma_start3A_131] : memref<125000x8x32xf32, #tpu.memory_space<hbm>> -> memref<1x1x32xf32, #tpu.memory_space<hbm>>
      %dma_start3A_133 = tpu.memref_squeeze %dma_start3A_132 : memref<1x1x32xf32, #tpu.memory_space<hbm>> -> memref<32xf32, #tpu.memory_space<hbm>>
      tpu.enqueue_dma source(%dma_start3A_133 : memref<32xf32, #tpu.memory_space<hbm>>) target(%dma_start3A_130 : memref<32xf32, #tpu.memory_space<vmem>>) target_semaphore(%arg15 : memref<!tpu.dma_semaphore, #tpu.memory_space<semaphore_mem>>)
      %slice3A_134 = vector.extract_strided_slice %get3A_50 {offsets = [4], sizes = [1], strides = [1]} : vector<16xi32> to vector<1xi32>
      %squeeze3A_135 = vector.extract %slice3A_134[0] : i32 from vector<1xi32>
      %shift_right_logical3A_136 = arith.constant 3 : i32
      %shift_right_logical3A_137 = arith.shrui %squeeze3A_135, %shift_right_logical3A_136 : i32
      %and3A_138 = arith.constant 7 : i32
      %and3A_139 = arith.andi %squeeze3A_135, %and3A_138 : i32
      %mul3A_140 = arith.constant 16 : i32
      %mul3A_141 = arith.muli %scan3A_45, %mul3A_140 : i32
      %add3A_142 = arith.constant 4 : i32
      %add3A_143 = arith.addi %mul3A_141, %add3A_142 : i32
      %dma_start3A_144 = arith.constant 0 : i32
      %dma_start3A_145 = tpu.memref_slice %arg14[%add3A_143, %dma_start3A_144] : memref<512x32xf32, #tpu.memory_space<vmem>> -> memref<1x32xf32, #tpu.memory_space<vmem>>
      %dma_start3A_146 = tpu.memref_squeeze %dma_start3A_145 : memref<1x32xf32, #tpu.memory_space<vmem>> -> memref<32xf32, #tpu.memory_space<vmem>>
      %dma_start3A_147 = arith.constant 0 : i32
      %dma_start3A_148 = tpu.memref_slice %arg7[%shift_right_logical3A_137, %and3A_139, %dma_start3A_147] : memref<125000x8x32xf32, #tpu.memory_space<hbm>> -> memref<1x1x32xf32, #tpu.memory_space<hbm>>
      %dma_start3A_149 = tpu.memref_squeeze %dma_start3A_148 : memref<1x1x32xf32, #tpu.memory_space<hbm>> -> memref<32xf32, #tpu.memory_space<hbm>>
      %dma_start3A_150 = arith.constant 0 : i32
      %dma_start3A_151 = tpu.memref_slice %arg14[%add3A_143, %dma_start3A_150] : memref<512x32xf32, #tpu.memory_space<vmem>> -> memref<1x32xf32, #tpu.memory_space<vmem>>
      %dma_start3A_152 = tpu.memref_squeeze %dma_start3A_151 : memref<1x32xf32, #tpu.memory_space<vmem>> -> memref<32xf32, #tpu.memory_space<vmem>>
      %dma_start3A_153 = arith.constant 0 : i32
      %dma_start3A_154 = tpu.memref_slice %arg7[%shift_right_logical3A_137, %and3A_139, %dma_start3A_153] : memref<125000x8x32xf32, #tpu.memory_space<hbm>> -> memref<1x1x32xf32, #tpu.memory_space<hbm>>
      %dma_start3A_155 = tpu.memref_squeeze %dma_start3A_154 : memref<1x1x32xf32, #tpu.memory_space<hbm>> -> memref<32xf32, #tpu.memory_space<hbm>>
      tpu.enqueue_dma source(%dma_start3A_155 : memref<32xf32, #tpu.memory_space<hbm>>) target(%dma_start3A_152 : memref<32xf32, #tpu.memory_space<vmem>>) target_semaphore(%arg15 : memref<!tpu.dma_semaphore, #tpu.memory_space<semaphore_mem>>)
      %slice3A_156 = vector.extract_strided_slice %get3A_50 {offsets = [5], sizes = [1], strides = [1]} : vector<16xi32> to vector<1xi32>
      %squeeze3A_157 = vector.extract %slice3A_156[0] : i32 from vector<1xi32>
      %shift_right_logical3A_158 = arith.constant 3 : i32
      %shift_right_logical3A_159 = arith.shrui %squeeze3A_157, %shift_right_logical3A_158 : i32
      %and3A_160 = arith.constant 7 : i32
      %and3A_161 = arith.andi %squeeze3A_157, %and3A_160 : i32
      %mul3A_162 = arith.constant 16 : i32
      %mul3A_163 = arith.muli %scan3A_45, %mul3A_162 : i32
      %add3A_164 = arith.constant 5 : i32
      %add3A_165 = arith.addi %mul3A_163, %add3A_164 : i32
      %dma_start3A_166 = arith.constant 0 : i32
      %dma_start3A_167 = tpu.memref_slice %arg14[%add3A_165, %dma_start3A_166] : memref<512x32xf32, #tpu.memory_space<vmem>> -> memref<1x32xf32, #tpu.memory_space<vmem>>
      %dma_start3A_168 = tpu.memref_squeeze %dma_start3A_167 : memref<1x32xf32, #tpu.memory_space<vmem>> -> memref<32xf32, #tpu.memory_space<vmem>>
      %dma_start3A_169 = arith.constant 0 : i32
      %dma_start3A_170 = tpu.memref_slice %arg7[%shift_right_logical3A_159, %and3A_161, %dma_start3A_169] : memref<125000x8x32xf32, #tpu.memory_space<hbm>> -> memref<1x1x32xf32, #tpu.memory_space<hbm>>
      %dma_start3A_171 = tpu.memref_squeeze %dma_start3A_170 : memref<1x1x32xf32, #tpu.memory_space<hbm>> -> memref<32xf32, #tpu.memory_space<hbm>>
      %dma_start3A_172 = arith.constant 0 : i32
      %dma_start3A_173 = tpu.memref_slice %arg14[%add3A_165, %dma_start3A_172] : memref<512x32xf32, #tpu.memory_space<vmem>> -> memref<1x32xf32, #tpu.memory_space<vmem>>
      %dma_start3A_174 = tpu.memref_squeeze %dma_start3A_173 : memref<1x32xf32, #tpu.memory_space<vmem>> -> memref<32xf32, #tpu.memory_space<vmem>>
      %dma_start3A_175 = arith.constant 0 : i32
      %dma_start3A_176 = tpu.memref_slice %arg7[%shift_right_logical3A_159, %and3A_161, %dma_start3A_175] : memref<125000x8x32xf32, #tpu.memory_space<hbm>> -> memref<1x1x32xf32, #tpu.memory_space<hbm>>
      %dma_start3A_177 = tpu.memref_squeeze %dma_start3A_176 : memref<1x1x32xf32, #tpu.memory_space<hbm>> -> memref<32xf32, #tpu.memory_space<hbm>>
      tpu.enqueue_dma source(%dma_start3A_177 : memref<32xf32, #tpu.memory_space<hbm>>) target(%dma_start3A_174 : memref<32xf32, #tpu.memory_space<vmem>>) target_semaphore(%arg15 : memref<!tpu.dma_semaphore, #tpu.memory_space<semaphore_mem>>)
      %slice3A_178 = vector.extract_strided_slice %get3A_50 {offsets = [6], sizes = [1], strides = [1]} : vector<16xi32> to vector<1xi32>
      %squeeze3A_179 = vector.extract %slice3A_178[0] : i32 from vector<1xi32>
      %shift_right_logical3A_180 = arith.constant 3 : i32
      %shift_right_logical3A_181 = arith.shrui %squeeze3A_179, %shift_right_logical3A_180 : i32
      %and3A_182 = arith.constant 7 : i32
      %and3A_183 = arith.andi %squeeze3A_179, %and3A_182 : i32
      %mul3A_184 = arith.constant 16 : i32
      %mul3A_185 = arith.muli %scan3A_45, %mul3A_184 : i32
      %add3A_186 = arith.constant 6 : i32
      %add3A_187 = arith.addi %mul3A_185, %add3A_186 : i32
      %dma_start3A_188 = arith.constant 0 : i32
      %dma_start3A_189 = tpu.memref_slice %arg14[%add3A_187, %dma_start3A_188] : memref<512x32xf32, #tpu.memory_space<vmem>> -> memref<1x32xf32, #tpu.memory_space<vmem>>
      %dma_start3A_190 = tpu.memref_squeeze %dma_start3A_189 : memref<1x32xf32, #tpu.memory_space<vmem>> -> memref<32xf32, #tpu.memory_space<vmem>>
      %dma_start3A_191 = arith.constant 0 : i32
      %dma_start3A_192 = tpu.memref_slice %arg7[%shift_right_logical3A_181, %and3A_183, %dma_start3A_191] : memref<125000x8x32xf32, #tpu.memory_space<hbm>> -> memref<1x1x32xf32, #tpu.memory_space<hbm>>
      %dma_start3A_193 = tpu.memref_squeeze %dma_start3A_192 : memref<1x1x32xf32, #tpu.memory_space<hbm>> -> memref<32xf32, #tpu.memory_space<hbm>>
      %dma_start3A_194 = arith.constant 0 : i32
      %dma_start3A_195 = tpu.memref_slice %arg14[%add3A_187, %dma_start3A_194] : memref<512x32xf32, #tpu.memory_space<vmem>> -> memref<1x32xf32, #tpu.memory_space<vmem>>
      %dma_start3A_196 = tpu.memref_squeeze %dma_start3A_195 : memref<1x32xf32, #tpu.memory_space<vmem>> -> memref<32xf32, #tpu.memory_space<vmem>>
      %dma_start3A_197 = arith.constant 0 : i32
      %dma_start3A_198 = tpu.memref_slice %arg7[%shift_right_logical3A_181, %and3A_183, %dma_start3A_197] : memref<125000x8x32xf32, #tpu.memory_space<hbm>> -> memref<1x1x32xf32, #tpu.memory_space<hbm>>
      %dma_start3A_199 = tpu.memref_squeeze %dma_start3A_198 : memref<1x1x32xf32, #tpu.memory_space<hbm>> -> memref<32xf32, #tpu.memory_space<hbm>>
      tpu.enqueue_dma source(%dma_start3A_199 : memref<32xf32, #tpu.memory_space<hbm>>) target(%dma_start3A_196 : memref<32xf32, #tpu.memory_space<vmem>>) target_semaphore(%arg15 : memref<!tpu.dma_semaphore, #tpu.memory_space<semaphore_mem>>)
      %slice3A_200 = vector.extract_strided_slice %get3A_50 {offsets = [7], sizes = [1], strides = [1]} : vector<16xi32> to vector<1xi32>
      %squeeze3A_201 = vector.extract %slice3A_200[0] : i32 from vector<1xi32>
      %shift_right_logical3A_202 = arith.constant 3 : i32
      %shift_right_logical3A_203 = arith.shrui %squeeze3A_201, %shift_right_logical3A_202 : i32
      %and3A_204 = arith.constant 7 : i32
      %and3A_205 = arith.andi %squeeze3A_201, %and3A_204 : i32
      %mul3A_206 = arith.constant 16 : i32
      %mul3A_207 = arith.muli %scan3A_45, %mul3A_206 : i32
      %add3A_208 = arith.constant 7 : i32
      %add3A_209 = arith.addi %mul3A_207, %add3A_208 : i32
      %dma_start3A_210 = arith.constant 0 : i32
      %dma_start3A_211 = tpu.memref_slice %arg14[%add3A_209, %dma_start3A_210] : memref<512x32xf32, #tpu.memory_space<vmem>> -> memref<1x32xf32, #tpu.memory_space<vmem>>
      %dma_start3A_212 = tpu.memref_squeeze %dma_start3A_211 : memref<1x32xf32, #tpu.memory_space<vmem>> -> memref<32xf32, #tpu.memory_space<vmem>>
      %dma_start3A_213 = arith.constant 0 : i32
      %dma_start3A_214 = tpu.memref_slice %arg7[%shift_right_logical3A_203, %and3A_205, %dma_start3A_213] : memref<125000x8x32xf32, #tpu.memory_space<hbm>> -> memref<1x1x32xf32, #tpu.memory_space<hbm>>
      %dma_start3A_215 = tpu.memref_squeeze %dma_start3A_214 : memref<1x1x32xf32, #tpu.memory_space<hbm>> -> memref<32xf32, #tpu.memory_space<hbm>>
      %dma_start3A_216 = arith.constant 0 : i32
      %dma_start3A_217 = tpu.memref_slice %arg14[%add3A_209, %dma_start3A_216] : memref<512x32xf32, #tpu.memory_space<vmem>> -> memref<1x32xf32, #tpu.memory_space<vmem>>
      %dma_start3A_218 = tpu.memref_squeeze %dma_start3A_217 : memref<1x32xf32, #tpu.memory_space<vmem>> -> memref<32xf32, #tpu.memory_space<vmem>>
      %dma_start3A_219 = arith.constant 0 : i32
      %dma_start3A_220 = tpu.memref_slice %arg7[%shift_right_logical3A_203, %and3A_205, %dma_start3A_219] : memref<125000x8x32xf32, #tpu.memory_space<hbm>> -> memref<1x1x32xf32, #tpu.memory_space<hbm>>
      %dma_start3A_221 = tpu.memref_squeeze %dma_start3A_220 : memref<1x1x32xf32, #tpu.memory_space<hbm>> -> memref<32xf32, #tpu.memory_space<hbm>>
      tpu.enqueue_dma source(%dma_start3A_221 : memref<32xf32, #tpu.memory_space<hbm>>) target(%dma_start3A_218 : memref<32xf32, #tpu.memory_space<vmem>>) target_semaphore(%arg15 : memref<!tpu.dma_semaphore, #tpu.memory_space<semaphore_mem>>)
      %slice3A_222 = vector.extract_strided_slice %get3A_50 {offsets = [8], sizes = [1], strides = [1]} : vector<16xi32> to vector<1xi32>
      %squeeze3A_223 = vector.extract %slice3A_222[0] : i32 from vector<1xi32>
      %shift_right_logical3A_224 = arith.constant 3 : i32
      %shift_right_logical3A_225 = arith.shrui %squeeze3A_223, %shift_right_logical3A_224 : i32
      %and3A_226 = arith.constant 7 : i32
      %and3A_227 = arith.andi %squeeze3A_223, %and3A_226 : i32
      %mul3A_228 = arith.constant 16 : i32
      %mul3A_229 = arith.muli %scan3A_45, %mul3A_228 : i32
      %add3A_230 = arith.constant 8 : i32
      %add3A_231 = arith.addi %mul3A_229, %add3A_230 : i32
      %dma_start3A_232 = arith.constant 0 : i32
      %dma_start3A_233 = tpu.memref_slice %arg14[%add3A_231, %dma_start3A_232] : memref<512x32xf32, #tpu.memory_space<vmem>> -> memref<1x32xf32, #tpu.memory_space<vmem>>
      %dma_start3A_234 = tpu.memref_squeeze %dma_start3A_233 : memref<1x32xf32, #tpu.memory_space<vmem>> -> memref<32xf32, #tpu.memory_space<vmem>>
      %dma_start3A_235 = arith.constant 0 : i32
      %dma_start3A_236 = tpu.memref_slice %arg7[%shift_right_logical3A_225, %and3A_227, %dma_start3A_235] : memref<125000x8x32xf32, #tpu.memory_space<hbm>> -> memref<1x1x32xf32, #tpu.memory_space<hbm>>
      %dma_start3A_237 = tpu.memref_squeeze %dma_start3A_236 : memref<1x1x32xf32, #tpu.memory_space<hbm>> -> memref<32xf32, #tpu.memory_space<hbm>>
      %dma_start3A_238 = arith.constant 0 : i32
      %dma_start3A_239 = tpu.memref_slice %arg14[%add3A_231, %dma_start3A_238] : memref<512x32xf32, #tpu.memory_space<vmem>> -> memref<1x32xf32, #tpu.memory_space<vmem>>
      %dma_start3A_240 = tpu.memref_squeeze %dma_start3A_239 : memref<1x32xf32, #tpu.memory_space<vmem>> -> memref<32xf32, #tpu.memory_space<vmem>>
      %dma_start3A_241 = arith.constant 0 : i32
      %dma_start3A_242 = tpu.memref_slice %arg7[%shift_right_logical3A_225, %and3A_227, %dma_start3A_241] : memref<125000x8x32xf32, #tpu.memory_space<hbm>> -> memref<1x1x32xf32, #tpu.memory_space<hbm>>
      %dma_start3A_243 = tpu.memref_squeeze %dma_start3A_242 : memref<1x1x32xf32, #tpu.memory_space<hbm>> -> memref<32xf32, #tpu.memory_space<hbm>>
      tpu.enqueue_dma source(%dma_start3A_243 : memref<32xf32, #tpu.memory_space<hbm>>) target(%dma_start3A_240 : memref<32xf32, #tpu.memory_space<vmem>>) target_semaphore(%arg15 : memref<!tpu.dma_semaphore, #tpu.memory_space<semaphore_mem>>)
      %slice3A_244 = vector.extract_strided_slice %get3A_50 {offsets = [9], sizes = [1], strides = [1]} : vector<16xi32> to vector<1xi32>
      %squeeze3A_245 = vector.extract %slice3A_244[0] : i32 from vector<1xi32>
      %shift_right_logical3A_246 = arith.constant 3 : i32
      %shift_right_logical3A_247 = arith.shrui %squeeze3A_245, %shift_right_logical3A_246 : i32
      %and3A_248 = arith.constant 7 : i32
      %and3A_249 = arith.andi %squeeze3A_245, %and3A_248 : i32
      %mul3A_250 = arith.constant 16 : i32
      %mul3A_251 = arith.muli %scan3A_45, %mul3A_250 : i32
      %add3A_252 = arith.constant 9 : i32
      %add3A_253 = arith.addi %mul3A_251, %add3A_252 : i32
      %dma_start3A_254 = arith.constant 0 : i32
      %dma_start3A_255 = tpu.memref_slice %arg14[%add3A_253, %dma_start3A_254] : memref<512x32xf32, #tpu.memory_space<vmem>> -> memref<1x32xf32, #tpu.memory_space<vmem>>
      %dma_start3A_256 = tpu.memref_squeeze %dma_start3A_255 : memref<1x32xf32, #tpu.memory_space<vmem>> -> memref<32xf32, #tpu.memory_space<vmem>>
      %dma_start3A_257 = arith.constant 0 : i32
      %dma_start3A_258 = tpu.memref_slice %arg7[%shift_right_logical3A_247, %and3A_249, %dma_start3A_257] : memref<125000x8x32xf32, #tpu.memory_space<hbm>> -> memref<1x1x32xf32, #tpu.memory_space<hbm>>
      %dma_start3A_259 = tpu.memref_squeeze %dma_start3A_258 : memref<1x1x32xf32, #tpu.memory_space<hbm>> -> memref<32xf32, #tpu.memory_space<hbm>>
      %dma_start3A_260 = arith.constant 0 : i32
      %dma_start3A_261 = tpu.memref_slice %arg14[%add3A_253, %dma_start3A_260] : memref<512x32xf32, #tpu.memory_space<vmem>> -> memref<1x32xf32, #tpu.memory_space<vmem>>
      %dma_start3A_262 = tpu.memref_squeeze %dma_start3A_261 : memref<1x32xf32, #tpu.memory_space<vmem>> -> memref<32xf32, #tpu.memory_space<vmem>>
      %dma_start3A_263 = arith.constant 0 : i32
      %dma_start3A_264 = tpu.memref_slice %arg7[%shift_right_logical3A_247, %and3A_249, %dma_start3A_263] : memref<125000x8x32xf32, #tpu.memory_space<hbm>> -> memref<1x1x32xf32, #tpu.memory_space<hbm>>
      %dma_start3A_265 = tpu.memref_squeeze %dma_start3A_264 : memref<1x1x32xf32, #tpu.memory_space<hbm>> -> memref<32xf32, #tpu.memory_space<hbm>>
      tpu.enqueue_dma source(%dma_start3A_265 : memref<32xf32, #tpu.memory_space<hbm>>) target(%dma_start3A_262 : memref<32xf32, #tpu.memory_space<vmem>>) target_semaphore(%arg15 : memref<!tpu.dma_semaphore, #tpu.memory_space<semaphore_mem>>)
      %slice3A_266 = vector.extract_strided_slice %get3A_50 {offsets = [10], sizes = [1], strides = [1]} : vector<16xi32> to vector<1xi32>
      %squeeze3A_267 = vector.extract %slice3A_266[0] : i32 from vector<1xi32>
      %shift_right_logical3A_268 = arith.constant 3 : i32
      %shift_right_logical3A_269 = arith.shrui %squeeze3A_267, %shift_right_logical3A_268 : i32
      %and3A_270 = arith.constant 7 : i32
      %and3A_271 = arith.andi %squeeze3A_267, %and3A_270 : i32
      %mul3A_272 = arith.constant 16 : i32
      %mul3A_273 = arith.muli %scan3A_45, %mul3A_272 : i32
      %add3A_274 = arith.constant 10 : i32
      %add3A_275 = arith.addi %mul3A_273, %add3A_274 : i32
      %dma_start3A_276 = arith.constant 0 : i32
      %dma_start3A_277 = tpu.memref_slice %arg14[%add3A_275, %dma_start3A_276] : memref<512x32xf32, #tpu.memory_space<vmem>> -> memref<1x32xf32, #tpu.memory_space<vmem>>
      %dma_start3A_278 = tpu.memref_squeeze %dma_start3A_277 : memref<1x32xf32, #tpu.memory_space<vmem>> -> memref<32xf32, #tpu.memory_space<vmem>>
      %dma_start3A_279 = arith.constant 0 : i32
      %dma_start3A_280 = tpu.memref_slice %arg7[%shift_right_logical3A_269, %and3A_271, %dma_start3A_279] : memref<125000x8x32xf32, #tpu.memory_space<hbm>> -> memref<1x1x32xf32, #tpu.memory_space<hbm>>
      %dma_start3A_281 = tpu.memref_squeeze %dma_start3A_280 : memref<1x1x32xf32, #tpu.memory_space<hbm>> -> memref<32xf32, #tpu.memory_space<hbm>>
      %dma_start3A_282 = arith.constant 0 : i32
      %dma_start3A_283 = tpu.memref_slice %arg14[%add3A_275, %dma_start3A_282] : memref<512x32xf32, #tpu.memory_space<vmem>> -> memref<1x32xf32, #tpu.memory_space<vmem>>
      %dma_start3A_284 = tpu.memref_squeeze %dma_start3A_283 : memref<1x32xf32, #tpu.memory_space<vmem>> -> memref<32xf32, #tpu.memory_space<vmem>>
      %dma_start3A_285 = arith.constant 0 : i32
      %dma_start3A_286 = tpu.memref_slice %arg7[%shift_right_logical3A_269, %and3A_271, %dma_start3A_285] : memref<125000x8x32xf32, #tpu.memory_space<hbm>> -> memref<1x1x32xf32, #tpu.memory_space<hbm>>
      %dma_start3A_287 = tpu.memref_squeeze %dma_start3A_286 : memref<1x1x32xf32, #tpu.memory_space<hbm>> -> memref<32xf32, #tpu.memory_space<hbm>>
      tpu.enqueue_dma source(%dma_start3A_287 : memref<32xf32, #tpu.memory_space<hbm>>) target(%dma_start3A_284 : memref<32xf32, #tpu.memory_space<vmem>>) target_semaphore(%arg15 : memref<!tpu.dma_semaphore, #tpu.memory_space<semaphore_mem>>)
      %slice3A_288 = vector.extract_strided_slice %get3A_50 {offsets = [11], sizes = [1], strides = [1]} : vector<16xi32> to vector<1xi32>
      %squeeze3A_289 = vector.extract %slice3A_288[0] : i32 from vector<1xi32>
      %shift_right_logical3A_290 = arith.constant 3 : i32
      %shift_right_logical3A_291 = arith.shrui %squeeze3A_289, %shift_right_logical3A_290 : i32
      %and3A_292 = arith.constant 7 : i32
      %and3A_293 = arith.andi %squeeze3A_289, %and3A_292 : i32
      %mul3A_294 = arith.constant 16 : i32
      %mul3A_295 = arith.muli %scan3A_45, %mul3A_294 : i32
      %add3A_296 = arith.constant 11 : i32
      %add3A_297 = arith.addi %mul3A_295, %add3A_296 : i32
      %dma_start3A_298 = arith.constant 0 : i32
      %dma_start3A_299 = tpu.memref_slice %arg14[%add3A_297, %dma_start3A_298] : memref<512x32xf32, #tpu.memory_space<vmem>> -> memref<1x32xf32, #tpu.memory_space<vmem>>
      %dma_start3A_300 = tpu.memref_squeeze %dma_start3A_299 : memref<1x32xf32, #tpu.memory_space<vmem>> -> memref<32xf32, #tpu.memory_space<vmem>>
      %dma_start3A_301 = arith.constant 0 : i32
      %dma_start3A_302 = tpu.memref_slice %arg7[%shift_right_logical3A_291, %and3A_293, %dma_start3A_301] : memref<125000x8x32xf32, #tpu.memory_space<hbm>> -> memref<1x1x32xf32, #tpu.memory_space<hbm>>
      %dma_start3A_303 = tpu.memref_squeeze %dma_start3A_302 : memref<1x1x32xf32, #tpu.memory_space<hbm>> -> memref<32xf32, #tpu.memory_space<hbm>>
      %dma_start3A_304 = arith.constant 0 : i32
      %dma_start3A_305 = tpu.memref_slice %arg14[%add3A_297, %dma_start3A_304] : memref<512x32xf32, #tpu.memory_space<vmem>> -> memref<1x32xf32, #tpu.memory_space<vmem>>
      %dma_start3A_306 = tpu.memref_squeeze %dma_start3A_305 : memref<1x32xf32, #tpu.memory_space<vmem>> -> memref<32xf32, #tpu.memory_space<vmem>>
      %dma_start3A_307 = arith.constant 0 : i32
      %dma_start3A_308 = tpu.memref_slice %arg7[%shift_right_logical3A_291, %and3A_293, %dma_start3A_307] : memref<125000x8x32xf32, #tpu.memory_space<hbm>> -> memref<1x1x32xf32, #tpu.memory_space<hbm>>
      %dma_start3A_309 = tpu.memref_squeeze %dma_start3A_308 : memref<1x1x32xf32, #tpu.memory_space<hbm>> -> memref<32xf32, #tpu.memory_space<hbm>>
      tpu.enqueue_dma source(%dma_start3A_309 : memref<32xf32, #tpu.memory_space<hbm>>) target(%dma_start3A_306 : memref<32xf32, #tpu.memory_space<vmem>>) target_semaphore(%arg15 : memref<!tpu.dma_semaphore, #tpu.memory_space<semaphore_mem>>)
      %slice3A_310 = vector.extract_strided_slice %get3A_50 {offsets = [12], sizes = [1], strides = [1]} : vector<16xi32> to vector<1xi32>
      %squeeze3A_311 = vector.extract %slice3A_310[0] : i32 from vector<1xi32>
      %shift_right_logical3A_312 = arith.constant 3 : i32
      %shift_right_logical3A_313 = arith.shrui %squeeze3A_311, %shift_right_logical3A_312 : i32
      %and3A_314 = arith.constant 7 : i32
      %and3A_315 = arith.andi %squeeze3A_311, %and3A_314 : i32
      %mul3A_316 = arith.constant 16 : i32
      %mul3A_317 = arith.muli %scan3A_45, %mul3A_316 : i32
      %add3A_318 = arith.constant 12 : i32
      %add3A_319 = arith.addi %mul3A_317, %add3A_318 : i32
      %dma_start3A_320 = arith.constant 0 : i32
      %dma_start3A_321 = tpu.memref_slice %arg14[%add3A_319, %dma_start3A_320] : memref<512x32xf32, #tpu.memory_space<vmem>> -> memref<1x32xf32, #tpu.memory_space<vmem>>
      %dma_start3A_322 = tpu.memref_squeeze %dma_start3A_321 : memref<1x32xf32, #tpu.memory_space<vmem>> -> memref<32xf32, #tpu.memory_space<vmem>>
      %dma_start3A_323 = arith.constant 0 : i32
      %dma_start3A_324 = tpu.memref_slice %arg7[%shift_right_logical3A_313, %and3A_315, %dma_start3A_323] : memref<125000x8x32xf32, #tpu.memory_space<hbm>> -> memref<1x1x32xf32, #tpu.memory_space<hbm>>
      %dma_start3A_325 = tpu.memref_squeeze %dma_start3A_324 : memref<1x1x32xf32, #tpu.memory_space<hbm>> -> memref<32xf32, #tpu.memory_space<hbm>>
      %dma_start3A_326 = arith.constant 0 : i32
      %dma_start3A_327 = tpu.memref_slice %arg14[%add3A_319, %dma_start3A_326] : memref<512x32xf32, #tpu.memory_space<vmem>> -> memref<1x32xf32, #tpu.memory_space<vmem>>
      %dma_start3A_328 = tpu.memref_squeeze %dma_start3A_327 : memref<1x32xf32, #tpu.memory_space<vmem>> -> memref<32xf32, #tpu.memory_space<vmem>>
      %dma_start3A_329 = arith.constant 0 : i32
      %dma_start3A_330 = tpu.memref_slice %arg7[%shift_right_logical3A_313, %and3A_315, %dma_start3A_329] : memref<125000x8x32xf32, #tpu.memory_space<hbm>> -> memref<1x1x32xf32, #tpu.memory_space<hbm>>
      %dma_start3A_331 = tpu.memref_squeeze %dma_start3A_330 : memref<1x1x32xf32, #tpu.memory_space<hbm>> -> memref<32xf32, #tpu.memory_space<hbm>>
      tpu.enqueue_dma source(%dma_start3A_331 : memref<32xf32, #tpu.memory_space<hbm>>) target(%dma_start3A_328 : memref<32xf32, #tpu.memory_space<vmem>>) target_semaphore(%arg15 : memref<!tpu.dma_semaphore, #tpu.memory_space<semaphore_mem>>)
      %slice3A_332 = vector.extract_strided_slice %get3A_50 {offsets = [13], sizes = [1], strides = [1]} : vector<16xi32> to vector<1xi32>
      %squeeze3A_333 = vector.extract %slice3A_332[0] : i32 from vector<1xi32>
      %shift_right_logical3A_334 = arith.constant 3 : i32
      %shift_right_logical3A_335 = arith.shrui %squeeze3A_333, %shift_right_logical3A_334 : i32
      %and3A_336 = arith.constant 7 : i32
      %and3A_337 = arith.andi %squeeze3A_333, %and3A_336 : i32
      %mul3A_338 = arith.constant 16 : i32
      %mul3A_339 = arith.muli %scan3A_45, %mul3A_338 : i32
      %add3A_340 = arith.constant 13 : i32
      %add3A_341 = arith.addi %mul3A_339, %add3A_340 : i32
      %dma_start3A_342 = arith.constant 0 : i32
      %dma_start3A_343 = tpu.memref_slice %arg14[%add3A_341, %dma_start3A_342] : memref<512x32xf32, #tpu.memory_space<vmem>> -> memref<1x32xf32, #tpu.memory_space<vmem>>
      %dma_start3A_344 = tpu.memref_squeeze %dma_start3A_343 : memref<1x32xf32, #tpu.memory_space<vmem>> -> memref<32xf32, #tpu.memory_space<vmem>>
      %dma_start3A_345 = arith.constant 0 : i32
      %dma_start3A_346 = tpu.memref_slice %arg7[%shift_right_logical3A_335, %and3A_337, %dma_start3A_345] : memref<125000x8x32xf32, #tpu.memory_space<hbm>> -> memref<1x1x32xf32, #tpu.memory_space<hbm>>
      %dma_start3A_347 = tpu.memref_squeeze %dma_start3A_346 : memref<1x1x32xf32, #tpu.memory_space<hbm>> -> memref<32xf32, #tpu.memory_space<hbm>>
      %dma_start3A_348 = arith.constant 0 : i32
      %dma_start3A_349 = tpu.memref_slice %arg14[%add3A_341, %dma_start3A_348] : memref<512x32xf32, #tpu.memory_space<vmem>> -> memref<1x32xf32, #tpu.memory_space<vmem>>
      %dma_start3A_350 = tpu.memref_squeeze %dma_start3A_349 : memref<1x32xf32, #tpu.memory_space<vmem>> -> memref<32xf32, #tpu.memory_space<vmem>>
      %dma_start3A_351 = arith.constant 0 : i32
      %dma_start3A_352 = tpu.memref_slice %arg7[%shift_right_logical3A_335, %and3A_337, %dma_start3A_351] : memref<125000x8x32xf32, #tpu.memory_space<hbm>> -> memref<1x1x32xf32, #tpu.memory_space<hbm>>
      %dma_start3A_353 = tpu.memref_squeeze %dma_start3A_352 : memref<1x1x32xf32, #tpu.memory_space<hbm>> -> memref<32xf32, #tpu.memory_space<hbm>>
      tpu.enqueue_dma source(%dma_start3A_353 : memref<32xf32, #tpu.memory_space<hbm>>) target(%dma_start3A_350 : memref<32xf32, #tpu.memory_space<vmem>>) target_semaphore(%arg15 : memref<!tpu.dma_semaphore, #tpu.memory_space<semaphore_mem>>)
      %slice3A_354 = vector.extract_strided_slice %get3A_50 {offsets = [14], sizes = [1], strides = [1]} : vector<16xi32> to vector<1xi32>
      %squeeze3A_355 = vector.extract %slice3A_354[0] : i32 from vector<1xi32>
      %shift_right_logical3A_356 = arith.constant 3 : i32
      %shift_right_logical3A_357 = arith.shrui %squeeze3A_355, %shift_right_logical3A_356 : i32
      %and3A_358 = arith.constant 7 : i32
      %and3A_359 = arith.andi %squeeze3A_355, %and3A_358 : i32
      %mul3A_360 = arith.constant 16 : i32
      %mul3A_361 = arith.muli %scan3A_45, %mul3A_360 : i32
      %add3A_362 = arith.constant 14 : i32
      %add3A_363 = arith.addi %mul3A_361, %add3A_362 : i32
      %dma_start3A_364 = arith.constant 0 : i32
      %dma_start3A_365 = tpu.memref_slice %arg14[%add3A_363, %dma_start3A_364] : memref<512x32xf32, #tpu.memory_space<vmem>> -> memref<1x32xf32, #tpu.memory_space<vmem>>
      %dma_start3A_366 = tpu.memref_squeeze %dma_start3A_365 : memref<1x32xf32, #tpu.memory_space<vmem>> -> memref<32xf32, #tpu.memory_space<vmem>>
      %dma_start3A_367 = arith.constant 0 : i32
      %dma_start3A_368 = tpu.memref_slice %arg7[%shift_right_logical3A_357, %and3A_359, %dma_start3A_367] : memref<125000x8x32xf32, #tpu.memory_space<hbm>> -> memref<1x1x32xf32, #tpu.memory_space<hbm>>
      %dma_start3A_369 = tpu.memref_squeeze %dma_start3A_368 : memref<1x1x32xf32, #tpu.memory_space<hbm>> -> memref<32xf32, #tpu.memory_space<hbm>>
      %dma_start3A_370 = arith.constant 0 : i32
      %dma_start3A_371 = tpu.memref_slice %arg14[%add3A_363, %dma_start3A_370] : memref<512x32xf32, #tpu.memory_space<vmem>> -> memref<1x32xf32, #tpu.memory_space<vmem>>
      %dma_start3A_372 = tpu.memref_squeeze %dma_start3A_371 : memref<1x32xf32, #tpu.memory_space<vmem>> -> memref<32xf32, #tpu.memory_space<vmem>>
      %dma_start3A_373 = arith.constant 0 : i32
      %dma_start3A_374 = tpu.memref_slice %arg7[%shift_right_logical3A_357, %and3A_359, %dma_start3A_373] : memref<125000x8x32xf32, #tpu.memory_space<hbm>> -> memref<1x1x32xf32, #tpu.memory_space<hbm>>
      %dma_start3A_375 = tpu.memref_squeeze %dma_start3A_374 : memref<1x1x32xf32, #tpu.memory_space<hbm>> -> memref<32xf32, #tpu.memory_space<hbm>>
      tpu.enqueue_dma source(%dma_start3A_375 : memref<32xf32, #tpu.memory_space<hbm>>) target(%dma_start3A_372 : memref<32xf32, #tpu.memory_space<vmem>>) target_semaphore(%arg15 : memref<!tpu.dma_semaphore, #tpu.memory_space<semaphore_mem>>)
      %slice3A_376 = vector.extract_strided_slice %get3A_50 {offsets = [15], sizes = [1], strides = [1]} : vector<16xi32> to vector<1xi32>
      %squeeze3A_377 = vector.extract %slice3A_376[0] : i32 from vector<1xi32>
      %shift_right_logical3A_378 = arith.constant 3 : i32
      %shift_right_logical3A_379 = arith.shrui %squeeze3A_377, %shift_right_logical3A_378 : i32
      %and3A_380 = arith.constant 7 : i32
      %and3A_381 = arith.andi %squeeze3A_377, %and3A_380 : i32
      %mul3A_382 = arith.constant 16 : i32
      %mul3A_383 = arith.muli %scan3A_45, %mul3A_382 : i32
      %add3A_384 = arith.constant 15 : i32
      %add3A_385 = arith.addi %mul3A_383, %add3A_384 : i32
      %dma_start3A_386 = arith.constant 0 : i32
      %dma_start3A_387 = tpu.memref_slice %arg14[%add3A_385, %dma_start3A_386] : memref<512x32xf32, #tpu.memory_space<vmem>> -> memref<1x32xf32, #tpu.memory_space<vmem>>
      %dma_start3A_388 = tpu.memref_squeeze %dma_start3A_387 : memref<1x32xf32, #tpu.memory_space<vmem>> -> memref<32xf32, #tpu.memory_space<vmem>>
      %dma_start3A_389 = arith.constant 0 : i32
      %dma_start3A_390 = tpu.memref_slice %arg7[%shift_right_logical3A_379, %and3A_381, %dma_start3A_389] : memref<125000x8x32xf32, #tpu.memory_space<hbm>> -> memref<1x1x32xf32, #tpu.memory_space<hbm>>
      %dma_start3A_391 = tpu.memref_squeeze %dma_start3A_390 : memref<1x1x32xf32, #tpu.memory_space<hbm>> -> memref<32xf32, #tpu.memory_space<hbm>>
      %dma_start3A_392 = arith.constant 0 : i32
      %dma_start3A_393 = tpu.memref_slice %arg14[%add3A_385, %dma_start3A_392] : memref<512x32xf32, #tpu.memory_space<vmem>> -> memref<1x32xf32, #tpu.memory_space<vmem>>
      %dma_start3A_394 = tpu.memref_squeeze %dma_start3A_393 : memref<1x32xf32, #tpu.memory_space<vmem>> -> memref<32xf32, #tpu.memory_space<vmem>>
      %dma_start3A_395 = arith.constant 0 : i32
      %dma_start3A_396 = tpu.memref_slice %arg7[%shift_right_logical3A_379, %and3A_381, %dma_start3A_395] : memref<125000x8x32xf32, #tpu.memory_space<hbm>> -> memref<1x1x32xf32, #tpu.memory_space<hbm>>
      %dma_start3A_397 = tpu.memref_squeeze %dma_start3A_396 : memref<1x1x32xf32, #tpu.memory_space<hbm>> -> memref<32xf32, #tpu.memory_space<hbm>>
      tpu.enqueue_dma source(%dma_start3A_397 : memref<32xf32, #tpu.memory_space<hbm>>) target(%dma_start3A_394 : memref<32xf32, #tpu.memory_space<vmem>>) target_semaphore(%arg15 : memref<!tpu.dma_semaphore, #tpu.memory_space<semaphore_mem>>)
      %scan3A_398 = arith.constant 0 : i32
      scf.yield %scan3A_398 : i32
    }
    %scan3A_40 = arith.constant 32 : i32
    %dma_wait3A_41 = arith.constant 0 : i32
    %dma_wait3A_42 = tpu.memref_slice %arg11[%mul3A_2, %dma_wait3A_41] : memref<16384x32xf32, #tpu.memory_space<hbm>> -> memref<512x32xf32, #tpu.memory_space<hbm>>
    %dma_wait3A_43 = arith.constant 0 : i32
    %dma_wait3A_44 = tpu.memref_slice %arg11[%mul3A_2, %dma_wait3A_43] : memref<16384x32xf32, #tpu.memory_space<hbm>> -> memref<512x32xf32, #tpu.memory_space<hbm>>
    tpu.wait_dma2 semaphore(%arg15 : memref<!tpu.dma_semaphore, #tpu.memory_space<semaphore_mem>>) src(%dma_wait3A_44 : memref<512x32xf32, #tpu.memory_space<hbm>>) dst(%arg14 : memref<512x32xf32, #tpu.memory_space<vmem>>)
    "tpu.region"() ({
      %run_scoped3A = tpu.sem_alloc : memref<!tpu.dma_semaphore, #tpu.memory_space<semaphore_mem>>
      %dma_start3A = arith.constant 0 : i32
      %dma_start3A_45 = tpu.memref_slice %arg11[%mul3A_2, %dma_start3A] : memref<16384x32xf32, #tpu.memory_space<hbm>> -> memref<512x32xf32, #tpu.memory_space<hbm>>
      %dma_start3A_46 = arith.constant 0 : i32
      %dma_start3A_47 = tpu.memref_slice %arg11[%mul3A_2, %dma_start3A_46] : memref<16384x32xf32, #tpu.memory_space<hbm>> -> memref<512x32xf32, #tpu.memory_space<hbm>>
      tpu.enqueue_dma source(%arg14 : memref<512x32xf32, #tpu.memory_space<vmem>>) target(%dma_start3A_47 : memref<512x32xf32, #tpu.memory_space<hbm>>) target_semaphore(%run_scoped3A : memref<!tpu.dma_semaphore, #tpu.memory_space<semaphore_mem>>)
      %dma_wait3A_48 = arith.constant 0 : i32
      %dma_wait3A_49 = tpu.memref_slice %arg11[%mul3A_2, %dma_wait3A_48] : memref<16384x32xf32, #tpu.memory_space<hbm>> -> memref<512x32xf32, #tpu.memory_space<hbm>>
      %dma_wait3A_50 = arith.constant 0 : i32
      %dma_wait3A_51 = tpu.memref_slice %arg11[%mul3A_2, %dma_wait3A_50] : memref<16384x32xf32, #tpu.memory_space<hbm>> -> memref<512x32xf32, #tpu.memory_space<hbm>>
      tpu.wait_dma2 semaphore(%run_scoped3A : memref<!tpu.dma_semaphore, #tpu.memory_space<semaphore_mem>>) src(%arg14 : memref<512x32xf32, #tpu.memory_space<vmem>>) dst(%dma_wait3A_51 : memref<512x32xf32, #tpu.memory_space<hbm>>)
      tpu.yield
    }) : () -> ()
    return
  }
}

module attributes {stable_mosaic.version = 14 : i64} {
  func.func @_tc_body(%arg0: i32, %arg1: memref<2048x32xf32, #tpu.memory_space<vmem>>, %arg2: memref<2048x32xf32, #tpu.memory_space<vmem>>, %arg3: memref<2048x32xf32, #tpu.memory_space<vmem>>, %arg4: memref<2048x32xf32, #tpu.memory_space<vmem>>, %arg5: memref<64x64xf32, #tpu.memory_space<vmem>>, %arg6: memref<1x64xf32, #tpu.memory_space<vmem>>, %arg7: memref<32x64xf32, #tpu.memory_space<vmem>>, %arg8: memref<1x32xf32, #tpu.memory_space<vmem>>, %arg9: memref<1x64xf32, #tpu.memory_space<vmem>>, %arg10: memref<1x1xf32, #tpu.memory_space<vmem>>, %arg11: memref<2048x1xf32, #tpu.memory_space<vmem>>) attributes {dimension_semantics = [#tpu.dimension_semantics<arbitrary>], iteration_bounds = array<i64: 8>, scalar_prefetch = 0 : i64, scratch_operands = 0 : i64, tpu.core_type = #tpu.core_type<tc>, window_params = [{transform_indices = @transform_0, window_bounds = array<i64: 2048, 32>}, {transform_indices = @transform_1, window_bounds = array<i64: 2048, 32>}, {transform_indices = @transform_2, window_bounds = array<i64: 2048, 32>}, {transform_indices = @transform_3, window_bounds = array<i64: 2048, 32>}, {pipeline_mode = #tpu.pipeline_mode<synchronous>, transform_indices = @transform_4, window_bounds = array<i64: 64, 64>}, {pipeline_mode = #tpu.pipeline_mode<synchronous>, transform_indices = @transform_5, window_bounds = array<i64: 1, 64>}, {pipeline_mode = #tpu.pipeline_mode<synchronous>, transform_indices = @transform_6, window_bounds = array<i64: 32, 64>}, {pipeline_mode = #tpu.pipeline_mode<synchronous>, transform_indices = @transform_7, window_bounds = array<i64: 1, 32>}, {pipeline_mode = #tpu.pipeline_mode<synchronous>, transform_indices = @transform_8, window_bounds = array<i64: 1, 64>}, {pipeline_mode = #tpu.pipeline_mode<synchronous>, transform_indices = @transform_9, window_bounds = array<i64: 1, 1>}, {transform_indices = @transform_10, window_bounds = array<i64: 2048, 1>}]} {
    %get3A = arith.constant 0 : index
    %get3A_0 = arith.constant 0 : index
    %get3A_1 = vector.load %arg5[%get3A, %get3A_0] : memref<64x64xf32, #tpu.memory_space<vmem>>, vector<64x64xf32>
    %get3A_2 = arith.constant 0 : index
    %get3A_3 = arith.constant 0 : index
    %get3A_4 = vector.load %arg3[%get3A_2, %get3A_3] : memref<2048x32xf32, #tpu.memory_space<vmem>>, vector<2048x32xf32>
    %slice3A = vector.extract_strided_slice %get3A_1 {offsets = [0, 0], sizes = [64, 32], strides = [1, 1]} : vector<64x64xf32> to vector<64x32xf32>
    %dot_general3A = arith.constant dense<0.000000e+00> : vector<2048x64xf32>
    %dot_general3A_5 = tpu.matmul %get3A_4, %slice3A, %dot_general3A {dimension_numbers = #tpu.dot_dimension_numbers<[1], [1], [0], [0], [0, 0, 1, 0], [], []>, transpose_lhs_hint = false} : vector<2048x32xf32>, vector<64x32xf32>, vector<2048x64xf32> -> vector<2048x64xf32>
    %get3A_6 = arith.constant 0 : index
    %get3A_7 = arith.constant 0 : index
    %get3A_8 = vector.load %arg4[%get3A_6, %get3A_7] : memref<2048x32xf32, #tpu.memory_space<vmem>>, vector<2048x32xf32>
    %slice3A_9 = vector.extract_strided_slice %get3A_1 {offsets = [0, 32], sizes = [64, 32], strides = [1, 1]} : vector<64x64xf32> to vector<64x32xf32>
    %dot_general3A_10 = arith.constant dense<0.000000e+00> : vector<2048x64xf32>
    %dot_general3A_11 = tpu.matmul %get3A_8, %slice3A_9, %dot_general3A_10 {dimension_numbers = #tpu.dot_dimension_numbers<[1], [1], [0], [0], [0, 0, 1, 0], [], []>, transpose_lhs_hint = false} : vector<2048x32xf32>, vector<64x32xf32>, vector<2048x64xf32> -> vector<2048x64xf32>
    %add3A = arith.addf %dot_general3A_5, %dot_general3A_11 : vector<2048x64xf32>
    %get3A_12 = arith.constant 0 : index
    %get3A_13 = arith.constant 0 : index
    %get3A_14 = vector.load %arg6[%get3A_12, %get3A_13] : memref<1x64xf32, #tpu.memory_space<vmem>>, vector<1x64xf32>
    %add3A_15 = vector.broadcast %get3A_14 : vector<1x64xf32> to vector<2048x64xf32>
    %add3A_16 = arith.addf %add3A, %add3A_15 : vector<2048x64xf32>
    %max3A = arith.constant 0.000000e+00 : f32
    %max3A_17 = vector.broadcast %max3A : f32 to vector<2048x64xf32>
    %max3A_18 = arith.maximumf %add3A_16, %max3A_17 : vector<2048x64xf32>
    %get3A_19 = arith.constant 0 : index
    %get3A_20 = arith.constant 0 : index
    %get3A_21 = vector.load %arg7[%get3A_19, %get3A_20] : memref<32x64xf32, #tpu.memory_space<vmem>>, vector<32x64xf32>
    %dot_general3A_22 = arith.constant dense<0.000000e+00> : vector<2048x32xf32>
    %dot_general3A_23 = tpu.matmul %max3A_18, %get3A_21, %dot_general3A_22 {dimension_numbers = #tpu.dot_dimension_numbers<[1], [1], [0], [0], [0, 0, 1, 0], [], []>, transpose_lhs_hint = false} : vector<2048x64xf32>, vector<32x64xf32>, vector<2048x32xf32> -> vector<2048x32xf32>
    %get3A_24 = arith.constant 0 : index
    %get3A_25 = arith.constant 0 : index
    %get3A_26 = vector.load %arg8[%get3A_24, %get3A_25] : memref<1x32xf32, #tpu.memory_space<vmem>>, vector<1x32xf32>
    %add3A_27 = vector.broadcast %get3A_26 : vector<1x32xf32> to vector<2048x32xf32>
    %add3A_28 = arith.addf %dot_general3A_23, %add3A_27 : vector<2048x32xf32>
    %max3A_29 = arith.constant 0.000000e+00 : f32
    %max3A_30 = vector.broadcast %max3A_29 : f32 to vector<2048x32xf32>
    %max3A_31 = arith.maximumf %add3A_28, %max3A_30 : vector<2048x32xf32>
    %get3A_32 = arith.constant 0 : index
    %get3A_33 = arith.constant 0 : index
    %get3A_34 = vector.load %arg1[%get3A_32, %get3A_33] : memref<2048x32xf32, #tpu.memory_space<vmem>>, vector<2048x32xf32>
    %get3A_35 = arith.constant 0 : index
    %get3A_36 = arith.constant 0 : index
    %get3A_37 = vector.load %arg2[%get3A_35, %get3A_36] : memref<2048x32xf32, #tpu.memory_space<vmem>>, vector<2048x32xf32>
    %mul3A = arith.mulf %get3A_34, %get3A_37 : vector<2048x32xf32>
    %get3A_38 = arith.constant 0 : index
    %get3A_39 = arith.constant 0 : index
    %get3A_40 = vector.load %arg9[%get3A_38, %get3A_39] : memref<1x64xf32, #tpu.memory_space<vmem>>, vector<1x64xf32>
    %slice3A_41 = vector.extract_strided_slice %get3A_40 {offsets = [0, 0], sizes = [1, 32], strides = [1, 1]} : vector<1x64xf32> to vector<1x32xf32>
    %dot_general3A_42 = arith.constant dense<0.000000e+00> : vector<2048x1xf32>
    %dot_general3A_43 = tpu.matmul %mul3A, %slice3A_41, %dot_general3A_42 {dimension_numbers = #tpu.dot_dimension_numbers<[1], [1], [0], [0], [0, 0, 1, 0], [], []>, transpose_lhs_hint = false} : vector<2048x32xf32>, vector<1x32xf32>, vector<2048x1xf32> -> vector<2048x1xf32>
    %slice3A_44 = vector.extract_strided_slice %get3A_40 {offsets = [0, 32], sizes = [1, 32], strides = [1, 1]} : vector<1x64xf32> to vector<1x32xf32>
    %dot_general3A_45 = arith.constant dense<0.000000e+00> : vector<2048x1xf32>
    %dot_general3A_46 = tpu.matmul %max3A_31, %slice3A_44, %dot_general3A_45 {dimension_numbers = #tpu.dot_dimension_numbers<[1], [1], [0], [0], [0, 0, 1, 0], [], []>, transpose_lhs_hint = false} : vector<2048x32xf32>, vector<1x32xf32>, vector<2048x1xf32> -> vector<2048x1xf32>
    %add3A_47 = arith.addf %dot_general3A_43, %dot_general3A_46 : vector<2048x1xf32>
    %get3A_48 = arith.constant 0 : index
    %get3A_49 = arith.constant 0 : index
    %get3A_50 = vector.load %arg10[%get3A_48, %get3A_49] : memref<1x1xf32, #tpu.memory_space<vmem>>, vector<1x1xf32>
    %add3A_51 = vector.broadcast %get3A_50 : vector<1x1xf32> to vector<2048x1xf32>
    %add3A_52 = arith.addf %add3A_47, %add3A_51 : vector<2048x1xf32>
    %logistic3A = arith.negf %add3A_52 : vector<2048x1xf32>
    %logistic3A_53 = math.exp %logistic3A : vector<2048x1xf32>
    %logistic3A_54 = arith.constant 1.000000e+00 : f32
    %logistic3A_55 = vector.broadcast %logistic3A_54 : f32 to vector<2048x1xf32>
    %logistic3A_56 = arith.addf %logistic3A_55, %logistic3A_53 : vector<2048x1xf32>
    %logistic3A_57 = arith.divf %logistic3A_55, %logistic3A_56 : vector<2048x1xf32>
    %swap3A = arith.constant 0 : index
    %swap3A_58 = arith.constant 0 : index
    %swap3A_59 = vector.load %arg11[%swap3A, %swap3A_58] : memref<2048x1xf32, #tpu.memory_space<vmem>>, vector<2048x1xf32>
    tpu.vector_store %arg11[%swap3A, %swap3A_58], %logistic3A_57 {strides = array<i32>} : memref<2048x1xf32, #tpu.memory_space<vmem>>, vector<2048x1xf32>,
    return
  }
  func.func @transform_0(%arg0: i32) -> (i32, i32) {
    %c0_i32 = arith.constant 0 : i32
    %c0_i32_0 = arith.constant 0 : i32
    return %arg0, %c0_i32 : i32, i32
  }
  func.func @transform_1(%arg0: i32) -> (i32, i32) {
    %c0_i32 = arith.constant 0 : i32
    %c0_i32_0 = arith.constant 0 : i32
    return %arg0, %c0_i32 : i32, i32
  }
  func.func @transform_2(%arg0: i32) -> (i32, i32) {
    %c0_i32 = arith.constant 0 : i32
    %c0_i32_0 = arith.constant 0 : i32
    return %arg0, %c0_i32 : i32, i32
  }
  func.func @transform_3(%arg0: i32) -> (i32, i32) {
    %c0_i32 = arith.constant 0 : i32
    %c0_i32_0 = arith.constant 0 : i32
    return %arg0, %c0_i32 : i32, i32
  }
  func.func @transform_4(%arg0: i32) -> (i32, i32) {
    %c0_i32 = arith.constant 0 : i32
    %c0_i32_0 = arith.constant 0 : i32
    %c0_i32_1 = arith.constant 0 : i32
    return %c0_i32, %c0_i32_0 : i32, i32
  }
  func.func @transform_5(%arg0: i32) -> (i32, i32) {
    %c0_i32 = arith.constant 0 : i32
    %c0_i32_0 = arith.constant 0 : i32
    %c0_i32_1 = arith.constant 0 : i32
    return %c0_i32, %c0_i32_0 : i32, i32
  }
  func.func @transform_6(%arg0: i32) -> (i32, i32) {
    %c0_i32 = arith.constant 0 : i32
    %c0_i32_0 = arith.constant 0 : i32
    %c0_i32_1 = arith.constant 0 : i32
    return %c0_i32, %c0_i32_0 : i32, i32
  }
  func.func @transform_7(%arg0: i32) -> (i32, i32) {
    %c0_i32 = arith.constant 0 : i32
    %c0_i32_0 = arith.constant 0 : i32
    %c0_i32_1 = arith.constant 0 : i32
    return %c0_i32, %c0_i32_0 : i32, i32
  }
  func.func @transform_8(%arg0: i32) -> (i32, i32) {
    %c0_i32 = arith.constant 0 : i32
    %c0_i32_0 = arith.constant 0 : i32
    %c0_i32_1 = arith.constant 0 : i32
    return %c0_i32, %c0_i32_0 : i32, i32
  }
  func.func @transform_9(%arg0: i32) -> (i32, i32) {
    %c0_i32 = arith.constant 0 : i32
    %c0_i32_0 = arith.constant 0 : i32
    %c0_i32_1 = arith.constant 0 : i32
    return %c0_i32, %c0_i32_0 : i32, i32
  }
  func.func @transform_10(%arg0: i32) -> (i32, i32) {
    %c0_i32 = arith.constant 0 : i32
    %c0_i32_0 = arith.constant 0 : i32
    return %arg0, %c0_i32 : i32, i32
  }
}

</mosaic_0001>

<sc_bundles>
// kernel: kernel.4.cloned.1.call-start
scs
__scs_entry_jumppad:
0x0: {  	(pc) =	sbr.rel $0x88, $3  }
0x1: {  	(tag) =	ssettag $0x0;
	lr =	simm.s32 $0x1  }
0x2: {  	[smem:$0x3F95] =	sst lr;
	_ =	strace $0xD0000000  }
0x3: {  	_ = 	snop  }
0x4: {  	_ = 	snop  }
0x5: {  	_ = 	snop  }
0x6: {  	_ = 	snop  }
0x7: {  	_ = 	snop  }
__scs_overlays_trampoline_lowered:
0x8: {  	[smem:$0x3FA4] =	sst s0  }
0x9: {  	[smem:$0x3FA5] =	sst s1  }
0xa: {  	[smem:$0x3FA6] =	sst s2  }
0xb: {  	[smem:$0x3FA7] =	sst s3  }
0xc: {  	[smem:$0x3FA8] =	sst s4  }
0xd: {  	[smem:$0x3FA9] =	sst s5  }
0xe: {  	[smem:$0x3FAA] =	sst s6  }
0xf: {  	[smem:$0x3FAB] =	sst s7  }
0x10: {  	[smem:$0x3FAC] =	sst s8  }
0x11: {  	[smem:$0x3FAD] =	sst s9;
	s0 =	simm.s32 @!p0 $0x0  }
0x12: {  	s1 =	sld [smem:$0x3F93];
	s0 =	simm.s32 @p0 $0x1  }
0x13: {  	[smem:$0x3FAE] =	sst s0;
	s0 =	simm.s32 @!p1 $0x0  }
0x14: {  	s2 =	sld [smem:$0x3F92];
	s0 =	simm.s32 @p1 $0x1  }
0x15: {  	[smem:$0x3FAF] =	sst s0;
	s0 =	simm.s32 @!p2 $0x0  }
0x16: {  	s3 =	sld [smem:$0x3FDB];
	s0 =	simm.s32 @p2 $0x1  }
0x17: {  	s4 =	simm.s32 $0x1BF5;
	[smem:$0x3FB1] =	sst s0  }
0x18: {  	s0 =	sld [smem:$0x3F94];
	_ =	swait.ge [sflag:s4], $0x0  }
0x19: {  	s7 =	sld [smem:$0x3F95]  }
0x1a: {  	s8 =	sadd.s32 $0xFFFFE003, lr  }
0x1b: {  	s9 =	sadd.s32 $0xFFFFFEF7, lr;
	s5 =	simm.s32 $0xFFFFFFFF;
	p2 =	slt.u32 s8, $0xFFFFF086  }
0x1c: {  	p1 =	slt.u32 s9, $0xF7A;
	s5 =	simm.s32 @!p2 $0x0  }
0x1d: {  	s5 =	simm.s32 @p1 $0x1;
	p0 =	seq.s32 s7, s2  }
0x1e: {  	s7 =	smul.u32 @!p0 $0xF7A, s2;
	p2 =	seq.s32 @!p0 s5, $0x0  }
0x1f: {  	s9 =	smul.u32 $0xF7A, s1;
	s8 =	simm.s32 @!p0 $0x1BF5;
	p2 =	por !p2, p0  }
0x20: {  	[sflag:s8] =	ssyncset.s32 @!p0 $0xFFFFF086;
	s6 =	sadd.s32 @!p0 s3, s7;
	s7 =	simm.s32 @!p0 $0x108  }
0x21: {  	s3 =	sadd.s32 s3, s9;
	s6 =	sadd.s32 @!p0 $0x88, s6;
	s7 =	simm.s32 @p2 $0x1082  }
0x22: {  	[simem:s7], [sflag:s8] =	dma.local @!p0 [hbm:s6], $0xF7A  }
0x23: {  	s9 =	sor.u32 $0xD0000000, s2;
	s6 =	simm.s32 $0x108;
	_ =	swait.ge @!p0 [sflag:s8], $0x0  }
0x24: {  	s3 =	sadd.s32 $0x88, s3;
	s6 =	simm.s32 @!p1 $0x1082;
	[sflag:s4] =	ssyncset.s32 $0xFFFFF086  }
0x25: {  	[simem:s6], [sflag:s4] =	dma.local [hbm:s3], $0xF7A  }
0x26: {  	[smem:$0x3F95] =	sst s1;
	(tag) =	ssettag s2;
	_ =	strace s9  }
0x27: {  	s1 =	sld [smem:$0x3FA5]  }
0x28: {  	s2 =	sld [smem:$0x3FA6]  }
0x29: {  	s4 =	sld [smem:$0x3FA8]  }
0x2a: {  	p0 =	seq.s32 s5, $0x0;
	s5 =	sld [smem:$0x3FA9]  }
0x2b: {  	s6 =	sld [smem:$0x3FAA]  }
0x2c: {  	s7 =	sld [smem:$0x3FAB]  }
0x2d: {  	s3 =	simm.s32 $0x108;
	s8 =	sld [smem:$0x3FAC]  }
0x2e: {  	s3 =	simm.s32 @!p0 $0x1082;
	s9 =	sld [smem:$0x3FAD]  }
0x2f: {  	lr =	sadd.s32 s0, s3;
	s0 =	sld [smem:$0x3FA4]  }
0x30: {  	s3 =	sld [smem:$0x3FA7]  }
0x31: {  	[smem:$0x3FB0] =	sst s10  }
0x32: {  	s10 =	sld [smem:$0x3FAE];
	_ =	sdelay $0x3  }
0x33: {  	p0 =	seq.s32 s10, $0x1;
	s10 =	sld [smem:$0x3FB0];
	_ =	sdelay $0x3  }
0x34: {  	[smem:$0x3FB0] =	sst s10  }
0x35: {  	s10 =	sld [smem:$0x3FAF];
	_ =	sdelay $0x3  }
0x36: {  	p1 =	seq.s32 s10, $0x1;
	s10 =	sld [smem:$0x3FB0];
	_ =	sdelay $0x3  }
0x37: {  	[smem:$0x3FB0] =	sst s10  }
0x38: {  	s10 =	sld [smem:$0x3FB1]  }
0x39: {  	_ = 	snop;
	(pc) =	sbr.ind lr, $3  }
0x3a: {  	_ = 	snop  }
0x3b: {  	_ = 	snop  }
0x3c: {  	p2 =	seq.s32 s10, $0x1;
	s10 =	sld [smem:$0x3FB0]  }
0x3d: {  	_ =	shalt  }
0x3e: {  	_ =	shalt  }
0x3f: {  	_ =	shalt  }
0x40: {  	_ =	shalt  }
0x41: {  	_ =	shalt  }
0x42: {  	_ =	shalt  }
0x43: {  	_ =	shalt  }
0x44: {  	_ =	shalt  }
0x45: {  	_ =	shalt  }
0x46: {  	_ =	shalt  }
0x47: {  	_ =	shalt  }
0x48: {  	_ =	shalt  }
0x49: {  	_ =	shalt  }
0x4a: {  	_ =	shalt  }
0x4b: {  	_ =	shalt  }
0x4c: {  	_ =	shalt  }
0x4d: {  	_ =	shalt  }
0x4e: {  	_ =	shalt  }
0x4f: {  	_ =	shalt  }
0x50: {  	_ =	shalt  }
0x51: {  	_ =	shalt  }
0x52: {  	_ =	shalt  }
0x53: {  	_ =	shalt  }
0x54: {  	_ =	shalt  }
0x55: {  	_ =	shalt  }
0x56: {  	_ =	shalt  }
0x57: {  	_ =	shalt  }
0x58: {  	_ =	shalt  }
0x59: {  	_ =	shalt  }
0x5a: {  	_ =	shalt  }
0x5b: {  	_ =	shalt  }
0x5c: {  	_ =	shalt  }
0x5d: {  	_ =	shalt  }
0x5e: {  	_ =	shalt  }
0x5f: {  	_ =	shalt  }
0x60: {  	_ =	shalt  }
0x61: {  	_ =	shalt  }
0x62: {  	_ =	shalt  }
0x63: {  	_ =	shalt  }
0x64: {  	_ =	shalt  }
0x65: {  	_ =	shalt  }
0x66: {  	_ =	shalt  }
0x67: {  	_ =	shalt  }
0x68: {  	_ =	shalt  }
0x69: {  	_ =	shalt  }
0x6a: {  	_ =	shalt  }
0x6b: {  	_ =	shalt  }
0x6c: {  	_ =	shalt  }
0x6d: {  	_ =	shalt  }
0x6e: {  	_ =	shalt  }
0x6f: {  	_ =	shalt  }
0x70: {  	_ =	shalt  }
0x71: {  	_ =	shalt  }
0x72: {  	_ =	shalt  }
0x73: {  	_ =	shalt  }
0x74: {  	_ =	shalt  }
0x75: {  	_ =	shalt  }
0x76: {  	_ =	shalt  }
0x77: {  	_ =	shalt  }
0x78: {  	_ =	shalt  }
0x79: {  	_ =	shalt  }
0x7a: {  	_ =	shalt  }
0x7b: {  	_ =	shalt  }
0x7c: {  	_ =	shalt  }
0x7d: {  	_ =	shalt  }
0x7e: {  	_ =	shalt  }
0x7f: {  	_ =	shalt  }
0x80: {  	_ =	shalt  }
0x81: {  	_ =	shalt  }
0x82: {  	_ =	shalt  }
0x83: {  	_ =	shalt  }
0x84: {  	_ =	shalt  }
0x85: {  	_ =	shalt  }
0x86: {  	_ =	shalt  }
0x87: {  	_ =	shalt  }
.Lfunc_end0:
.L_simem_size_0:
called_computation_lowered:
.L_overlay_start_0:
0x88: {  	s2 =	sld [smem:$0x3FD9]  }
0x89: {  	s3 =	sld [smem:$0x3FFE];
	_ =	sdelay $0x1  }
0x8a: {  	s1 =	srdreg.scid  }
0x8b: {  	s0 =	sand.u32 $0x1, s1  }
0x8c: {  	s17 =	sshll.u32 s0, $0xA;
	s2 =	sadd.s32 s3, s2  }
0x8d: {  	s2 =	sadd.s32 s2, s17  }
0x8e: {  	[smem:$0x3FBC] =	sst s2  }
0x8f: {  	_ = 	snop  }
0x90: {  	s2 =	sld [smem:$0x3FC9]  }
0x91: {  	s18 =	sld [smem:$0x3FC8];
	(tm) =	ssettm $0x1  }
0x92: {  	s4 =	sld [smem:$0x3FFB];
	_ =	sdelay $0x3  }
0x93: {  	_ =	strace s4  }
0x94: {  	s4 =	sld [smem:$0x3FFC];
	_ =	sdelay $0x3  }
0x95: {  	_ =	strace s4  }
0x96: {  	s4 =	sld [smem:$0x3FFD];
	_ =	sdelay $0x3  }
0x97: {  	_ =	strace s4  }
0x98: {  	_ =	strace $0x8FFFFFFF  }
0x99: {  	s19 =	sld [smem:$0x3FDB];
	_ =	sdelay $0x1  }
0x9a: {  	s5 =	simm.s32 $_scs_section_size  }
0x9b: {  	s6 =	simm.s32 $_size__tile_overlayer_lowered;
	s7 =	simm.s32 $_tile_overlayer_lowered  }
0x9c: {  	s22 =	simm.s32 $0x1BFF;
	s21 =	sshll.u32 s7, $0x1;
	s4 =	sadd.s32 s5, s19  }
0x9d: {  	s8 =	simm.s32 $0x0;
	s20 =	sshll.u32 s6, $0x1;
	s6 =	sadd.s32 s21, s4  }
0x9e: {  	[timem:s8], [sflag:s22] =	dma.local [hbm:s6], s20  }
0x9f: {  	_ =	swait.ge [sflag:s22], s20  }
0xa0: {  	s5 =	ssub.s32 $0x0, s20;
	[sflag:s22] =	ssyncset.done $0x0  }
0xa1: {  	[sflag:s22] =	ssyncadd.s32 s5;
	_ =	sdelay $0x1  }
0xa2: {  	s23 =	simm.s32 $0x1B8B  }
0xa3: {  	_ =	swait.ge [sflag:s23], $0x1  }
0xa4: {  	[sflag:s23] =	ssyncset.done $0x0  }
0xa5: {  	s25 =	simm.s32 $0x1B8E;
	s24 =	sld [smem:$0x3FFE];
	[sflag:s23] =	ssyncadd.s32 $0xFFFFFFFF  }
0xa6: {  	s26 =	simm.s32 $execute0_lowered;
	[smem:$0x3FD2] =	sst s25  }
0xa7: {  	s6 =	sshll.u32 s26, $0x1;
	_ =	strace $0x80000046;
	[dreg:$0x1] =	wrdreg $0xFFFFFFFF  }
0xa8: {  	s28 =	simm.s32 $_size_execute0_lowered;
	s4 =	sadd.s32 s4, s6;
	[dreg:$0x0] =	wrdreg $0x0  }
0xa9: {  	s6 =	sshll.u32 s28, $0x1;
	[dreg:$0x2] =	wrdreg s4  }
0xaa: {  	[dreg:$0x3] =	wrdreg s6  }
0xab: {  	[dreg:$0x4] =	wrdreg $0xC0  }
0xac: {  	_ =	task [dreg:s8], $0x5FFFF  }
0xad: {  	[dreg:$0x1] =	wrdreg $0xFFFFFFFF  }
0xae: {  	[dreg:$0x0] =	wrdreg $0x60  }
0xaf: {  	[dreg:$0x2] =	wrdreg s2  }
0xb0: {  	[dreg:$0x3] =	wrdreg s18  }
0xb1: {  	[dreg:$0x4] =	wrdreg s24  }
0xb2: {  	[dreg:$0x5] =	wrdreg $0x9  }
0xb3: {  	_ =	task.clear_ibuf [dreg:s8], $0x6FFFF;
	_ =	strace $0x90000046  }
0xb4: {  	s29 =	simm.s32 $0x9;
	_ =	strace $0x80000048  }
0xb5: {  	_ =	swait.ge [sflag:s29], $0x1  }
0xb6: {  	[sflag:s29] =	ssyncadd.s32 $0xFFFFFFFF  }
0xb7: {  	_ =	strace $0x90000048  }
0xb8: {  	_ =	sfence  }
0xb9: {  	s30 =	sld [smem:$0x0];
	_ =	sdelay $0x2  }
0xba: {  	s31 =	sshll.u32 s1, $0xD;
	s1 =	sshrl.u32 s1, $0x2  }
0xbb: {  	s3 =	sand.u32 $0x4000, s31;
	s1 =	sadd.s32 s1, s30  }
0xbc: {  	s0 =	sor.u32 s3, s0;
	s1 =	sshll.u32 s1, $0x11  }
0xbd: {  	s0 =	sor.u32 s1, s0  }
0xbe: {  	s0 =	sadd.s32 $0x8F2B, s0  }
0xbf: {  	[sflag:s0] =	ssyncadd.remote.s32 $0x1  }
0xc0: {  	_ =	sfence.sel $0xFFFF  }
0xc1: {  	[dreg:$0x0] =	wrdreg $0xFFFFFFFF;
	(pc) =	sbr.abs _section_cstart, $3  }
0xc2: {  	[dreg:$0x1] =	wrdreg $0xFFFFFFFF  }
0xc3: {  	_ =	task.clear_ibuf [dreg:s8], $0x2FFFF;
	_ =	strace $0x9FFFFFFF  }
0xc4: {  	(tm) =	ssettm $0x7FFFFFFF  }
0xc5: {  	_ =	shalt  }
tec
execute0_lowered:
.L_overlay_start_1:
0x0: {  	(tag) =	ssettag $0x1  }
0x1: {  	s7 =	rddreg [dreg:$0x0]  }
0x2: {  	s8 =	rddreg [dreg:$0x1]  }
0x3: {  	s9 =	rddreg [dreg:$0x2];
	s1 =	simm.s32 $0x0;
	s4 =	srdreg.scid  }
0x4: {  	s0 =	stileid.u32;
	s14 =	simm.s32 $0x2;
	s16 =	simm.s32 $0x1  }
0x5: {  	s17 =	simm.s32 $0x400;
	s18 =	simm.s32 $0x0;
	s6 =	sand.u32 $0x1, s4  }
0x6: {  	[smem:$0x7FF] =	sst s1;
	s10 =	sshll.u32 s0, $0xA;
	s11 =	sshll.u32 s6, $0x9  }
0x7: {  	s3 =	sadd.s32 $0x1000, s9;
	s4 =	sadd.s32 $0xF43400, s9;
	s10 =	sor.u32 s11, s10  }
0x8: {  	s5 =	sadd.s32 $0x1E85800, s9;
	_ =	strace $0x80000047;
	s25 =	sshrl.u32 s10, $0x3  }
0x9: {  	s24 =	ssub.s32 $0x2, s6;
	s12 =	sshll.u32 s10, $0x4;
	s26 =	sadd.s32 s7, s25  }
0xa: {  	s12 =	sadd.s32 s12, s9;
	s28 =	sadd.s32 s8, s25;
	[dreg:$0x4] =	wrdreg s26  }
0xb: {  	s6 =	sadd.s32 $0x2DC7C00, s9;
	[dreg:$0x5] =	wrdreg s28;
	s29 =	sadd.s32 $0x3D0A000, s12  }
0xc: {  	s13 =	sshrl.u32 s24, $0x1;
	s30 =	sadd.s32 $0x3D4A000, s12;
	[dreg:$0x6] =	wrdreg s29  }
0xd: {  	s13 =	ssub.s32 s24, s13;
	s31 =	sadd.s32 $0x3D8A000, s12;
	[dreg:$0x7] =	wrdreg s30  }
0xe: {  	s13 =	smax.u32 s13, $0x1;
	s12 =	sadd.s32 $0x3DCA000, s12;
	[dreg:$0x8] =	wrdreg s31  }
.LBB2_1:
0xf: {  	s0 =	rddreg [dreg:$0x4]  }
0x10: {  	[tilespmem:s1], [sflag:$0x2] =	stream.linear.gather [hbm4b:s0+s1], $0x200, $0x38;
	[tilespmem:$0x10400] =	vst v63  }
0x11: {  	_ =	swait.ge [sflag:s14], $0x200  }
0x12: {  	[sflag:s14] =	ssyncset.done $0x0  }
0x13: {  	s2 =	simm.s32 $0x200;
	s31 =	rddreg [dreg:$0x5];
	[sflag:s14] =	ssyncadd.s32 $0xFFFFFE00  }
0x14: {  	[tilespmem:s2], [sflag:$0x2] =	stream.linear.gather [hbm4b:s31+s1], $0x200, $0x38;
	[tilespmem:$0x10400] =	vst v63  }
0x15: {  	_ =	swait.ge [sflag:s14], $0x200  }
0x16: {  	[sflag:s14] =	ssyncset.done $0x0  }
0x17: {  	[sflag:s14] =	ssyncadd.s32 $0xFFFFFE00  }
0x18: {  	v0 =	vld [tilespmem:s1+$0x0];
	_ =	sdelay $0x4  }
0x19: {  	v0 =	vshll.u32 v0, $0x4  }
0x1a: {  	(v2sf) =	vpush v0, $0x0  }
0x1b: {  	(v2sf) =	vpush v0, $0x1  }
0x1c: {  	(v2sf) =	vpush v0, $0x2;
	_ =	sdelay $0x1  }
0x1d: {  	(v2sf) =	vpush v0, $0x4;
	_ =	sdelay $0x1  }
0x1e: {  	(v2sf) =	vpush v0, $0x3  }
0x1f: {  	(v2sf) =	vpush v0, $0x5  }
0x20: {  	s20 =	simm.s32 $0x2000;
	s19 =	simm.s32 $0x0;
	s21 =	simm.s32 $0x0;
	(v2sf) =	vpush v0, $0x6  }
.LBB2_2:
0x21: {  	p0 =	sne.s32 s20, $0x3E000  }
0x22: {  	s0 =	sadd.s32 $0x480, s19;
	s25 =	sadd.s32 $0x980, s19;
	s22 =	smov.u32 s20  }
0x23: {  	s20 =	sadd.s32 $0x2000, s20;
	s29 =	sadd.s32 $0x780, s19;
	s23 =	sadd.s32 $0xA00, s19;
	(v2sf) =	vpush v0, $0x7  }
0x24: {  	s31 =	sadd.s32 $0x680, s19;
	s28 =	sadd.s32 $0x800, s19;
	s24 =	sadd.s32 $0xA80, s19  }
0x25: {  	s2 =	sadd.s32 $0x400, s19;
	s15 =	sadd.s32 $0x600, s19;
	(v2sf) =	vpush v0, $0x8  }
0x26: {  	s7 =	sadd.s32 $0x700, s19;
	s21 =	sadd.s32 $0x10, s21  }
0x27: {  	s8 =	sadd.s32 $0x500, s19;
	s26 =	sadd.s32 $0x900, s19;
	s30 =	spop (v2sf);
	(v2sf) =	vpush v0, $0x9  }
0x28: {  	s9 =	sand.u32 $0x1FFFFFF0, s30;
	s30 =	sadd.s32 $0x880, s19;
	s10 =	spop (v2sf)  }
0x29: {  	s9 =	sadd.s32 s3, s9;
	s10 =	sand.u32 $0x1FFFFFF0, s10;
	s11 =	spop (v2sf);
	(v2sf) =	vpush v0, $0xA  }
0x2a: {  	[tilespmem:s2], [sflag:$0x1] =	stream.linear.gather [hbm4b:s9+s1], $0x80, $0x38;
	[tilespmem:$0x10400] =	vst v63  }
0x2b: {  	s2 =	sadd.s32 s3, s10;
	s9 =	sadd.s32 $0x580, s19;
	s10 =	spop (v2sf);
	(v2sf) =	vpush v0, $0xB  }
0x2c: {  	[tilespmem:s0], [sflag:$0x1] =	stream.linear.gather [hbm4b:s2+s1], $0x80, $0x38;
	[tilespmem:$0x10400] =	vst v63  }
0x2d: {  	s0 =	sand.u32 $0x1FFFFFF0, s11;
	s2 =	sand.u32 $0x1FFFFFF0, s10;
	s10 =	spop (v2sf);
	(v2sf) =	vpush v0, $0xC  }
0x2e: {  	s0 =	sadd.s32 s3, s0;
	s10 =	sand.u32 $0x1FFFFFF0, s10;
	s11 =	spop (v2sf)  }
0x2f: {  	[tilespmem:s8], [sflag:$0x1] =	stream.linear.gather [hbm4b:s0+s1], $0x80, $0x38;
	(v2sf) =	vpush v0, $0xD;
	[tilespmem:$0x10400] =	vst v63  }
0x30: {  	s0 =	sadd.s32 s3, s10;
	s8 =	sand.u32 $0x1FFFFFF0, s11;
	s10 =	spop (v2sf)  }
0x31: {  	[tilespmem:s9], [sflag:$0x1] =	stream.linear.gather [hbm4b:s0+s1], $0x80, $0x38;
	(v2sf) =	vpush v0, $0xE;
	[tilespmem:$0x10400] =	vst v63  }
0x32: {  	s0 =	sadd.s32 s3, s2;
	s2 =	sand.u32 $0x1FFFFFF0, s10;
	s9 =	spop (v2sf)  }
0x33: {  	[tilespmem:s15], [sflag:$0x1] =	stream.linear.gather [hbm4b:s0+s1], $0x80, $0x38;
	(v2sf) =	vpush v0, $0xF;
	[tilespmem:$0x10400] =	vst v63  }
0x34: {  	s0 =	sadd.s32 s3, s8;
	s8 =	sand.u32 $0x1FFFFFF0, s9;
	s9 =	spop (v2sf)  }
0x35: {  	[tilespmem:s31], [sflag:$0x1] =	stream.linear.gather [hbm4b:s0+s1], $0x80, $0x38;
	[tilespmem:$0x10400] =	vst v63  }
0x36: {  	s0 =	sadd.s32 s3, s2;
	s2 =	sand.u32 $0x1FFFFFF0, s9;
	s9 =	spop (v2sf)  }
0x37: {  	[tilespmem:s7], [sflag:$0x1] =	stream.linear.gather [hbm4b:s0+s1], $0x80, $0x38;
	[tilespmem:$0x10400] =	vst v63  }
0x38: {  	s0 =	sadd.s32 s3, s8;
	s7 =	sand.u32 $0x1FFFFFF0, s9;
	s8 =	spop (v2sf)  }
0x39: {  	[tilespmem:s29], [sflag:$0x1] =	stream.linear.gather [hbm4b:s0+s1], $0x80, $0x38;
	[tilespmem:$0x10400] =	vst v63  }
0x3a: {  	s0 =	sadd.s32 s3, s2;
	s2 =	sand.u32 $0x1FFFFFF0, s8;
	s8 =	spop (v2sf)  }
0x3b: {  	[tilespmem:s28], [sflag:$0x1] =	stream.linear.gather [hbm4b:s0+s1], $0x80, $0x38;
	[tilespmem:$0x10400] =	vst v63  }
0x3c: {  	s0 =	sadd.s32 s3, s7;
	s7 =	sand.u32 $0x1FFFFFF0, s8;
	s8 =	spop (v2sf)  }
0x3d: {  	[tilespmem:s30], [sflag:$0x1] =	stream.linear.gather [hbm4b:s0+s1], $0x80, $0x38;
	[tilespmem:$0x10400] =	vst v63  }
0x3e: {  	s0 =	sadd.s32 s3, s2;
	s2 =	sand.u32 $0x1FFFFFF0, s8;
	s8 =	spop (v2sf)  }
0x3f: {  	[tilespmem:s26], [sflag:$0x1] =	stream.linear.gather [hbm4b:s0+s1], $0x80, $0x38;
	[tilespmem:$0x10400] =	vst v63  }
0x40: {  	s0 =	sadd.s32 s3, s7;
	s7 =	sand.u32 $0x1FFFFFF0, s8;
	s8 =	spop (v2sf)  }
0x41: {  	[tilespmem:s25], [sflag:$0x1] =	stream.linear.gather [hbm4b:s0+s1], $0x80, $0x38;
	[tilespmem:$0x10400] =	vst v63  }
0x42: {  	s0 =	sadd.s32 s3, s2;
	s2 =	sand.u32 $0x1FFFFFF0, s8;
	s8 =	spop (v2sf)  }
0x43: {  	[tilespmem:s23], [sflag:$0x1] =	stream.linear.gather [hbm4b:s0+s1], $0x80, $0x38;
	[tilespmem:$0x10400] =	vst v63  }
0x44: {  	s0 =	sadd.s32 s3, s7;
	s7 =	sand.u32 $0x1FFFFFF0, s8  }
0x45: {  	[tilespmem:s24], [sflag:$0x1] =	stream.linear.gather [hbm4b:s0+s1], $0x80, $0x38;
	[tilespmem:$0x10400] =	vst v63  }
0x46: {  	s2 =	sadd.s32 s3, s2;
	s0 =	sadd.s32 $0xB00, s19  }
0x47: {  	[tilespmem:s0], [sflag:$0x1] =	stream.linear.gather [hbm4b:s2+s1], $0x80, $0x38;
	[tilespmem:$0x10400] =	vst v63  }
0x48: {  	s0 =	sadd.s32 $0xB80, s19;
	s2 =	sadd.s32 s3, s7  }
0x49: {  	[tilespmem:s0], [sflag:$0x1] =	stream.linear.gather [hbm4b:s2+s1], $0x80, $0x38;
	[tilespmem:$0x10400] =	vst v63  }
0x4a: {  	v0 =	vld [tilespmem:s21+$0x0];
	_ =	sdelay $0x4  }
0x4b: {  	v0 =	vshll.u32 v0, $0x4  }
0x4c: {  	(v2sf) =	vpush v0, $0x0  }
0x4d: {  	(v2sf) =	vpush v0, $0x1  }
0x4e: {  	(v2sf) =	vpush v0, $0x2;
	_ =	sdelay $0x1  }
0x4f: {  	(v2sf) =	vpush v0, $0x4  }
.Ltmp0:
0x50: {  	(pc) =	sbr.rel @p0 .LBB2_2-.Ltmp0, $3  }
0x51: {  	(v2sf) =	vpush v0, $0x3  }
0x52: {  	(v2sf) =	vpush v0, $0x5;
	_ =	sdelay $0x1  }
0x53: {  	s19 =	sshra.s32 s22, $0x2;
	(v2sf) =	vpush v0, $0x6  }
0x54: {  	_ =	sdelay $0x1  }
0x55: {  	s0 =	sadd.s32 $0x480, s19;
	s22 =	sadd.s32 $0x980, s19  }
0x56: {  	s2 =	sadd.s32 $0x780, s19;
	s20 =	sadd.s32 $0xA00, s19;
	(v2sf) =	vpush v0, $0x7;
	s7 =	sadd.s32 $0x680, s19  }
0x57: {  	s8 =	sadd.s32 $0x800, s19;
	s21 =	sadd.s32 $0xA80, s19;
	s9 =	sadd.s32 $0x400, s19  }
0x58: {  	s10 =	sadd.s32 $0x600, s19;
	s11 =	sadd.s32 $0x700, s19;
	(v2sf) =	vpush v0, $0x8;
	s15 =	spop (v2sf)  }
0x59: {  	s23 =	sadd.s32 $0x500, s19;
	s15 =	sand.u32 $0x1FFFFFF0, s15;
	s24 =	spop (v2sf)  }
0x5a: {  	(v2sf) =	vpush v0, $0x9;
	s15 =	sadd.s32 s3, s15;
	s24 =	sand.u32 $0x1FFFFFF0, s24;
	s25 =	spop (v2sf)  }
0x5b: {  	[tilespmem:s9], [sflag:$0x1] =	stream.linear.gather [hbm4b:s15+s1], $0x80, $0x38;
	[tilespmem:$0x10400] =	vst v63  }
0x5c: {  	s26 =	sadd.s32 $0x580, s19;
	(v2sf) =	vpush v0, $0xA;
	s30 =	sadd.s32 s3, s24;
	s31 =	spop (v2sf)  }
0x5d: {  	[tilespmem:s0], [sflag:$0x1] =	stream.linear.gather [hbm4b:s30+s1], $0x80, $0x38;
	[tilespmem:$0x10400] =	vst v63  }
0x5e: {  	s9 =	sadd.s32 $0x900, s19;
	s28 =	sand.u32 $0x1FFFFFF0, s25;
	(v2sf) =	vpush v0, $0xB;
	s29 =	spop (v2sf)  }
0x5f: {  	s15 =	sadd.s32 s3, s28;
	s0 =	sadd.s32 $0x880, s19;
	s25 =	sand.u32 $0x1FFFFFF0, s29  }
0x60: {  	(v2sf) =	vpush v0, $0xC;
	[tilespmem:s23], [sflag:$0x1] =	stream.linear.gather [hbm4b:s15+s1], $0x80, $0x38;
	[tilespmem:$0x10400] =	vst v63  }
0x61: {  	s30 =	sand.u32 $0x1FFFFFF0, s31;
	s31 =	spop (v2sf);
	s28 =	sadd.s32 s3, s25  }
0x62: {  	(v2sf) =	vpush v0, $0xD;
	[tilespmem:s26], [sflag:$0x1] =	stream.linear.gather [hbm4b:s28+s1], $0x80, $0x38;
	[tilespmem:$0x10400] =	vst v63  }
0x63: {  	s15 =	sadd.s32 s3, s30;
	s23 =	sand.u32 $0x1FFFFFF0, s31;
	s29 =	spop (v2sf)  }
0x64: {  	(v2sf) =	vpush v0, $0xE;
	[tilespmem:s10], [sflag:$0x1] =	stream.linear.gather [hbm4b:s15+s1], $0x80, $0x38;
	[tilespmem:$0x10400] =	vst v63  }
0x65: {  	s23 =	sadd.s32 s3, s23;
	s30 =	sand.u32 $0x1FFFFFF0, s29;
	s31 =	spop (v2sf)  }
0x66: {  	(v2sf) =	vpush v0, $0xF;
	[tilespmem:s7], [sflag:$0x1] =	stream.linear.gather [hbm4b:s23+s1], $0x80, $0x38;
	[tilespmem:$0x10400] =	vst v63  }
0x67: {  	s24 =	sand.u32 $0x1FFFFFF0, s31;
	s25 =	spop (v2sf);
	s10 =	sadd.s32 s3, s30  }
0x68: {  	[tilespmem:s11], [sflag:$0x1] =	stream.linear.gather [hbm4b:s10+s1], $0x80, $0x38;
	[tilespmem:$0x10400] =	vst v63  }
0x69: {  	s26 =	sand.u32 $0x1FFFFFF0, s25;
	s7 =	sadd.s32 s3, s24;
	s28 =	spop (v2sf)  }
0x6a: {  	[tilespmem:s2], [sflag:$0x1] =	stream.linear.gather [hbm4b:s7+s1], $0x80, $0x38;
	[tilespmem:$0x10400] =	vst v63  }
0x6b: {  	s10 =	sadd.s32 s3, s26;
	s29 =	sand.u32 $0x1FFFFFF0, s28;
	s30 =	spop (v2sf)  }
0x6c: {  	[tilespmem:s8], [sflag:$0x1] =	stream.linear.gather [hbm4b:s10+s1], $0x80, $0x38;
	[tilespmem:$0x10400] =	vst v63  }
0x6d: {  	s7 =	sand.u32 $0x1FFFFFF0, s30;
	s2 =	sadd.s32 s3, s29;
	s31 =	spop (v2sf)  }
0x6e: {  	[tilespmem:s0], [sflag:$0x1] =	stream.linear.gather [hbm4b:s2+s1], $0x80, $0x38;
	[tilespmem:$0x10400] =	vst v63  }
0x6f: {  	s7 =	sadd.s32 s3, s7;
	s10 =	sand.u32 $0x1FFFFFF0, s31;
	s11 =	spop (v2sf)  }
0x70: {  	[tilespmem:s9], [sflag:$0x1] =	stream.linear.gather [hbm4b:s7+s1], $0x80, $0x38;
	[tilespmem:$0x10400] =	vst v63  }
0x71: {  	s0 =	sadd.s32 s3, s10;
	s2 =	sand.u32 $0x1FFFFFF0, s11;
	s15 =	spop (v2sf)  }
0x72: {  	[tilespmem:s22], [sflag:$0x1] =	stream.linear.gather [hbm4b:s0+s1], $0x80, $0x38;
	[tilespmem:$0x10400] =	vst v63  }
0x73: {  	s2 =	sadd.s32 s3, s2;
	s23 =	spop (v2sf);
	s22 =	sand.u32 $0x1FFFFFF0, s15  }
0x74: {  	[tilespmem:s20], [sflag:$0x1] =	stream.linear.gather [hbm4b:s2+s1], $0x80, $0x38;
	[tilespmem:$0x10400] =	vst v63  }
0x75: {  	s24 =	sand.u32 $0x1FFFFFF0, s23;
	s25 =	spop (v2sf);
	s0 =	sadd.s32 s3, s22  }
0x76: {  	[tilespmem:s21], [sflag:$0x1] =	stream.linear.gather [hbm4b:s0+s1], $0x80, $0x38;
	[tilespmem:$0x10400] =	vst v63  }
0x77: {  	s28 =	sadd.s32 $0xB00, s19;
	s26 =	sand.u32 $0x1FFFFFF0, s25;
	s2 =	sadd.s32 s3, s24  }
0x78: {  	[tilespmem:s28], [sflag:$0x1] =	stream.linear.gather [hbm4b:s2+s1], $0x80, $0x38;
	[tilespmem:$0x10400] =	vst v63  }
0x79: {  	s29 =	sadd.s32 $0xB80, s19;
	s0 =	sadd.s32 s3, s26  }
0x7a: {  	[tilespmem:s29], [sflag:$0x1] =	stream.linear.gather [hbm4b:s0+s1], $0x80, $0x38;
	[tilespmem:$0x10400] =	vst v63  }
0x7b: {  	_ =	swait.ge [sflag:s16], $0x10000  }
0x7c: {  	[sflag:s16] =	ssyncset.done $0x0  }
0x7d: {  	s30 =	simm.s32 $0x0;
	s31 =	rddreg [dreg:$0x6];
	[sflag:s16] =	ssyncadd.s32 $0xFFFF0000  }
0x7e: {  	[hbm4b:s31+s30] =	stream.linear.scatter [tilespmem:s17], [sflag:$0x2], $0x10000, $0x38;
	[tilespmem:$0x10400] =	vst v63  }
0x7f: {  	_ =	swait.ge [sflag:s14], $0x10000  }
0x80: {  	[sflag:s14] =	ssyncset.done $0x0  }
0x81: {  	s20 =	simm.s32 $0x200;
	[sflag:s14] =	ssyncadd.s32 $0xFFFF0000  }
0x82: {  	v0 =	vld [tilespmem:s20+$0x0];
	_ =	sdelay $0x4  }
0x83: {  	v0 =	vshll.u32 v0, $0x4  }
0x84: {  	(v2sf) =	vpush v0, $0x0  }
0x85: {  	(v2sf) =	vpush v0, $0x1  }
0x86: {  	(v2sf) =	vpush v0, $0x2;
	_ =	sdelay $0x1  }
0x87: {  	(v2sf) =	vpush v0, $0x4;
	_ =	sdelay $0x1  }
0x88: {  	(v2sf) =	vpush v0, $0x3  }
0x89: {  	(v2sf) =	vpush v0, $0x5  }
0x8a: {  	s19 =	simm.s32 $0x0;
	s21 =	simm.s32 $0x2000;
	(v2sf) =	vpush v0, $0x6  }
.LBB2_4:
0x8b: {  	p0 =	sne.s32 s21, $0x3E000  }
0x8c: {  	s0 =	sadd.s32 $0x480, s19;
	s25 =	sadd.s32 $0x980, s19;
	s22 =	smov.u32 s21  }
0x8d: {  	s21 =	sadd.s32 $0x2000, s21;
	s29 =	sadd.s32 $0x780, s19;
	s23 =	sadd.s32 $0xA00, s19;
	(v2sf) =	vpush v0, $0x7  }
0x8e: {  	s31 =	sadd.s32 $0x680, s19;
	s28 =	sadd.s32 $0x800, s19;
	s24 =	sadd.s32 $0xA80, s19  }
0x8f: {  	s2 =	sadd.s32 $0x400, s19;
	s7 =	sadd.s32 $0x600, s19;
	(v2sf) =	vpush v0, $0x8  }
0x90: {  	s8 =	sadd.s32 $0x700, s19;
	s20 =	sadd.s32 $0x10, s20  }
0x91: {  	s9 =	sadd.s32 $0x500, s19;
	s26 =	sadd.s32 $0x900, s19;
	s10 =	spop (v2sf);
	(v2sf) =	vpush v0, $0x9  }
0x92: {  	s30 =	sadd.s32 $0x880, s19;
	s10 =	sand.u32 $0x1FFFFFF0, s10;
	s11 =	spop (v2sf)  }
0x93: {  	s10 =	sadd.s32 s4, s10;
	s11 =	sand.u32 $0x1FFFFFF0, s11;
	s15 =	spop (v2sf);
	(v2sf) =	vpush v0, $0xA  }
0x94: {  	[tilespmem:s2], [sflag:$0x1] =	stream.linear.gather [hbm4b:s10+s1], $0x80, $0x38;
	[tilespmem:$0x10400] =	vst v63  }
0x95: {  	s2 =	sadd.s32 s4, s11;
	s10 =	sadd.s32 $0x580, s19;
	s11 =	spop (v2sf);
	(v2sf) =	vpush v0, $0xB  }
0x96: {  	[tilespmem:s0], [sflag:$0x1] =	stream.linear.gather [hbm4b:s2+s1], $0x80, $0x38;
	[tilespmem:$0x10400] =	vst v63  }
0x97: {  	s0 =	sand.u32 $0x1FFFFFF0, s15;
	s2 =	sand.u32 $0x1FFFFFF0, s11;
	s11 =	spop (v2sf);
	(v2sf) =	vpush v0, $0xC  }
0x98: {  	s0 =	sadd.s32 s4, s0;
	s11 =	sand.u32 $0x1FFFFFF0, s11;
	s15 =	spop (v2sf)  }
0x99: {  	[tilespmem:s9], [sflag:$0x1] =	stream.linear.gather [hbm4b:s0+s1], $0x80, $0x38;
	(v2sf) =	vpush v0, $0xD;
	[tilespmem:$0x10400] =	vst v63  }
0x9a: {  	s0 =	sadd.s32 s4, s11;
	s9 =	sand.u32 $0x1FFFFFF0, s15;
	s11 =	spop (v2sf)  }
0x9b: {  	[tilespmem:s10], [sflag:$0x1] =	stream.linear.gather [hbm4b:s0+s1], $0x80, $0x38;
	(v2sf) =	vpush v0, $0xE;
	[tilespmem:$0x10400] =	vst v63  }
0x9c: {  	s0 =	sadd.s32 s4, s2;
	s2 =	sand.u32 $0x1FFFFFF0, s11;
	s10 =	spop (v2sf)  }
0x9d: {  	[tilespmem:s7], [sflag:$0x1] =	stream.linear.gather [hbm4b:s0+s1], $0x80, $0x38;
	(v2sf) =	vpush v0, $0xF;
	[tilespmem:$0x10400] =	vst v63  }
0x9e: {  	s0 =	sadd.s32 s4, s9;
	s7 =	sand.u32 $0x1FFFFFF0, s10;
	s9 =	spop (v2sf)  }
0x9f: {  	[tilespmem:s31], [sflag:$0x1] =	stream.linear.gather [hbm4b:s0+s1], $0x80, $0x38;
	[tilespmem:$0x10400] =	vst v63  }
0xa0: {  	s0 =	sadd.s32 s4, s2;
	s2 =	sand.u32 $0x1FFFFFF0, s9;
	s9 =	spop (v2sf)  }
0xa1: {  	[tilespmem:s8], [sflag:$0x1] =	stream.linear.gather [hbm4b:s0+s1], $0x80, $0x38;
	[tilespmem:$0x10400] =	vst v63  }
0xa2: {  	s0 =	sadd.s32 s4, s7;
	s7 =	sand.u32 $0x1FFFFFF0, s9;
	s8 =	spop (v2sf)  }
0xa3: {  	[tilespmem:s29], [sflag:$0x1] =	stream.linear.gather [hbm4b:s0+s1], $0x80, $0x38;
	[tilespmem:$0x10400] =	vst v63  }
0xa4: {  	s0 =	sadd.s32 s4, s2;
	s2 =	sand.u32 $0x1FFFFFF0, s8;
	s8 =	spop (v2sf)  }
0xa5: {  	[tilespmem:s28], [sflag:$0x1] =	stream.linear.gather [hbm4b:s0+s1], $0x80, $0x38;
	[tilespmem:$0x10400] =	vst v63  }
0xa6: {  	s0 =	sadd.s32 s4, s7;
	s7 =	sand.u32 $0x1FFFFFF0, s8;
	s8 =	spop (v2sf)  }
0xa7: {  	[tilespmem:s30], [sflag:$0x1] =	stream.linear.gather [hbm4b:s0+s1], $0x80, $0x38;
	[tilespmem:$0x10400] =	vst v63  }
0xa8: {  	s0 =	sadd.s32 s4, s2;
	s2 =	sand.u32 $0x1FFFFFF0, s8;
	s8 =	spop (v2sf)  }
0xa9: {  	[tilespmem:s26], [sflag:$0x1] =	stream.linear.gather [hbm4b:s0+s1], $0x80, $0x38;
	[tilespmem:$0x10400] =	vst v63  }
0xaa: {  	s0 =	sadd.s32 s4, s7;
	s7 =	sand.u32 $0x1FFFFFF0, s8;
	s8 =	spop (v2sf)  }
0xab: {  	[tilespmem:s25], [sflag:$0x1] =	stream.linear.gather [hbm4b:s0+s1], $0x80, $0x38;
	[tilespmem:$0x10400] =	vst v63  }
0xac: {  	s0 =	sadd.s32 s4, s2;
	s2 =	sand.u32 $0x1FFFFFF0, s8;
	s8 =	spop (v2sf)  }
0xad: {  	[tilespmem:s23], [sflag:$0x1] =	stream.linear.gather [hbm4b:s0+s1], $0x80, $0x38;
	[tilespmem:$0x10400] =	vst v63  }
0xae: {  	s0 =	sadd.s32 s4, s7;
	s7 =	sand.u32 $0x1FFFFFF0, s8  }
0xaf: {  	[tilespmem:s24], [sflag:$0x1] =	stream.linear.gather [hbm4b:s0+s1], $0x80, $0x38;
	[tilespmem:$0x10400] =	vst v63  }
0xb0: {  	s2 =	sadd.s32 s4, s2;
	s0 =	sadd.s32 $0xB00, s19  }
0xb1: {  	[tilespmem:s0], [sflag:$0x1] =	stream.linear.gather [hbm4b:s2+s1], $0x80, $0x38;
	[tilespmem:$0x10400] =	vst v63  }
0xb2: {  	s0 =	sadd.s32 $0xB80, s19;
	s2 =	sadd.s32 s4, s7  }
0xb3: {  	[tilespmem:s0], [sflag:$0x1] =	stream.linear.gather [hbm4b:s2+s1], $0x80, $0x38;
	[tilespmem:$0x10400] =	vst v63  }
0xb4: {  	v0 =	vld [tilespmem:s20+$0x0];
	_ =	sdelay $0x4  }
0xb5: {  	v0 =	vshll.u32 v0, $0x4  }
0xb6: {  	(v2sf) =	vpush v0, $0x0  }
0xb7: {  	(v2sf) =	vpush v0, $0x1  }
0xb8: {  	(v2sf) =	vpush v0, $0x2;
	_ =	sdelay $0x1  }
0xb9: {  	(v2sf) =	vpush v0, $0x4  }
.Ltmp1:
0xba: {  	(pc) =	sbr.rel @p0 .LBB2_4-.Ltmp1, $3  }
0xbb: {  	(v2sf) =	vpush v0, $0x3  }
0xbc: {  	(v2sf) =	vpush v0, $0x5;
	_ =	sdelay $0x1  }
0xbd: {  	s19 =	sshra.s32 s22, $0x2;
	(v2sf) =	vpush v0, $0x6  }
0xbe: {  	_ =	sdelay $0x1  }
0xbf: {  	s0 =	sadd.s32 $0x480, s19;
	s22 =	sadd.s32 $0x980, s19  }
0xc0: {  	s2 =	sadd.s32 $0x780, s19;
	s20 =	sadd.s32 $0xA00, s19;
	(v2sf) =	vpush v0, $0x7;
	s7 =	sadd.s32 $0x680, s19  }
0xc1: {  	s8 =	sadd.s32 $0x800, s19;
	s21 =	sadd.s32 $0xA80, s19;
	s9 =	sadd.s32 $0x400, s19  }
0xc2: {  	s10 =	sadd.s32 $0x600, s19;
	s11 =	sadd.s32 $0x700, s19;
	(v2sf) =	vpush v0, $0x8;
	s15 =	spop (v2sf)  }
0xc3: {  	s23 =	sadd.s32 $0x500, s19;
	s15 =	sand.u32 $0x1FFFFFF0, s15;
	s24 =	spop (v2sf)  }
0xc4: {  	(v2sf) =	vpush v0, $0x9;
	s15 =	sadd.s32 s4, s15;
	s24 =	sand.u32 $0x1FFFFFF0, s24;
	s25 =	spop (v2sf)  }
0xc5: {  	[tilespmem:s9], [sflag:$0x1] =	stream.linear.gather [hbm4b:s15+s1], $0x80, $0x38;
	[tilespmem:$0x10400] =	vst v63  }
0xc6: {  	s26 =	sadd.s32 $0x580, s19;
	(v2sf) =	vpush v0, $0xA;
	s30 =	sadd.s32 s4, s24;
	s31 =	spop (v2sf)  }
0xc7: {  	[tilespmem:s0], [sflag:$0x1] =	stream.linear.gather [hbm4b:s30+s1], $0x80, $0x38;
	[tilespmem:$0x10400] =	vst v63  }
0xc8: {  	s9 =	sadd.s32 $0x900, s19;
	s28 =	sand.u32 $0x1FFFFFF0, s25;
	(v2sf) =	vpush v0, $0xB;
	s29 =	spop (v2sf)  }
0xc9: {  	s15 =	sadd.s32 s4, s28;
	s0 =	sadd.s32 $0x880, s19;
	s25 =	sand.u32 $0x1FFFFFF0, s29  }
0xca: {  	(v2sf) =	vpush v0, $0xC;
	[tilespmem:s23], [sflag:$0x1] =	stream.linear.gather [hbm4b:s15+s1], $0x80, $0x38;
	[tilespmem:$0x10400] =	vst v63  }
0xcb: {  	s30 =	sand.u32 $0x1FFFFFF0, s31;
	s31 =	spop (v2sf);
	s28 =	sadd.s32 s4, s25  }
0xcc: {  	(v2sf) =	vpush v0, $0xD;
	[tilespmem:s26], [sflag:$0x1] =	stream.linear.gather [hbm4b:s28+s1], $0x80, $0x38;
	[tilespmem:$0x10400] =	vst v63  }
0xcd: {  	s15 =	sadd.s32 s4, s30;
	s23 =	sand.u32 $0x1FFFFFF0, s31;
	s29 =	spop (v2sf)  }
0xce: {  	(v2sf) =	vpush v0, $0xE;
	[tilespmem:s10], [sflag:$0x1] =	stream.linear.gather [hbm4b:s15+s1], $0x80, $0x38;
	[tilespmem:$0x10400] =	vst v63  }
0xcf: {  	s23 =	sadd.s32 s4, s23;
	s30 =	sand.u32 $0x1FFFFFF0, s29;
	s31 =	spop (v2sf)  }
0xd0: {  	(v2sf) =	vpush v0, $0xF;
	[tilespmem:s7], [sflag:$0x1] =	stream.linear.gather [hbm4b:s23+s1], $0x80, $0x38;
	[tilespmem:$0x10400] =	vst v63  }
0xd1: {  	s24 =	sand.u32 $0x1FFFFFF0, s31;
	s25 =	spop (v2sf);
	s10 =	sadd.s32 s4, s30  }
0xd2: {  	[tilespmem:s11], [sflag:$0x1] =	stream.linear.gather [hbm4b:s10+s1], $0x80, $0x38;
	[tilespmem:$0x10400] =	vst v63  }
0xd3: {  	s26 =	sand.u32 $0x1FFFFFF0, s25;
	s7 =	sadd.s32 s4, s24;
	s28 =	spop (v2sf)  }
0xd4: {  	[tilespmem:s2], [sflag:$0x1] =	stream.linear.gather [hbm4b:s7+s1], $0x80, $0x38;
	[tilespmem:$0x10400] =	vst v63  }
0xd5: {  	s10 =	sadd.s32 s4, s26;
	s29 =	sand.u32 $0x1FFFFFF0, s28;
	s30 =	spop (v2sf)  }
0xd6: {  	[tilespmem:s8], [sflag:$0x1] =	stream.linear.gather [hbm4b:s10+s1], $0x80, $0x38;
	[tilespmem:$0x10400] =	vst v63  }
0xd7: {  	s7 =	sand.u32 $0x1FFFFFF0, s30;
	s2 =	sadd.s32 s4, s29;
	s31 =	spop (v2sf)  }
0xd8: {  	[tilespmem:s0], [sflag:$0x1] =	stream.linear.gather [hbm4b:s2+s1], $0x80, $0x38;
	[tilespmem:$0x10400] =	vst v63  }
0xd9: {  	s7 =	sadd.s32 s4, s7;
	s10 =	sand.u32 $0x1FFFFFF0, s31;
	s11 =	spop (v2sf)  }
0xda: {  	[tilespmem:s9], [sflag:$0x1] =	stream.linear.gather [hbm4b:s7+s1], $0x80, $0x38;
	[tilespmem:$0x10400] =	vst v63  }
0xdb: {  	s0 =	sadd.s32 s4, s10;
	s2 =	sand.u32 $0x1FFFFFF0, s11;
	s15 =	spop (v2sf)  }
0xdc: {  	[tilespmem:s22], [sflag:$0x1] =	stream.linear.gather [hbm4b:s0+s1], $0x80, $0x38;
	[tilespmem:$0x10400] =	vst v63  }
0xdd: {  	s23 =	sand.u32 $0x1FFFFFF0, s15;
	s2 =	sadd.s32 s4, s2;
	s24 =	spop (v2sf)  }
0xde: {  	[tilespmem:s20], [sflag:$0x1] =	stream.linear.gather [hbm4b:s2+s1], $0x80, $0x38;
	[tilespmem:$0x10400] =	vst v63  }
0xdf: {  	s25 =	sand.u32 $0x1FFFFFF0, s24;
	s26 =	spop (v2sf);
	s0 =	sadd.s32 s4, s23  }
0xe0: {  	[tilespmem:s21], [sflag:$0x1] =	stream.linear.gather [hbm4b:s0+s1], $0x80, $0x38;
	[tilespmem:$0x10400] =	vst v63  }
0xe1: {  	s29 =	sadd.s32 $0xB00, s19;
	s28 =	sand.u32 $0x1FFFFFF0, s26;
	s2 =	sadd.s32 s4, s25  }
0xe2: {  	[tilespmem:s29], [sflag:$0x1] =	stream.linear.gather [hbm4b:s2+s1], $0x80, $0x38;
	[tilespmem:$0x10400] =	vst v63  }
0xe3: {  	s30 =	sadd.s32 $0xB80, s19;
	s0 =	sadd.s32 s4, s28  }
0xe4: {  	[tilespmem:s30], [sflag:$0x1] =	stream.linear.gather [hbm4b:s0+s1], $0x80, $0x38;
	[tilespmem:$0x10400] =	vst v63  }
0xe5: {  	_ =	swait.ge [sflag:s16], $0x10000  }
0xe6: {  	[sflag:s16] =	ssyncset.done $0x0  }
0xe7: {  	s20 =	simm.s32 $0x0;
	s31 =	rddreg [dreg:$0x7];
	[sflag:s16] =	ssyncadd.s32 $0xFFFF0000  }
0xe8: {  	[hbm4b:s31+s20] =	stream.linear.scatter [tilespmem:s17], [sflag:$0x2], $0x10000, $0x38;
	[tilespmem:$0x10400] =	vst v63  }
0xe9: {  	_ =	swait.ge [sflag:s14], $0x10000  }
0xea: {  	[sflag:s14] =	ssyncset.done $0x0  }
0xeb: {  	[sflag:s14] =	ssyncadd.s32 $0xFFFF0000  }
0xec: {  	v0 =	vld [tilespmem:s20+$0x0];
	_ =	sdelay $0x4  }
0xed: {  	v0 =	vshll.u32 v0, $0x4  }
0xee: {  	(v2sf) =	vpush v0, $0x0  }
0xef: {  	(v2sf) =	vpush v0, $0x1  }
0xf0: {  	(v2sf) =	vpush v0, $0x2;
	_ =	sdelay $0x1  }
0xf1: {  	(v2sf) =	vpush v0, $0x4;
	_ =	sdelay $0x1  }
0xf2: {  	(v2sf) =	vpush v0, $0x3  }
0xf3: {  	(v2sf) =	vpush v0, $0x5  }
0xf4: {  	s19 =	simm.s32 $0x0;
	s21 =	simm.s32 $0x2000;
	(v2sf) =	vpush v0, $0x6  }
.LBB2_6:
0xf5: {  	p0 =	sne.s32 s21, $0x3E000  }
0xf6: {  	s0 =	sadd.s32 $0x480, s19;
	s25 =	sadd.s32 $0x980, s19;
	s22 =	smov.u32 s21  }
0xf7: {  	s21 =	sadd.s32 $0x2000, s21;
	s29 =	sadd.s32 $0x780, s19;
	s23 =	sadd.s32 $0xA00, s19;
	(v2sf) =	vpush v0, $0x7  }
0xf8: {  	s31 =	sadd.s32 $0x680, s19;
	s28 =	sadd.s32 $0x800, s19;
	s24 =	sadd.s32 $0xA80, s19  }
0xf9: {  	s2 =	sadd.s32 $0x400, s19;
	s7 =	sadd.s32 $0x600, s19;
	(v2sf) =	vpush v0, $0x8  }
0xfa: {  	s8 =	sadd.s32 $0x700, s19;
	s20 =	sadd.s32 $0x10, s20  }
0xfb: {  	s9 =	sadd.s32 $0x500, s19;
	s26 =	sadd.s32 $0x900, s19;
	s10 =	spop (v2sf);
	(v2sf) =	vpush v0, $0x9  }
0xfc: {  	s30 =	sadd.s32 $0x880, s19;
	s10 =	sand.u32 $0x1FFFFFF0, s10;
	s11 =	spop (v2sf)  }
0xfd: {  	s10 =	sadd.s32 s5, s10;
	s11 =	sand.u32 $0x1FFFFFF0, s11;
	s15 =	spop (v2sf);
	(v2sf) =	vpush v0, $0xA  }
0xfe: {  	[tilespmem:s2], [sflag:$0x1] =	stream.linear.gather [hbm4b:s10+s1], $0x80, $0x38;
	[tilespmem:$0x10400] =	vst v63  }
0xff: {  	s2 =	sadd.s32 s5, s11;
	s10 =	sadd.s32 $0x580, s19;
	s11 =	spop (v2sf);
	(v2sf) =	vpush v0, $0xB  }
0x100: {  	[tilespmem:s0], [sflag:$0x1] =	stream.linear.gather [hbm4b:s2+s1], $0x80, $0x38;
	[tilespmem:$0x10400] =	vst v63  }
0x101: {  	s0 =	sand.u32 $0x1FFFFFF0, s15;
	s2 =	sand.u32 $0x1FFFFFF0, s11;
	s11 =	spop (v2sf);
	(v2sf) =	vpush v0, $0xC  }
0x102: {  	s0 =	sadd.s32 s5, s0;
	s11 =	sand.u32 $0x1FFFFFF0, s11;
	s15 =	spop (v2sf)  }
0x103: {  	[tilespmem:s9], [sflag:$0x1] =	stream.linear.gather [hbm4b:s0+s1], $0x80, $0x38;
	(v2sf) =	vpush v0, $0xD;
	[tilespmem:$0x10400] =	vst v63  }
0x104: {  	s0 =	sadd.s32 s5, s11;
	s9 =	sand.u32 $0x1FFFFFF0, s15;
	s11 =	spop (v2sf)  }
0x105: {  	[tilespmem:s10], [sflag:$0x1] =	stream.linear.gather [hbm4b:s0+s1], $0x80, $0x38;
	(v2sf) =	vpush v0, $0xE;
	[tilespmem:$0x10400] =	vst v63  }
0x106: {  	s0 =	sadd.s32 s5, s2;
	s2 =	sand.u32 $0x1FFFFFF0, s11;
	s10 =	spop (v2sf)  }
0x107: {  	[tilespmem:s7], [sflag:$0x1] =	stream.linear.gather [hbm4b:s0+s1], $0x80, $0x38;
	(v2sf) =	vpush v0, $0xF;
	[tilespmem:$0x10400] =	vst v63  }
0x108: {  	s0 =	sadd.s32 s5, s9;
	s7 =	sand.u32 $0x1FFFFFF0, s10;
	s9 =	spop (v2sf)  }
0x109: {  	[tilespmem:s31], [sflag:$0x1] =	stream.linear.gather [hbm4b:s0+s1], $0x80, $0x38;
	[tilespmem:$0x10400] =	vst v63  }
0x10a: {  	s0 =	sadd.s32 s5, s2;
	s2 =	sand.u32 $0x1FFFFFF0, s9;
	s9 =	spop (v2sf)  }
0x10b: {  	[tilespmem:s8], [sflag:$0x1] =	stream.linear.gather [hbm4b:s0+s1], $0x80, $0x38;
	[tilespmem:$0x10400] =	vst v63  }
0x10c: {  	s0 =	sadd.s32 s5, s7;
	s7 =	sand.u32 $0x1FFFFFF0, s9;
	s8 =	spop (v2sf)  }
0x10d: {  	[tilespmem:s29], [sflag:$0x1] =	stream.linear.gather [hbm4b:s0+s1], $0x80, $0x38;
	[tilespmem:$0x10400] =	vst v63  }
0x10e: {  	s0 =	sadd.s32 s5, s2;
	s2 =	sand.u32 $0x1FFFFFF0, s8;
	s8 =	spop (v2sf)  }
0x10f: {  	[tilespmem:s28], [sflag:$0x1] =	stream.linear.gather [hbm4b:s0+s1], $0x80, $0x38;
	[tilespmem:$0x10400] =	vst v63  }
0x110: {  	s0 =	sadd.s32 s5, s7;
	s7 =	sand.u32 $0x1FFFFFF0, s8;
	s8 =	spop (v2sf)  }
0x111: {  	[tilespmem:s30], [sflag:$0x1] =	stream.linear.gather [hbm4b:s0+s1], $0x80, $0x38;
	[tilespmem:$0x10400] =	vst v63  }
0x112: {  	s0 =	sadd.s32 s5, s2;
	s2 =	sand.u32 $0x1FFFFFF0, s8;
	s8 =	spop (v2sf)  }
0x113: {  	[tilespmem:s26], [sflag:$0x1] =	stream.linear.gather [hbm4b:s0+s1], $0x80, $0x38;
	[tilespmem:$0x10400] =	vst v63  }
0x114: {  	s0 =	sadd.s32 s5, s7;
	s7 =	sand.u32 $0x1FFFFFF0, s8;
	s8 =	spop (v2sf)  }
0x115: {  	[tilespmem:s25], [sflag:$0x1] =	stream.linear.gather [hbm4b:s0+s1], $0x80, $0x38;
	[tilespmem:$0x10400] =	vst v63  }
0x116: {  	s0 =	sadd.s32 s5, s2;
	s2 =	sand.u32 $0x1FFFFFF0, s8;
	s8 =	spop (v2sf)  }
0x117: {  	[tilespmem:s23], [sflag:$0x1] =	stream.linear.gather [hbm4b:s0+s1], $0x80, $0x38;
	[tilespmem:$0x10400] =	vst v63  }
0x118: {  	s0 =	sadd.s32 s5, s7;
	s7 =	sand.u32 $0x1FFFFFF0, s8  }
0x119: {  	[tilespmem:s24], [sflag:$0x1] =	stream.linear.gather [hbm4b:s0+s1], $0x80, $0x38;
	[tilespmem:$0x10400] =	vst v63  }
0x11a: {  	s2 =	sadd.s32 s5, s2;
	s0 =	sadd.s32 $0xB00, s19  }
0x11b: {  	[tilespmem:s0], [sflag:$0x1] =	stream.linear.gather [hbm4b:s2+s1], $0x80, $0x38;
	[tilespmem:$0x10400] =	vst v63  }
0x11c: {  	s0 =	sadd.s32 $0xB80, s19;
	s2 =	sadd.s32 s5, s7  }
0x11d: {  	[tilespmem:s0], [sflag:$0x1] =	stream.linear.gather [hbm4b:s2+s1], $0x80, $0x38;
	[tilespmem:$0x10400] =	vst v63  }
0x11e: {  	v0 =	vld [tilespmem:s20+$0x0];
	_ =	sdelay $0x4  }
0x11f: {  	v0 =	vshll.u32 v0, $0x4  }
0x120: {  	(v2sf) =	vpush v0, $0x0  }
0x121: {  	(v2sf) =	vpush v0, $0x1  }
0x122: {  	(v2sf) =	vpush v0, $0x2;
	_ =	sdelay $0x1  }
0x123: {  	(v2sf) =	vpush v0, $0x4  }
.Ltmp2:
0x124: {  	(pc) =	sbr.rel @p0 .LBB2_6-.Ltmp2, $3  }
0x125: {  	(v2sf) =	vpush v0, $0x3  }
0x126: {  	(v2sf) =	vpush v0, $0x5;
	_ =	sdelay $0x1  }
0x127: {  	s19 =	sshra.s32 s22, $0x2;
	(v2sf) =	vpush v0, $0x6  }
0x128: {  	_ =	sdelay $0x1  }
0x129: {  	s0 =	sadd.s32 $0x480, s19;
	s22 =	sadd.s32 $0x980, s19  }
0x12a: {  	s2 =	sadd.s32 $0x780, s19;
	s20 =	sadd.s32 $0xA00, s19;
	(v2sf) =	vpush v0, $0x7;
	s7 =	sadd.s32 $0x680, s19  }
0x12b: {  	s8 =	sadd.s32 $0x800, s19;
	s21 =	sadd.s32 $0xA80, s19;
	s9 =	sadd.s32 $0x400, s19  }
0x12c: {  	s10 =	sadd.s32 $0x600, s19;
	s11 =	sadd.s32 $0x700, s19;
	(v2sf) =	vpush v0, $0x8;
	s15 =	spop (v2sf)  }
0x12d: {  	s23 =	sadd.s32 $0x500, s19;
	s15 =	sand.u32 $0x1FFFFFF0, s15;
	s24 =	spop (v2sf)  }
0x12e: {  	(v2sf) =	vpush v0, $0x9;
	s15 =	sadd.s32 s5, s15;
	s24 =	sand.u32 $0x1FFFFFF0, s24;
	s25 =	spop (v2sf)  }
0x12f: {  	[tilespmem:s9], [sflag:$0x1] =	stream.linear.gather [hbm4b:s15+s1], $0x80, $0x38;
	[tilespmem:$0x10400] =	vst v63  }
0x130: {  	s26 =	sadd.s32 $0x580, s19;
	(v2sf) =	vpush v0, $0xA;
	s30 =	sadd.s32 s5, s24;
	s31 =	spop (v2sf)  }
0x131: {  	[tilespmem:s0], [sflag:$0x1] =	stream.linear.gather [hbm4b:s30+s1], $0x80, $0x38;
	[tilespmem:$0x10400] =	vst v63  }
0x132: {  	s9 =	sadd.s32 $0x900, s19;
	s28 =	sand.u32 $0x1FFFFFF0, s25;
	(v2sf) =	vpush v0, $0xB;
	s29 =	spop (v2sf)  }
0x133: {  	s15 =	sadd.s32 s5, s28;
	s0 =	sadd.s32 $0x880, s19;
	s25 =	sand.u32 $0x1FFFFFF0, s29  }
0x134: {  	(v2sf) =	vpush v0, $0xC;
	[tilespmem:s23], [sflag:$0x1] =	stream.linear.gather [hbm4b:s15+s1], $0x80, $0x38;
	[tilespmem:$0x10400] =	vst v63  }
0x135: {  	s30 =	sand.u32 $0x1FFFFFF0, s31;
	s31 =	spop (v2sf);
	s28 =	sadd.s32 s5, s25  }
0x136: {  	(v2sf) =	vpush v0, $0xD;
	[tilespmem:s26], [sflag:$0x1] =	stream.linear.gather [hbm4b:s28+s1], $0x80, $0x38;
	[tilespmem:$0x10400] =	vst v63  }
0x137: {  	s15 =	sadd.s32 s5, s30;
	s23 =	sand.u32 $0x1FFFFFF0, s31;
	s29 =	spop (v2sf)  }
0x138: {  	(v2sf) =	vpush v0, $0xE;
	[tilespmem:s10], [sflag:$0x1] =	stream.linear.gather [hbm4b:s15+s1], $0x80, $0x38;
	[tilespmem:$0x10400] =	vst v63  }
0x139: {  	s23 =	sadd.s32 s5, s23;
	s30 =	sand.u32 $0x1FFFFFF0, s29;
	s31 =	spop (v2sf)  }
0x13a: {  	(v2sf) =	vpush v0, $0xF;
	[tilespmem:s7], [sflag:$0x1] =	stream.linear.gather [hbm4b:s23+s1], $0x80, $0x38;
	[tilespmem:$0x10400] =	vst v63  }
0x13b: {  	s24 =	sand.u32 $0x1FFFFFF0, s31;
	s25 =	spop (v2sf);
	s10 =	sadd.s32 s5, s30  }
0x13c: {  	[tilespmem:s11], [sflag:$0x1] =	stream.linear.gather [hbm4b:s10+s1], $0x80, $0x38;
	[tilespmem:$0x10400] =	vst v63  }
0x13d: {  	s26 =	sand.u32 $0x1FFFFFF0, s25;
	s7 =	sadd.s32 s5, s24;
	s28 =	spop (v2sf)  }
0x13e: {  	[tilespmem:s2], [sflag:$0x1] =	stream.linear.gather [hbm4b:s7+s1], $0x80, $0x38;
	[tilespmem:$0x10400] =	vst v63  }
0x13f: {  	s10 =	sadd.s32 s5, s26;
	s29 =	sand.u32 $0x1FFFFFF0, s28;
	s30 =	spop (v2sf)  }
0x140: {  	[tilespmem:s8], [sflag:$0x1] =	stream.linear.gather [hbm4b:s10+s1], $0x80, $0x38;
	[tilespmem:$0x10400] =	vst v63  }
0x141: {  	s7 =	sand.u32 $0x1FFFFFF0, s30;
	s2 =	sadd.s32 s5, s29;
	s31 =	spop (v2sf)  }
0x142: {  	[tilespmem:s0], [sflag:$0x1] =	stream.linear.gather [hbm4b:s2+s1], $0x80, $0x38;
	[tilespmem:$0x10400] =	vst v63  }
0x143: {  	s7 =	sadd.s32 s5, s7;
	s10 =	sand.u32 $0x1FFFFFF0, s31;
	s11 =	spop (v2sf)  }
0x144: {  	[tilespmem:s9], [sflag:$0x1] =	stream.linear.gather [hbm4b:s7+s1], $0x80, $0x38;
	[tilespmem:$0x10400] =	vst v63  }
0x145: {  	s0 =	sadd.s32 s5, s10;
	s2 =	sand.u32 $0x1FFFFFF0, s11;
	s15 =	spop (v2sf)  }
0x146: {  	[tilespmem:s22], [sflag:$0x1] =	stream.linear.gather [hbm4b:s0+s1], $0x80, $0x38;
	[tilespmem:$0x10400] =	vst v63  }
0x147: {  	s2 =	sadd.s32 s5, s2;
	s23 =	spop (v2sf);
	s22 =	sand.u32 $0x1FFFFFF0, s15  }
0x148: {  	[tilespmem:s20], [sflag:$0x1] =	stream.linear.gather [hbm4b:s2+s1], $0x80, $0x38;
	[tilespmem:$0x10400] =	vst v63  }
0x149: {  	s24 =	sand.u32 $0x1FFFFFF0, s23;
	s25 =	spop (v2sf);
	s0 =	sadd.s32 s5, s22  }
0x14a: {  	[tilespmem:s21], [sflag:$0x1] =	stream.linear.gather [hbm4b:s0+s1], $0x80, $0x38;
	[tilespmem:$0x10400] =	vst v63  }
0x14b: {  	s28 =	sadd.s32 $0xB00, s19;
	s26 =	sand.u32 $0x1FFFFFF0, s25;
	s2 =	sadd.s32 s5, s24  }
0x14c: {  	[tilespmem:s28], [sflag:$0x1] =	stream.linear.gather [hbm4b:s2+s1], $0x80, $0x38;
	[tilespmem:$0x10400] =	vst v63  }
0x14d: {  	s29 =	sadd.s32 $0xB80, s19;
	s0 =	sadd.s32 s5, s26  }
0x14e: {  	[tilespmem:s29], [sflag:$0x1] =	stream.linear.gather [hbm4b:s0+s1], $0x80, $0x38;
	[tilespmem:$0x10400] =	vst v63  }
0x14f: {  	_ =	swait.ge [sflag:s16], $0x10000  }
0x150: {  	[sflag:s16] =	ssyncset.done $0x0  }
0x151: {  	s30 =	simm.s32 $0x0;
	s31 =	rddreg [dreg:$0x8];
	[sflag:s16] =	ssyncadd.s32 $0xFFFF0000  }
0x152: {  	[hbm4b:s31+s30] =	stream.linear.scatter [tilespmem:s17], [sflag:$0x2], $0x10000, $0x38;
	[tilespmem:$0x10400] =	vst v63  }
0x153: {  	_ =	swait.ge [sflag:s14], $0x10000  }
0x154: {  	[sflag:s14] =	ssyncset.done $0x0  }
0x155: {  	s20 =	simm.s32 $0x200;
	[sflag:s14] =	ssyncadd.s32 $0xFFFF0000  }
0x156: {  	v0 =	vld [tilespmem:s20+$0x0];
	_ =	sdelay $0x4  }
0x157: {  	v0 =	vshll.u32 v0, $0x4  }
0x158: {  	(v2sf) =	vpush v0, $0x0  }
0x159: {  	(v2sf) =	vpush v0, $0x1  }
0x15a: {  	(v2sf) =	vpush v0, $0x2;
	_ =	sdelay $0x1  }
0x15b: {  	(v2sf) =	vpush v0, $0x4;
	_ =	sdelay $0x1  }
0x15c: {  	(v2sf) =	vpush v0, $0x3  }
0x15d: {  	(v2sf) =	vpush v0, $0x5  }
0x15e: {  	s19 =	simm.s32 $0x0;
	s21 =	simm.s32 $0x2000;
	(v2sf) =	vpush v0, $0x6  }
.LBB2_8:
0x15f: {  	p0 =	sne.s32 s21, $0x3E000  }
0x160: {  	s0 =	sadd.s32 $0x480, s19;
	s25 =	sadd.s32 $0x980, s19;
	s22 =	smov.u32 s21  }
0x161: {  	s21 =	sadd.s32 $0x2000, s21;
	s29 =	sadd.s32 $0x780, s19;
	s23 =	sadd.s32 $0xA00, s19;
	(v2sf) =	vpush v0, $0x7  }
0x162: {  	s31 =	sadd.s32 $0x680, s19;
	s28 =	sadd.s32 $0x800, s19;
	s24 =	sadd.s32 $0xA80, s19  }
0x163: {  	s2 =	sadd.s32 $0x400, s19;
	s7 =	sadd.s32 $0x600, s19;
	(v2sf) =	vpush v0, $0x8  }
0x164: {  	s8 =	sadd.s32 $0x700, s19;
	s20 =	sadd.s32 $0x10, s20  }
0x165: {  	s9 =	sadd.s32 $0x500, s19;
	s26 =	sadd.s32 $0x900, s19;
	s10 =	spop (v2sf);
	(v2sf) =	vpush v0, $0x9  }
0x166: {  	s30 =	sadd.s32 $0x880, s19;
	s10 =	sand.u32 $0x1FFFFFF0, s10;
	s11 =	spop (v2sf)  }
0x167: {  	s10 =	sadd.s32 s6, s10;
	s11 =	sand.u32 $0x1FFFFFF0, s11;
	s15 =	spop (v2sf);
	(v2sf) =	vpush v0, $0xA  }
0x168: {  	[tilespmem:s2], [sflag:$0x1] =	stream.linear.gather [hbm4b:s10+s1], $0x80, $0x38;
	[tilespmem:$0x10400] =	vst v63  }
0x169: {  	s2 =	sadd.s32 s6, s11;
	s10 =	sadd.s32 $0x580, s19;
	s11 =	spop (v2sf);
	(v2sf) =	vpush v0, $0xB  }
0x16a: {  	[tilespmem:s0], [sflag:$0x1] =	stream.linear.gather [hbm4b:s2+s1], $0x80, $0x38;
	[tilespmem:$0x10400] =	vst v63  }
0x16b: {  	s0 =	sand.u32 $0x1FFFFFF0, s15;
	s2 =	sand.u32 $0x1FFFFFF0, s11;
	s11 =	spop (v2sf);
	(v2sf) =	vpush v0, $0xC  }
0x16c: {  	s0 =	sadd.s32 s6, s0;
	s11 =	sand.u32 $0x1FFFFFF0, s11;
	s15 =	spop (v2sf)  }
0x16d: {  	[tilespmem:s9], [sflag:$0x1] =	stream.linear.gather [hbm4b:s0+s1], $0x80, $0x38;
	(v2sf) =	vpush v0, $0xD;
	[tilespmem:$0x10400] =	vst v63  }
0x16e: {  	s0 =	sadd.s32 s6, s11;
	s9 =	sand.u32 $0x1FFFFFF0, s15;
	s11 =	spop (v2sf)  }
0x16f: {  	[tilespmem:s10], [sflag:$0x1] =	stream.linear.gather [hbm4b:s0+s1], $0x80, $0x38;
	(v2sf) =	vpush v0, $0xE;
	[tilespmem:$0x10400] =	vst v63  }
0x170: {  	s0 =	sadd.s32 s6, s2;
	s2 =	sand.u32 $0x1FFFFFF0, s11;
	s10 =	spop (v2sf)  }
0x171: {  	[tilespmem:s7], [sflag:$0x1] =	stream.linear.gather [hbm4b:s0+s1], $0x80, $0x38;
	(v2sf) =	vpush v0, $0xF;
	[tilespmem:$0x10400] =	vst v63  }
0x172: {  	s0 =	sadd.s32 s6, s9;
	s7 =	sand.u32 $0x1FFFFFF0, s10;
	s9 =	spop (v2sf)  }
0x173: {  	[tilespmem:s31], [sflag:$0x1] =	stream.linear.gather [hbm4b:s0+s1], $0x80, $0x38;
	[tilespmem:$0x10400] =	vst v63  }
0x174: {  	s0 =	sadd.s32 s6, s2;
	s2 =	sand.u32 $0x1FFFFFF0, s9;
	s9 =	spop (v2sf)  }
0x175: {  	[tilespmem:s8], [sflag:$0x1] =	stream.linear.gather [hbm4b:s0+s1], $0x80, $0x38;
	[tilespmem:$0x10400] =	vst v63  }
0x176: {  	s0 =	sadd.s32 s6, s7;
	s7 =	sand.u32 $0x1FFFFFF0, s9;
	s8 =	spop (v2sf)  }
0x177: {  	[tilespmem:s29], [sflag:$0x1] =	stream.linear.gather [hbm4b:s0+s1], $0x80, $0x38;
	[tilespmem:$0x10400] =	vst v63  }
0x178: {  	s0 =	sadd.s32 s6, s2;
	s2 =	sand.u32 $0x1FFFFFF0, s8;
	s8 =	spop (v2sf)  }
0x179: {  	[tilespmem:s28], [sflag:$0x1] =	stream.linear.gather [hbm4b:s0+s1], $0x80, $0x38;
	[tilespmem:$0x10400] =	vst v63  }
0x17a: {  	s0 =	sadd.s32 s6, s7;
	s7 =	sand.u32 $0x1FFFFFF0, s8;
	s8 =	spop (v2sf)  }
0x17b: {  	[tilespmem:s30], [sflag:$0x1] =	stream.linear.gather [hbm4b:s0+s1], $0x80, $0x38;
	[tilespmem:$0x10400] =	vst v63  }
0x17c: {  	s0 =	sadd.s32 s6, s2;
	s2 =	sand.u32 $0x1FFFFFF0, s8;
	s8 =	spop (v2sf)  }
0x17d: {  	[tilespmem:s26], [sflag:$0x1] =	stream.linear.gather [hbm4b:s0+s1], $0x80, $0x38;
	[tilespmem:$0x10400] =	vst v63  }
0x17e: {  	s0 =	sadd.s32 s6, s7;
	s7 =	sand.u32 $0x1FFFFFF0, s8;
	s8 =	spop (v2sf)  }
0x17f: {  	[tilespmem:s25], [sflag:$0x1] =	stream.linear.gather [hbm4b:s0+s1], $0x80, $0x38;
	[tilespmem:$0x10400] =	vst v63  }
0x180: {  	s0 =	sadd.s32 s6, s2;
	s2 =	sand.u32 $0x1FFFFFF0, s8;
	s8 =	spop (v2sf)  }
0x181: {  	[tilespmem:s23], [sflag:$0x1] =	stream.linear.gather [hbm4b:s0+s1], $0x80, $0x38;
	[tilespmem:$0x10400] =	vst v63  }
0x182: {  	s0 =	sadd.s32 s6, s7;
	s7 =	sand.u32 $0x1FFFFFF0, s8  }
0x183: {  	[tilespmem:s24], [sflag:$0x1] =	stream.linear.gather [hbm4b:s0+s1], $0x80, $0x38;
	[tilespmem:$0x10400] =	vst v63  }
0x184: {  	s2 =	sadd.s32 s6, s2;
	s0 =	sadd.s32 $0xB00, s19  }
0x185: {  	[tilespmem:s0], [sflag:$0x1] =	stream.linear.gather [hbm4b:s2+s1], $0x80, $0x38;
	[tilespmem:$0x10400] =	vst v63  }
0x186: {  	s0 =	sadd.s32 $0xB80, s19;
	s2 =	sadd.s32 s6, s7  }
0x187: {  	[tilespmem:s0], [sflag:$0x1] =	stream.linear.gather [hbm4b:s2+s1], $0x80, $0x38;
	[tilespmem:$0x10400] =	vst v63  }
0x188: {  	v0 =	vld [tilespmem:s20+$0x0];
	_ =	sdelay $0x4  }
0x189: {  	v0 =	vshll.u32 v0, $0x4  }
0x18a: {  	(v2sf) =	vpush v0, $0x0  }
0x18b: {  	(v2sf) =	vpush v0, $0x1  }
0x18c: {  	(v2sf) =	vpush v0, $0x2;
	_ =	sdelay $0x1  }
0x18d: {  	(v2sf) =	vpush v0, $0x4  }
.Ltmp3:
0x18e: {  	(pc) =	sbr.rel @p0 .LBB2_8-.Ltmp3, $3  }
0x18f: {  	(v2sf) =	vpush v0, $0x3  }
0x190: {  	(v2sf) =	vpush v0, $0x5;
	_ =	sdelay $0x1  }
0x191: {  	s19 =	sshra.s32 s22, $0x2;
	(v2sf) =	vpush v0, $0x6  }
0x192: {  	_ =	sdelay $0x1  }
0x193: {  	s0 =	sadd.s32 $0x480, s19;
	s22 =	sadd.s32 $0x980, s19  }
0x194: {  	s2 =	sadd.s32 $0x780, s19;
	s20 =	sadd.s32 $0xA00, s19;
	(v2sf) =	vpush v0, $0x7;
	s7 =	sadd.s32 $0x680, s19  }
0x195: {  	s8 =	sadd.s32 $0x800, s19;
	s21 =	sadd.s32 $0xA80, s19;
	s9 =	sadd.s32 $0x400, s19  }
0x196: {  	s10 =	sadd.s32 $0x600, s19;
	s11 =	sadd.s32 $0x700, s19;
	(v2sf) =	vpush v0, $0x8;
	s15 =	spop (v2sf)  }
0x197: {  	s23 =	sadd.s32 $0x500, s19;
	s15 =	sand.u32 $0x1FFFFFF0, s15;
	s24 =	spop (v2sf)  }
0x198: {  	(v2sf) =	vpush v0, $0x9;
	s15 =	sadd.s32 s6, s15;
	s24 =	sand.u32 $0x1FFFFFF0, s24;
	s25 =	spop (v2sf)  }
0x199: {  	[tilespmem:s9], [sflag:$0x1] =	stream.linear.gather [hbm4b:s15+s1], $0x80, $0x38;
	[tilespmem:$0x10400] =	vst v63  }
0x19a: {  	(v2sf) =	vpush v0, $0xA;
	s26 =	sadd.s32 s6, s24;
	s29 =	sand.u32 $0x1FFFFFF0, s25;
	s28 =	spop (v2sf)  }
0x19b: {  	[tilespmem:s0], [sflag:$0x1] =	stream.linear.gather [hbm4b:s26+s1], $0x80, $0x38;
	[tilespmem:$0x10400] =	vst v63  }
0x19c: {  	s9 =	sadd.s32 $0x900, s19;
	(v2sf) =	vpush v0, $0xB;
	s15 =	sadd.s32 s6, s29;
	s30 =	spop (v2sf)  }
0x19d: {  	s0 =	sadd.s32 $0x880, s19;
	s26 =	sadd.s32 $0x580, s19;
	s25 =	sand.u32 $0x1FFFFFF0, s30  }
0x19e: {  	(v2sf) =	vpush v0, $0xC;
	[tilespmem:s23], [sflag:$0x1] =	stream.linear.gather [hbm4b:s15+s1], $0x80, $0x38;
	[tilespmem:$0x10400] =	vst v63  }
0x19f: {  	s31 =	sand.u32 $0x1FFFFFF0, s28;
	s28 =	spop (v2sf);
	s29 =	sadd.s32 s6, s25  }
0x1a0: {  	(v2sf) =	vpush v0, $0xD;
	[tilespmem:s26], [sflag:$0x1] =	stream.linear.gather [hbm4b:s29+s1], $0x80, $0x38;
	[tilespmem:$0x10400] =	vst v63  }
0x1a1: {  	s15 =	sadd.s32 s6, s31;
	s23 =	sand.u32 $0x1FFFFFF0, s28;
	s30 =	spop (v2sf)  }
0x1a2: {  	(v2sf) =	vpush v0, $0xE;
	[tilespmem:s10], [sflag:$0x1] =	stream.linear.gather [hbm4b:s15+s1], $0x80, $0x38;
	[tilespmem:$0x10400] =	vst v63  }
0x1a3: {  	s23 =	sadd.s32 s6, s23;
	s31 =	sand.u32 $0x1FFFFFF0, s30;
	s24 =	spop (v2sf)  }
0x1a4: {  	(v2sf) =	vpush v0, $0xF;
	[tilespmem:s7], [sflag:$0x1] =	stream.linear.gather [hbm4b:s23+s1], $0x80, $0x38;
	[tilespmem:$0x10400] =	vst v63  }
0x1a5: {  	s25 =	sand.u32 $0x1FFFFFF0, s24;
	s26 =	spop (v2sf);
	s10 =	sadd.s32 s6, s31  }
0x1a6: {  	[tilespmem:s11], [sflag:$0x1] =	stream.linear.gather [hbm4b:s10+s1], $0x80, $0x38;
	[tilespmem:$0x10400] =	vst v63  }
0x1a7: {  	s28 =	sand.u32 $0x1FFFFFF0, s26;
	s7 =	sadd.s32 s6, s25;
	s29 =	spop (v2sf)  }
0x1a8: {  	[tilespmem:s2], [sflag:$0x1] =	stream.linear.gather [hbm4b:s7+s1], $0x80, $0x38;
	[tilespmem:$0x10400] =	vst v63  }
0x1a9: {  	s10 =	sadd.s32 s6, s28;
	s30 =	sand.u32 $0x1FFFFFF0, s29;
	s31 =	spop (v2sf)  }
0x1aa: {  	[tilespmem:s8], [sflag:$0x1] =	stream.linear.gather [hbm4b:s10+s1], $0x80, $0x38;
	[tilespmem:$0x10400] =	vst v63  }
0x1ab: {  	s7 =	sand.u32 $0x1FFFFFF0, s31;
	s2 =	sadd.s32 s6, s30;
	s10 =	spop (v2sf)  }
0x1ac: {  	[tilespmem:s0], [sflag:$0x1] =	stream.linear.gather [hbm4b:s2+s1], $0x80, $0x38;
	[tilespmem:$0x10400] =	vst v63  }
0x1ad: {  	s7 =	sadd.s32 s6, s7;
	s11 =	sand.u32 $0x1FFFFFF0, s10;
	s15 =	spop (v2sf)  }
0x1ae: {  	[tilespmem:s9], [sflag:$0x1] =	stream.linear.gather [hbm4b:s7+s1], $0x80, $0x38;
	[tilespmem:$0x10400] =	vst v63  }
0x1af: {  	s0 =	sadd.s32 s6, s11;
	s2 =	sand.u32 $0x1FFFFFF0, s15;
	s23 =	spop (v2sf)  }
0x1b0: {  	[tilespmem:s22], [sflag:$0x1] =	stream.linear.gather [hbm4b:s0+s1], $0x80, $0x38;
	[tilespmem:$0x10400] =	vst v63  }
0x1b1: {  	s24 =	sand.u32 $0x1FFFFFF0, s23;
	s2 =	sadd.s32 s6, s2;
	s25 =	spop (v2sf)  }
0x1b2: {  	[tilespmem:s20], [sflag:$0x1] =	stream.linear.gather [hbm4b:s2+s1], $0x80, $0x38;
	[tilespmem:$0x10400] =	vst v63  }
0x1b3: {  	s26 =	sand.u32 $0x1FFFFFF0, s25;
	s28 =	spop (v2sf);
	s0 =	sadd.s32 s6, s24  }
0x1b4: {  	[tilespmem:s21], [sflag:$0x1] =	stream.linear.gather [hbm4b:s0+s1], $0x80, $0x38;
	[tilespmem:$0x10400] =	vst v63  }
0x1b5: {  	s30 =	sadd.s32 $0xB00, s19;
	s29 =	sand.u32 $0x1FFFFFF0, s28;
	s2 =	sadd.s32 s6, s26  }
0x1b6: {  	[tilespmem:s30], [sflag:$0x1] =	stream.linear.gather [hbm4b:s2+s1], $0x80, $0x38;
	[tilespmem:$0x10400] =	vst v63  }
0x1b7: {  	s31 =	sadd.s32 $0xB80, s19;
	s0 =	sadd.s32 s6, s29  }
0x1b8: {  	[tilespmem:s31], [sflag:$0x1] =	stream.linear.gather [hbm4b:s0+s1], $0x80, $0x38;
	[tilespmem:$0x10400] =	vst v63  }
0x1b9: {  	s18 =	sadd.s32 $0x1, s18;
	_ =	swait.ge [sflag:s16], $0x10000  }
0x1ba: {  	p0 =	sne.s32 s18, s13;
	[sflag:s16] =	ssyncset.done $0x0  }
.Ltmp4:
0x1bb: {  	[sflag:s16] =	ssyncadd.s32 $0xFFFF0000;
	(pc) =	sbr.rel @p0 .LBB2_1-.Ltmp4, $4  }
0x1bc: {  	[hbm4b:s12+s1] =	stream.linear.scatter [tilespmem:s17], [sflag:$0x2], $0x10000, $0x38;
	[tilespmem:$0x10400] =	vst v63  }
0x1bd: {  	_ =	swait.ge [sflag:s14], $0x10000  }
0x1be: {  	[sflag:s14] =	ssyncset.done $0x0  }
0x1bf: {  	[sflag:s14] =	ssyncadd.s32 $0xFFFF0000  }
0x1c0: {  	_ =	sfence.sel $0x180000  }
0x1c1: {  	[bflag:$0x0] =	sbarrier.arrive $0xFFFF  }
0x1c2: {  	_ =	strace $0x90000047  }
0x1c3: {  	s0 =	stileid.u32;
	[bflag:$0x2] =	sbarrier.arrive $0xFFFF  }
0x1c4: {  	p0 =	sne.s32 s0, $0x0;
	s0 =	rddreg [dreg:$0x3]  }
0x1c5: {  	s0 =	sadd.s32 @!p0 $0x100000, s0  }
0x1c6: {  	[sflag:s0] =	ssyncadd.tile.s32 @!p0 $0x1;
	_ =	shalt  }
.Lfunc_end2:
_tile_overlayer_lowered:
.L_overlay_start_2:
0x1c7: {  	(tag) =	ssettag $0x2  }
0x1c8: {  	s0 =	rddreg [dreg:$0x0];
	s2 =	stileid.u32  }
0x1c9: {  	s1 =	rddreg [dreg:$0x1];
	p0 =	sne.s32 s2, $0x0  }
0x1ca: {  	s3 =	rddreg [dreg:$0x2];
	[bflag:$0x3] =	sbarrier.arrive $0xFFFF;
	s2 =	simm.s32 @!p0 $0x1C02  }
0x1cb: {  	[timem:s3], [sflag:s2] =	dma.local @!p0 [hbm:s0], s1  }
0x1cc: {  	s0 =	simm.s32 @!p0 $0x2  }
0x1cd: {  	_ =	swait.ge @!p0 [sflag:s0], s1  }
0x1ce: {  	s1 =	ssub.s32 @!p0 $0x0, s1;
	[sflag:s0] =	ssyncset.done @!p0 $0x0  }
0x1cf: {  	[sflag:s0] =	ssyncadd.s32 @!p0 s1  }
0x1d0: {  	[bflag:$0x3] =	sbarrier.arrive $0xFFFF  }
0x1d1: {  	_ =	shalt  }

</sc_bundles>
